<compile_context>
chip_gen: v7x
topology: tpu7x:2x2x1
jax: 0.10.2.dev20260603
libtpu: 0.0.44.dev20260713+nightly
codegen_flags: <defaults>
</compile_context>

<pallas_src>
import jax
import jax.numpy as jnp
from jax import lax
from jax.experimental import pallas as pl
from jax.experimental.pallas import tpu as pltpu
from jax.experimental.pallas import tpu_sc as plsc

N = 10000
E = 320000
D_IN = 128
HEADS = 8
C = 8
PER_HOP = 64

NC = 2
NS = 16
NW = NC * NS
BLK = 64
SBLK = 512
EW = 10240
EPAD = EW * NW
NP = 10112
RPT = NP // NS
TCHUNK = 512
TCAP = 10544

OW = 128
EECOL = 112

_ROWS_TC = 1000



def _tc_a_body(x_ref, w1_ref, ap1_ref, w2_ref, ap2_ref, t1_ref, t2_ref):
    x = x_ref[...]
    for w_ref, ap_ref, t_ref in ((w1_ref, ap1_ref, t1_ref),
                                 (w2_ref, ap2_ref, t2_ref)):
        h = jnp.dot(x, w_ref[...], preferred_element_type=jnp.float32)
        ab = jnp.dot(h, ap_ref[...], preferred_element_type=jnp.float32)
        t_ref[...] = jnp.concatenate([h, ab], axis=-1)


def _tc_a(x, W1, AP1, W2, AP2):
    grid = (N // _ROWS_TC,)
    rs = lambda w: pl.BlockSpec((_ROWS_TC, w), lambda i: (i, 0))
    full = lambda shape: pl.BlockSpec(shape, lambda i: (0, 0))
    return pl.pallas_call(
        _tc_a_body,
        grid=grid,
        in_specs=[rs(D_IN), full((D_IN, PER_HOP)), full((PER_HOP, PER_HOP)),
                  full((D_IN, PER_HOP)), full((PER_HOP, PER_HOP))],
        out_specs=[rs(128), rs(128)],
        out_shape=[
            jax.ShapeDtypeStruct((N, 128), jnp.float32),
            jax.ShapeDtypeStruct((N, 128), jnp.float32),
        ],
    )(x, W1, AP1, W2, AP2)



def _vgather(x, idx):
    return lax.gather(
        x, idx[:, None],
        lax.GatherDimensionNumbers(offset_dims=(), collapsed_slice_dims=(0,),
                                   start_index_map=(0,)),
        (1,), mode=lax.GatherScatterMode.PROMISE_IN_BOUNDS)


def _sc_body(srcp, dstp, tab1, tab2, zh,
             p1out, p2out, acc,
             tpack_v, tsrc_v, tdst_v,
             gsrcb_v, gdstb_v, idxb_v,
             hrows_a, hrows_b, adst_a, adst_b,
             semg_a, semg_b, sems_a, sems_b):
    cc = lax.axis_index("c")
    ss = lax.axis_index("s")
    wid = cc * NS + ss
    ebase = wid * EW
    rb = ss * RPT
    iota = lax.iota(jnp.int32, 16)
    zv = iota * 0

    def zero_acc():
        pltpu.sync_copy(zh, acc.at[pl.ds(rb, RPT)])

    def zloop(i, _):
        tpack_v[pl.ds(i * 16, 16)] = zv
        return 0

    lax.fori_loop(0, TCAP // 16, zloop, 0, unroll=4)

    def t_chunk(ci, cnt):
        def live(cnt):
            base = pl.multiple_of(ci * TCHUNK, TCHUNK)
            pltpu.sync_copy(srcp.at[pl.ds(base, TCHUNK)], tsrc_v)
            pltpu.sync_copy(dstp.at[pl.ds(base, TCHUNK)], tdst_v)

            def vstep(k, cnt):
                sv = tsrc_v[pl.ds(k * 16, 16)]
                dv = tdst_v[pl.ds(k * 16, 16)]
                m = sv != dv
                cs = plsc.cumsum(m.astype(jnp.int32))
                pos = jnp.where(m, cnt + cs - 1, (TCAP - 16) + iota)
                plsc.store_scatter(tpack_v, [pos], sv + (dv << 16))
                return cnt + cs[15]

            return lax.fori_loop(0, TCHUNK // 16, vstep, cnt)

        return lax.cond(cnt < N, live, lambda cnt: cnt, cnt)

    lax.fori_loop(0, EPAD // TCHUNK, t_chunk, 0)

    hrows = (hrows_a, hrows_b)
    adst = (adst_a, adst_b)
    semg = (semg_a, semg_b)
    sems = (sems_a, sems_b)
    NBLKS = SBLK // BLK

    def run_hop(tab, pout, is_hop2):
        def superblock(sb, _):
            base = pl.multiple_of(ebase + sb * SBLK, SBLK)
            pltpu.sync_copy(srcp.at[pl.ds(base, SBLK)], tsrc_v)
            pltpu.sync_copy(dstp.at[pl.ds(base, SBLK)], tdst_v)

            def prep(k, _):
                sv = tsrc_v[pl.ds(k * 16, 16)]
                dv = tdst_v[pl.ds(k * 16, 16)]
                keep = sv != dv
                if is_hop2:
                    tp = plsc.load_gather(tpack_v, [dv])
                    s2 = tp & 0xFFFF
                    d2 = lax.shift_right_logical(tp, 16)
                    keep = jnp.logical_and(keep, s2 != d2)
                    gs, gd = s2, d2
                else:
                    gs, gd = sv, dv
                j = k // (BLK // 16)
                o = (k % (BLK // 16)) * 16
                gsrcb_v[j, pl.ds(o, 16)] = gs
                gdstb_v[j, pl.ds(o, 16)] = gd
                idxb_v[j, pl.ds(o, 16)] = jnp.where(keep, gd, N)
                return 0

            lax.fori_loop(0, SBLK // 16, prep, 0)

            def fire_g(j, p):
                pltpu.async_copy(tab.at[gsrcb_v.at[j]], hrows[p], semg[p])
                pltpu.async_copy(tab.at[gdstb_v.at[j]], adst[p], semg[p])

            def drain_g(j, p):
                pltpu.make_async_copy(tab.at[gsrcb_v.at[j]], hrows[p], semg[p]).wait()
                pltpu.make_async_copy(tab.at[gdstb_v.at[j]], adst[p], semg[p]).wait()

            def fire_s(j, p):
                pltpu.async_copy(hrows[p], acc.at[idxb_v.at[j]], sems[p], add=True)

            def drain_s(j, p):
                pltpu.make_async_copy(hrows[p], acc.at[idxb_v.at[j]], sems[p]).wait()

            def compute(p):
                hb, ab = hrows[p], adst[p]

                @plsc.parallel_loop(0, BLK, unroll=8)
                def _(e):
                    asrc = hb[e, pl.ds(64, 16)]
                    adv = ab[e, pl.ds(64, 16)]
                    adr = _vgather(adv, (iota + 8) & 15)
                    sc = asrc + adr
                    sc = jnp.maximum(sc, 0.2 * sc)
                    ee = jnp.exp(sc)
                    hb[e, pl.ds(EECOL, 16)] = ee
                    for k in range(4):
                        hv = hb[e, pl.ds(k * 16, 16)]
                        hb[e, pl.ds(k * 16, 16)] = hv * _vgather(ee, iota // 8 + 2 * k)

            fire_g(0, 0)

            def pair_step(i, _):
                for p in range(2):
                    q = 1 - p
                    j = i * 2 + p
                    drain_g(j, p)

                    @pl.when(j >= 1)
                    def _():
                        drain_s(j - 1, q)

                    @pl.when(j + 1 < NBLKS)
                    def _():
                        fire_g(j + 1, q)

                    compute(p)
                    fire_s(j, p)
                return 0

            lax.fori_loop(0, NBLKS // 2, pair_step, 0)
            drain_s(NBLKS - 1, 1)
            return 0

        lax.fori_loop(0, EW // SBLK, superblock, 0)
        plsc.subcore_barrier()
        pltpu.sync_copy(acc.at[pl.ds(rb, RPT)], pout.at[cc, pl.ds(rb, RPT)])

    zero_acc()
    plsc.subcore_barrier()
    run_hop(tab1, p1out, False)
    zero_acc()
    plsc.subcore_barrier()
    run_hop(tab2, p2out, True)


def _sc_edge_passes(srcp, dstp, tab1, tab2, zh):
    mesh = plsc.VectorSubcoreMesh(core_axis_name="c", subcore_axis_name="s")
    f32, i32 = jnp.float32, jnp.int32
    kern = pl.kernel(
        _sc_body,
        out_type=[
            jax.ShapeDtypeStruct((NC, NP, OW), f32),
            jax.ShapeDtypeStruct((NC, NP, OW), f32),
        ],
        mesh=mesh,
        compiler_params=pltpu.CompilerParams(needs_layout_passes=False),
        scratch_types=[
            pltpu.VMEM_SHARED((NP, OW), f32),
            pltpu.VMEM((TCAP,), i32),
            pltpu.VMEM((TCHUNK,), i32),
            pltpu.VMEM((TCHUNK,), i32),
            pltpu.VMEM((SBLK // BLK, BLK), i32),
            pltpu.VMEM((SBLK // BLK, BLK), i32),
            pltpu.VMEM((SBLK // BLK, BLK), i32),
            pltpu.VMEM((BLK, 128), f32),
            pltpu.VMEM((BLK, 128), f32),
            pltpu.VMEM((BLK, 128), f32),
            pltpu.VMEM((BLK, 128), f32),
            pltpu.SemaphoreType.DMA,
            pltpu.SemaphoreType.DMA,
            pltpu.SemaphoreType.DMA,
            pltpu.SemaphoreType.DMA,
        ],
    )
    return kern(srcp, dstp, tab1, tab2, zh)



def _tc_e_body(x_ref, t1_ref, t2_ref, p1a_ref, p1b_ref, p2a_ref, p2b_ref,
               rep_ref, b1_ref, b2_ref, g_ref, bt_ref, o_ref):
    rep = rep_ref[...]

    def hop(t_ref, pa_ref, pb_ref, b_ref):
        t = t_ref[...]
        pa = pa_ref[...]
        pb = pb_ref[...]
        a = t[:, 64:72] + t[:, 72:80]
        w8 = jnp.exp(jnp.maximum(a, 0.2 * a))
        den8 = pa[:, EECOL:EECOL + 8] + pb[:, EECOL:EECOL + 8] + w8
        den64 = jnp.dot(den8, rep, preferred_element_type=jnp.float32)
        w64 = jnp.dot(w8, rep, preferred_element_type=jnp.float32)
        num = pa[:, :64] + pb[:, :64] + w64 * t[:, :64]
        return num / (den64 + 1e-16) + b_ref[...]

    y1 = hop(t1_ref, p1a_ref, p1b_ref, b1_ref)
    y2 = hop(t2_ref, p2a_ref, p2b_ref, b2_ref)
    r = jnp.concatenate([y1, y2], axis=-1) + x_ref[...]
    mu = jnp.mean(r, axis=-1, keepdims=True)
    var = jnp.mean((r - mu) ** 2, axis=-1, keepdims=True)
    o_ref[...] = (r - mu) * lax.rsqrt(var + 1e-5) * g_ref[...] + bt_ref[...]


def _tc_e(x, t1, t2, p1a, p1b, p2a, p2b, rep, b1, b2, g, bt):
    R = _ROWS_TC
    rs = lambda w: pl.BlockSpec((R, w), lambda i: (i, 0))
    full = lambda shape: pl.BlockSpec(shape, lambda i: (0, 0))
    return pl.pallas_call(
        _tc_e_body,
        grid=(N // R,),
        in_specs=[rs(128), rs(128), rs(128), rs(OW), rs(OW), rs(OW), rs(OW),
                  full((8, 64)), full((1, 64)), full((1, 64)),
                  full((1, 128)), full((1, 128))],
        out_specs=rs(128),
        out_shape=jax.ShapeDtypeStruct((N, D_IN), jnp.float32),
    )(x, t1, t2, p1a, p1b, p2a, p2b, rep, b1, b2, g, bt)



def kernel(x, edge_index, W1, att_src1, att_dst1, b1,
           W2, att_src2, att_dst2, b2, ln_gamma, ln_beta):
    f32, i32 = jnp.float32, jnp.int32
    rows = jnp.arange(PER_HOP, dtype=i32)

    def aproj(att_s, att_d):
        ap = jnp.zeros((PER_HOP, PER_HOP), f32)
        ap = ap.at[rows, rows // C].set(att_s.reshape(-1))
        ap = ap.at[rows, 8 + rows // C].set(att_d.reshape(-1))
        return ap

    AP1 = aproj(att_src1, att_dst1)
    AP2 = aproj(att_src2, att_dst2)

    tab1, tab2 = _tc_a(x, W1, AP1, W2, AP2)

    pad = jnp.zeros((EPAD - E,), i32)
    srcp = jnp.concatenate([edge_index[0], pad])
    dstp = jnp.concatenate([edge_index[1], pad])
    zh = jnp.zeros((RPT, OW), f32)

    p1, p2 = _sc_edge_passes(srcp, dstp, tab1, tab2, zh)

    rep = (rows[None, :] // C == jnp.arange(8, dtype=i32)[:, None]).astype(f32)
    return _tc_e(x, tab1, tab2,
                 p1[0, :N], p1[1, :N], p2[0, :N], p2[1, :N],
                 rep, b1.reshape(1, -1), b2.reshape(1, -1),
                 ln_gamma.reshape(1, -1), ln_beta.reshape(1, -1))

# --- scband reference (transcript-rebuilt; emitter-appended) ---
"""Pipeline reference for scband-multi-hop-res-gatlayer-40785009443442 (READ-ONLY COPY).

The authoritative reference and input builder live on the scoring server;
editing this copy changes nothing except your own understanding.
"""

import jax, jax.numpy as jnp
import numpy as np

N = 10000
E = 320000
D_IN = 128
D_OUT = 128
HEADS = 8
NUM_HOPS = 2
PER_HOP = D_OUT // NUM_HOPS
C = PER_HOP // HEADS


def _add_self_loops(ei, n):
    loop = jnp.arange(n, dtype=ei.dtype)
    return jnp.concatenate([ei, jnp.stack([loop, loop])], axis=1)


def _next_hop_edges(ei, n):
    row, col = ei[0], ei[1]
    e = row.shape[0]
    mask = row != col
    pos = jnp.cumsum(mask) - 1
    idx = jnp.where(mask, pos, e)
    row_c = jnp.zeros((e,), dtype=ei.dtype).at[idx].set(row)
    col_c = jnp.zeros((e,), dtype=ei.dtype).at[idx].set(col)
    valid = jnp.arange(e) < mask.sum()
    nxt = jnp.stack([row_c[col_c], col_c[col_c]])
    ei2 = _add_self_loops(nxt, n)
    valid = jnp.concatenate([valid, jnp.ones((n,), dtype=bool)])
    return ei2, valid


def _gat_core(x, ei, keep, W, a_src_w, a_dst_w, b, n):
    src, dst = ei[0], ei[1]
    h = (x @ W).reshape(n, HEADS, C)
    a_src = (h * a_src_w[None]).sum(-1)
    a_dst = (h * a_dst_w[None]).sum(-1)
    e = jax.nn.leaky_relu(a_src[src] + a_dst[dst], 0.2)
    e = jnp.where(keep[:, None], e, -jnp.inf)
    emax = jax.lax.stop_gradient(jax.ops.segment_max(e, dst, num_segments=n))
    emax = jnp.where(jnp.isfinite(emax), emax, 0.0)
    ee = jnp.exp(e - emax[dst])
    denom = jax.ops.segment_sum(ee, dst, num_segments=n)
    alpha = ee / (denom[dst] + 1e-16)
    out = jax.ops.segment_sum(alpha[:, :, None] * h[src], dst, num_segments=n)
    return out.reshape(n, HEADS * C) + b


def _gat_conv(x, ei, W, a_src_w, a_dst_w, b, n, valid=None):
    keep = ei[0] != ei[1]
    if valid is not None:
        keep = keep & valid
    ei = _add_self_loops(ei, n)
    keep = jnp.concatenate([keep, jnp.ones((n,), dtype=bool)])
    return _gat_core(x, ei, keep, W, a_src_w, a_dst_w, b, n)


def _layer_norm(x, g, b, eps=1e-5):
    mu = x.mean(-1, keepdims=True)
    var = ((x - mu) ** 2).mean(-1, keepdims=True)
    return (x - mu) / jnp.sqrt(var + eps) * g + b


def setup_inputs(seed: int = 0):
    key = jax.random.key(seed)
    ks = jax.random.split(key, 12)
    s = 1.0 / np.sqrt(D_IN)
    return {
        "x": jax.random.normal(ks[0], (N, D_IN), dtype=jnp.float32),
        "edge_index": jax.random.randint(ks[1], (2, E), 0, N, dtype=jnp.int32),
        "W1": jax.random.normal(ks[2], (D_IN, PER_HOP), dtype=jnp.float32) * s,
        "att_src1": jax.random.normal(ks[3], (HEADS, C), dtype=jnp.float32) * 0.1,
        "att_dst1": jax.random.normal(ks[4], (HEADS, C), dtype=jnp.float32) * 0.1,
        "b1": jnp.zeros((PER_HOP,), dtype=jnp.float32),
        "W2": jax.random.normal(ks[5], (D_IN, PER_HOP), dtype=jnp.float32) * s,
        "att_src2": jax.random.normal(ks[6], (HEADS, C), dtype=jnp.float32) * 0.1,
        "att_dst2": jax.random.normal(ks[7], (HEADS, C), dtype=jnp.float32) * 0.1,
        "b2": jnp.zeros((PER_HOP,), dtype=jnp.float32),
        "ln_gamma": jnp.ones((D_OUT,), dtype=jnp.float32),
        "ln_beta": jnp.zeros((D_OUT,), dtype=jnp.float32),
    }


def reference(x, edge_index, W1, att_src1, att_dst1, b1, W2, att_src2, att_dst2, b2, ln_gamma, ln_beta):
    h1 = _gat_conv(x, edge_index, W1, att_src1, att_dst1, b1, N)
    ei2, valid2 = _next_hop_edges(edge_index, N)
    h2 = _gat_conv(x, ei2, W2, att_src2, att_dst2, b2, N, valid2)
    out = jnp.concatenate([h1, h2], axis=-1)
    out = out + x
    return _layer_norm(out, ln_gamma, ln_beta)

if __name__ == "__main__":
    import jax
    _d = setup_inputs()
    print(jax.jit(kernel)(*tuple(_d.values())))

</pallas_src>

<mosaic_0001>
#map = affine_map<(d0, d1) -> (0)>
#map1 = affine_map<(d0, d1) -> (0, 0)>
#map2 = affine_map<(d0, d1) -> (0, 0, 0)>
module attributes {stable_mosaic.version = 14 : i64} {
  func.func @_sc_body(%arg0: i32, %arg1: i32, %arg2: memref<327680xi32, #tpu.memory_space<hbm>>, %arg3: memref<327680xi32, #tpu.memory_space<hbm>>, %arg4: memref<10000x128xf32, #tpu.memory_space<hbm>>, %arg5: memref<10000x128xf32, #tpu.memory_space<hbm>>, %arg6: memref<632x128xf32, #tpu.memory_space<hbm>>, %arg7: memref<2x10112x128xf32, #tpu.memory_space<hbm>>, %arg8: memref<2x10112x128xf32, #tpu.memory_space<hbm>>, %arg9: memref<10112x128xf32, #tpu.memory_space<vmem_shared>>, %arg10: memref<10544xi32, #tpu.memory_space<vmem>>, %arg11: memref<512xi32, #tpu.memory_space<vmem>>, %arg12: memref<512xi32, #tpu.memory_space<vmem>>, %arg13: memref<8x64xi32, #tpu.memory_space<vmem>>, %arg14: memref<8x64xi32, #tpu.memory_space<vmem>>, %arg15: memref<8x64xi32, #tpu.memory_space<vmem>>, %arg16: memref<64x128xf32, #tpu.memory_space<vmem>>, %arg17: memref<64x128xf32, #tpu.memory_space<vmem>>, %arg18: memref<64x128xf32, #tpu.memory_space<vmem>>, %arg19: memref<64x128xf32, #tpu.memory_space<vmem>>, %arg20: memref<!tpu.dma_semaphore, #tpu.memory_space<semaphore_mem>>, %arg21: memref<!tpu.dma_semaphore, #tpu.memory_space<semaphore_mem>>, %arg22: memref<!tpu.dma_semaphore, #tpu.memory_space<semaphore_mem>>, %arg23: memref<!tpu.dma_semaphore, #tpu.memory_space<semaphore_mem>>) attributes {dimension_semantics = [#tpu.dimension_semantics<core_parallel>, #tpu.dimension_semantics<subcore_parallel>], iteration_bounds = array<i64: 2, 16>, scalar_prefetch = 0 : i64, scratch_operands = 15 : i64, tpu.core_type = #tpu.core_type<sc_vector_subcore>, window_params = [{transform_indices = #map}, {transform_indices = #map}, {transform_indices = #map1}, {transform_indices = #map1}, {transform_indices = #map1}, {transform_indices = #map2}, {transform_indices = #map2}]} {
    %mul3A = arith.constant 16 : i32
    %mul3A_0 = arith.muli %arg0, %mul3A : i32
    %add3A = arith.addi %mul3A_0, %arg1 : i32
    %mul3A_1 = arith.constant 10240 : i32
    %mul3A_2 = arith.muli %add3A, %mul3A_1 : i32
    %mul3A_3 = arith.constant 632 : i32
    %mul3A_4 = arith.muli %arg1, %mul3A_3 : i32
    %iota3A = tpu.iota {dimensions = array<i32: 0>} : vector<16xi32>
    %mul3A_5 = arith.constant 0 : i32
    %mul3A_6 = vector.broadcast %mul3A_5 : i32 to vector<16xi32>
    %mul3A_7 = arith.muli %iota3A, %mul3A_6 : vector<16xi32>
    %scan3A = arith.constant 0 : i32
    %scan3A_8 = arith.constant 0 : i32
    %scan3A_9 = arith.constant 656 : i32
    %scan3A_10 = arith.addi %scan3A_8, %scan3A_9 : i32
    %scan3A_11 = arith.constant 4 : i32
    %scan3A_12 = scf.for %scan3A_58 = %scan3A_8 to %scan3A_10 step %scan3A_11 iter_args(%scan3A_59 = %scan3A) -> (i32)  : i32 {
      %mul3A_60 = arith.constant 16 : i32
      %mul3A_61 = arith.muli %scan3A_58, %mul3A_60 : i32
      %swap3A_62 = arith.index_cast %mul3A_61 : i32 to index
      %swap3A_63 = tpu.vector_load %arg10[%swap3A_62] {strides = array<i32>} : memref<10544xi32, #tpu.memory_space<vmem>>, vector<16xi32>,
      tpu.vector_store %arg10[%swap3A_62], %mul3A_7 {strides = array<i32>} : memref<10544xi32, #tpu.memory_space<vmem>>, vector<16xi32>,
      %scan3A_64 = arith.constant 0 : i32
      %scan3A_65 = arith.constant 1 : i32
      %scan3A_66 = arith.addi %scan3A_58, %scan3A_65 : i32
      %mul3A_67 = arith.constant 16 : i32
      %mul3A_68 = arith.muli %scan3A_66, %mul3A_67 : i32
      %swap3A_69 = arith.index_cast %mul3A_68 : i32 to index
      %swap3A_70 = tpu.vector_load %arg10[%swap3A_69] {strides = array<i32>} : memref<10544xi32, #tpu.memory_space<vmem>>, vector<16xi32>,
      tpu.vector_store %arg10[%swap3A_69], %mul3A_7 {strides = array<i32>} : memref<10544xi32, #tpu.memory_space<vmem>>, vector<16xi32>,
      %scan3A_71 = arith.constant 0 : i32
      %scan3A_72 = arith.constant 2 : i32
      %scan3A_73 = arith.addi %scan3A_58, %scan3A_72 : i32
      %mul3A_74 = arith.constant 16 : i32
      %mul3A_75 = arith.muli %scan3A_73, %mul3A_74 : i32
      %swap3A_76 = arith.index_cast %mul3A_75 : i32 to index
      %swap3A_77 = tpu.vector_load %arg10[%swap3A_76] {strides = array<i32>} : memref<10544xi32, #tpu.memory_space<vmem>>, vector<16xi32>,
      tpu.vector_store %arg10[%swap3A_76], %mul3A_7 {strides = array<i32>} : memref<10544xi32, #tpu.memory_space<vmem>>, vector<16xi32>,
      %scan3A_78 = arith.constant 0 : i32
      %scan3A_79 = arith.constant 3 : i32
      %scan3A_80 = arith.addi %scan3A_58, %scan3A_79 : i32
      %mul3A_81 = arith.constant 16 : i32
      %mul3A_82 = arith.muli %scan3A_80, %mul3A_81 : i32
      %swap3A_83 = arith.index_cast %mul3A_82 : i32 to index
      %swap3A_84 = tpu.vector_load %arg10[%swap3A_83] {strides = array<i32>} : memref<10544xi32, #tpu.memory_space<vmem>>, vector<16xi32>,
      tpu.vector_store %arg10[%swap3A_83], %mul3A_7 {strides = array<i32>} : memref<10544xi32, #tpu.memory_space<vmem>>, vector<16xi32>,
      %scan3A_85 = arith.constant 0 : i32
      scf.yield %scan3A_85 : i32
    }
    %scan3A_13 = arith.constant 656 : i32
    %scan3A_14 = arith.addi %scan3A_8, %scan3A_13 : i32
    %mul3A_15 = arith.constant 16 : i32
    %mul3A_16 = arith.muli %scan3A_14, %mul3A_15 : i32
    %swap3A = arith.index_cast %mul3A_16 : i32 to index
    %swap3A_17 = tpu.vector_load %arg10[%swap3A] {strides = array<i32>} : memref<10544xi32, #tpu.memory_space<vmem>>, vector<16xi32>,
    tpu.vector_store %arg10[%swap3A], %mul3A_7 {strides = array<i32>} : memref<10544xi32, #tpu.memory_space<vmem>>, vector<16xi32>,
    %scan3A_18 = arith.constant 0 : i32
    %scan3A_19 = arith.constant 657 : i32
    %scan3A_20 = arith.addi %scan3A_8, %scan3A_19 : i32
    %mul3A_21 = arith.constant 16 : i32
    %mul3A_22 = arith.muli %scan3A_20, %mul3A_21 : i32
    %swap3A_23 = arith.index_cast %mul3A_22 : i32 to index
    %swap3A_24 = tpu.vector_load %arg10[%swap3A_23] {strides = array<i32>} : memref<10544xi32, #tpu.memory_space<vmem>>, vector<16xi32>,
    tpu.vector_store %arg10[%swap3A_23], %mul3A_7 {strides = array<i32>} : memref<10544xi32, #tpu.memory_space<vmem>>, vector<16xi32>,
    %scan3A_25 = arith.constant 0 : i32
    %scan3A_26 = arith.constant 658 : i32
    %scan3A_27 = arith.addi %scan3A_8, %scan3A_26 : i32
    %mul3A_28 = arith.constant 16 : i32
    %mul3A_29 = arith.muli %scan3A_27, %mul3A_28 : i32
    %swap3A_30 = arith.index_cast %mul3A_29 : i32 to index
    %swap3A_31 = tpu.vector_load %arg10[%swap3A_30] {strides = array<i32>} : memref<10544xi32, #tpu.memory_space<vmem>>, vector<16xi32>,
    tpu.vector_store %arg10[%swap3A_30], %mul3A_7 {strides = array<i32>} : memref<10544xi32, #tpu.memory_space<vmem>>, vector<16xi32>,
    %scan3A_32 = arith.constant 0 : i32
    %scan3A_33 = arith.constant 659 : i32
    %scan3A_34 = arith.constant 0 : i32
    %scan3A_35 = arith.constant 0 : i32
    %scan3A_36 = arith.constant 640 : i32
    %scan3A_37 = arith.addi %scan3A_35, %scan3A_36 : i32
    %scan3A_38 = arith.constant 1 : i32
    %scan3A_39 = scf.for %scan3A_58 = %scan3A_35 to %scan3A_37 step %scan3A_38 iter_args(%scan3A_59 = %scan3A_34) -> (i32)  : i32 {
      %lt3A = arith.constant 10000 : i32
      %lt3A_60 = arith.cmpi slt, %scan3A_59, %lt3A : i32
      %convert_element_type3A = arith.extui %lt3A_60 : i1 to i32
      %cond3A = arith.constant 0 : i32
      %cond3A_61 = arith.cmpi ne, %convert_element_type3A, %cond3A : i32
      %cond3A_62 = scf.if %cond3A_61 -> (i32) {
        %mul3A_63 = arith.constant 512 : i32
        %mul3A_64 = arith.muli %scan3A_58, %mul3A_63 : i32
        %multiple_of3A = tpu.assume_multiple %mul3A_64, 512 : i32
        "tpu.region"() ({
          %run_scoped3A = tpu.sem_alloc : memref<!tpu.dma_semaphore, #tpu.memory_space<semaphore_mem>>
          %dma_start3A = tpu.memref_slice %arg2[%multiple_of3A] : memref<327680xi32, #tpu.memory_space<hbm>> -> memref<512xi32, #tpu.memory_space<hbm>>
          %dma_start3A_71 = tpu.memref_slice %arg2[%multiple_of3A] : memref<327680xi32, #tpu.memory_space<hbm>> -> memref<512xi32, #tpu.memory_space<hbm>>
          tpu.enqueue_dma source(%dma_start3A_71 : memref<512xi32, #tpu.memory_space<hbm>>) target(%arg11 : memref<512xi32, #tpu.memory_space<vmem>>) target_semaphore(%run_scoped3A : memref<!tpu.dma_semaphore, #tpu.memory_space<semaphore_mem>>)
          %dma_wait3A = tpu.memref_slice %arg2[%multiple_of3A] : memref<327680xi32, #tpu.memory_space<hbm>> -> memref<512xi32, #tpu.memory_space<hbm>>
          %dma_wait3A_72 = tpu.memref_slice %arg2[%multiple_of3A] : memref<327680xi32, #tpu.memory_space<hbm>> -> memref<512xi32, #tpu.memory_space<hbm>>
          tpu.wait_dma2 semaphore(%run_scoped3A : memref<!tpu.dma_semaphore, #tpu.memory_space<semaphore_mem>>) src(%dma_wait3A_72 : memref<512xi32, #tpu.memory_space<hbm>>) dst(%arg11 : memref<512xi32, #tpu.memory_space<vmem>>)
          tpu.yield
        }) : () -> ()
        "tpu.region"() ({
          %run_scoped3A = tpu.sem_alloc : memref<!tpu.dma_semaphore, #tpu.memory_space<semaphore_mem>>
          %dma_start3A = tpu.memref_slice %arg3[%multiple_of3A] : memref<327680xi32, #tpu.memory_space<hbm>> -> memref<512xi32, #tpu.memory_space<hbm>>
          %dma_start3A_71 = tpu.memref_slice %arg3[%multiple_of3A] : memref<327680xi32, #tpu.memory_space<hbm>> -> memref<512xi32, #tpu.memory_space<hbm>>
          tpu.enqueue_dma source(%dma_start3A_71 : memref<512xi32, #tpu.memory_space<hbm>>) target(%arg12 : memref<512xi32, #tpu.memory_space<vmem>>) target_semaphore(%run_scoped3A : memref<!tpu.dma_semaphore, #tpu.memory_space<semaphore_mem>>)
          %dma_wait3A = tpu.memref_slice %arg3[%multiple_of3A] : memref<327680xi32, #tpu.memory_space<hbm>> -> memref<512xi32, #tpu.memory_space<hbm>>
          %dma_wait3A_72 = tpu.memref_slice %arg3[%multiple_of3A] : memref<327680xi32, #tpu.memory_space<hbm>> -> memref<512xi32, #tpu.memory_space<hbm>>
          tpu.wait_dma2 semaphore(%run_scoped3A : memref<!tpu.dma_semaphore, #tpu.memory_space<semaphore_mem>>) src(%dma_wait3A_72 : memref<512xi32, #tpu.memory_space<hbm>>) dst(%arg12 : memref<512xi32, #tpu.memory_space<vmem>>)
          tpu.yield
        }) : () -> ()
        %scan3A_65 = arith.constant 0 : i32
        %scan3A_66 = arith.constant 32 : i32
        %scan3A_67 = arith.addi %scan3A_65, %scan3A_66 : i32
        %scan3A_68 = arith.constant 1 : i32
        %scan3A_69 = scf.for %scan3A_71 = %scan3A_65 to %scan3A_67 step %scan3A_68 iter_args(%scan3A_72 = %scan3A_59) -> (i32)  : i32 {
          %mul3A_73 = arith.constant 16 : i32
          %mul3A_74 = arith.muli %scan3A_71, %mul3A_73 : i32
          %get3A = arith.index_cast %mul3A_74 : i32 to index
          %get3A_75 = tpu.vector_load %arg11[%get3A] {strides = array<i32>} : memref<512xi32, #tpu.memory_space<vmem>>, vector<16xi32>,
          %mul3A_76 = arith.constant 16 : i32
          %mul3A_77 = arith.muli %scan3A_71, %mul3A_76 : i32
          %get3A_78 = arith.index_cast %mul3A_77 : i32 to index
          %get3A_79 = tpu.vector_load %arg12[%get3A_78] {strides = array<i32>} : memref<512xi32, #tpu.memory_space<vmem>>, vector<16xi32>,
          %ne3A = arith.cmpi ne, %get3A_75, %get3A_79 : vector<16xi32>
          %convert_element_type3A_80 = arith.extui %ne3A : vector<16xi1> to vector<16xi32>
          %broadcast_in_dim3A = arith.constant true
          %broadcast_in_dim3A_81 = vector.broadcast %broadcast_in_dim3A : i1 to vector<16xi1>
          %masked_cumsum3A = tpu.scan <sum>, %convert_element_type3A_80 masked %broadcast_in_dim3A_81 : vector<16xi32>, vector<16xi1> -> vector<16xi32>
          %add3A_82 = vector.broadcast %scan3A_72 : i32 to vector<16xi32>
          %add3A_83 = arith.addi %add3A_82, %masked_cumsum3A : vector<16xi32>
          %sub3A = arith.constant 1 : i32
          %sub3A_84 = vector.broadcast %sub3A : i32 to vector<16xi32>
          %sub3A_85 = arith.subi %add3A_83, %sub3A_84 : vector<16xi32>
          %add3A_86 = arith.constant 10528 : i32
          %add3A_87 = vector.broadcast %add3A_86 : i32 to vector<16xi32>
          %add3A_88 = arith.addi %add3A_87, %iota3A : vector<16xi32>
          %select_n3A = arith.select %ne3A, %sub3A_85, %add3A_88 : vector<16xi1>, vector<16xi32>
          %shift_left3A = arith.constant 16 : i32
          %shift_left3A_89 = vector.broadcast %shift_left3A : i32 to vector<16xi32>
          %shift_left3A_90 = arith.shli %get3A_79, %shift_left3A_89 : vector<16xi32>
          %add3A_91 = arith.addi %get3A_75, %shift_left3A_90 : vector<16xi32>
          tpu.vector_store_idx %arg10[%select_n3A], %add3A_91 : memref<10544xi32, #tpu.memory_space<vmem>>[vector<16xi32>], vector<16xi32>,
          %slice3A = vector.extract_strided_slice %masked_cumsum3A {offsets = [15], sizes = [1], strides = [1]} : vector<16xi32> to vector<1xi32>
          %squeeze3A = vector.extract %slice3A[0] : i32 from vector<1xi32>
          %add3A_92 = arith.addi %scan3A_72, %squeeze3A : i32
          scf.yield %add3A_92 : i32
        }
        %scan3A_70 = arith.constant 32 : i32
        scf.yield %scan3A_69 : i32
      } else {
        scf.yield %scan3A_59 : i32
      }
      scf.yield %cond3A_62 : i32
    }
    %scan3A_40 = arith.constant 640 : i32
    "tpu.region"() ({
      %run_scoped3A = tpu.sem_alloc : memref<!tpu.dma_semaphore, #tpu.memory_space<semaphore_mem>>
      %dma_start3A = arith.constant 0 : i32
      %dma_start3A_58 = tpu.memref_slice %arg9[%mul3A_4, %dma_start3A] : memref<10112x128xf32, #tpu.memory_space<vmem_shared>> -> memref<632x128xf32, #tpu.memory_space<vmem_shared>>
      tpu.enqueue_dma source(%arg6 : memref<632x128xf32, #tpu.memory_space<hbm>>) target(%dma_start3A_58 : memref<632x128xf32, #tpu.memory_space<vmem_shared>>) target_semaphore(%run_scoped3A : memref<!tpu.dma_semaphore, #tpu.memory_space<semaphore_mem>>)
      %dma_wait3A = arith.constant 0 : i32
      %dma_wait3A_59 = tpu.memref_slice %arg9[%mul3A_4, %dma_wait3A] : memref<10112x128xf32, #tpu.memory_space<vmem_shared>> -> memref<632x128xf32, #tpu.memory_space<vmem_shared>>
      tpu.wait_dma2 semaphore(%run_scoped3A : memref<!tpu.dma_semaphore, #tpu.memory_space<semaphore_mem>>) src(%arg6 : memref<632x128xf32, #tpu.memory_space<hbm>>) dst(%dma_wait3A_59 : memref<632x128xf32, #tpu.memory_space<vmem_shared>>)
      tpu.yield
    }) : () -> ()
    %barrier3A = arith.constant 0 : index
    tpu.barrier barrier_id(%barrier3A)
    %scan3A_41 = arith.constant 0 : i32
    %scan3A_42 = arith.constant 0 : i32
    %scan3A_43 = arith.constant 20 : i32
    %scan3A_44 = arith.addi %scan3A_42, %scan3A_43 : i32
    %scan3A_45 = arith.constant 1 : i32
    %scan3A_46 = scf.for %scan3A_58 = %scan3A_42 to %scan3A_44 step %scan3A_45 iter_args(%scan3A_59 = %scan3A_41) -> (i32)  : i32 {
      %mul3A_60 = arith.constant 512 : i32
      %mul3A_61 = arith.muli %scan3A_58, %mul3A_60 : i32
      %add3A_62 = arith.addi %mul3A_2, %mul3A_61 : i32
      %multiple_of3A = tpu.assume_multiple %add3A_62, 512 : i32
      "tpu.region"() ({
        %run_scoped3A = tpu.sem_alloc : memref<!tpu.dma_semaphore, #tpu.memory_space<semaphore_mem>>
        %dma_start3A_97 = tpu.memref_slice %arg2[%multiple_of3A] : memref<327680xi32, #tpu.memory_space<hbm>> -> memref<512xi32, #tpu.memory_space<hbm>>
        %dma_start3A_98 = tpu.memref_slice %arg2[%multiple_of3A] : memref<327680xi32, #tpu.memory_space<hbm>> -> memref<512xi32, #tpu.memory_space<hbm>>
        tpu.enqueue_dma source(%dma_start3A_98 : memref<512xi32, #tpu.memory_space<hbm>>) target(%arg11 : memref<512xi32, #tpu.memory_space<vmem>>) target_semaphore(%run_scoped3A : memref<!tpu.dma_semaphore, #tpu.memory_space<semaphore_mem>>)
        %dma_wait3A_99 = tpu.memref_slice %arg2[%multiple_of3A] : memref<327680xi32, #tpu.memory_space<hbm>> -> memref<512xi32, #tpu.memory_space<hbm>>
        %dma_wait3A_100 = tpu.memref_slice %arg2[%multiple_of3A] : memref<327680xi32, #tpu.memory_space<hbm>> -> memref<512xi32, #tpu.memory_space<hbm>>
        tpu.wait_dma2 semaphore(%run_scoped3A : memref<!tpu.dma_semaphore, #tpu.memory_space<semaphore_mem>>) src(%dma_wait3A_100 : memref<512xi32, #tpu.memory_space<hbm>>) dst(%arg11 : memref<512xi32, #tpu.memory_space<vmem>>)
        tpu.yield
      }) : () -> ()
      "tpu.region"() ({
        %run_scoped3A = tpu.sem_alloc : memref<!tpu.dma_semaphore, #tpu.memory_space<semaphore_mem>>
        %dma_start3A_97 = tpu.memref_slice %arg3[%multiple_of3A] : memref<327680xi32, #tpu.memory_space<hbm>> -> memref<512xi32, #tpu.memory_space<hbm>>
        %dma_start3A_98 = tpu.memref_slice %arg3[%multiple_of3A] : memref<327680xi32, #tpu.memory_space<hbm>> -> memref<512xi32, #tpu.memory_space<hbm>>
        tpu.enqueue_dma source(%dma_start3A_98 : memref<512xi32, #tpu.memory_space<hbm>>) target(%arg12 : memref<512xi32, #tpu.memory_space<vmem>>) target_semaphore(%run_scoped3A : memref<!tpu.dma_semaphore, #tpu.memory_space<semaphore_mem>>)
        %dma_wait3A_99 = tpu.memref_slice %arg3[%multiple_of3A] : memref<327680xi32, #tpu.memory_space<hbm>> -> memref<512xi32, #tpu.memory_space<hbm>>
        %dma_wait3A_100 = tpu.memref_slice %arg3[%multiple_of3A] : memref<327680xi32, #tpu.memory_space<hbm>> -> memref<512xi32, #tpu.memory_space<hbm>>
        tpu.wait_dma2 semaphore(%run_scoped3A : memref<!tpu.dma_semaphore, #tpu.memory_space<semaphore_mem>>) src(%dma_wait3A_100 : memref<512xi32, #tpu.memory_space<hbm>>) dst(%arg12 : memref<512xi32, #tpu.memory_space<vmem>>)
        tpu.yield
      }) : () -> ()
      %scan3A_63 = arith.constant 0 : i32
      %scan3A_64 = arith.constant 0 : i32
      %scan3A_65 = arith.constant 32 : i32
      %scan3A_66 = arith.addi %scan3A_64, %scan3A_65 : i32
      %scan3A_67 = arith.constant 1 : i32
      %scan3A_68 = scf.for %scan3A_97 = %scan3A_64 to %scan3A_66 step %scan3A_67 iter_args(%scan3A_98 = %scan3A_63) -> (i32)  : i32 {
        %mul3A_99 = arith.constant 16 : i32
        %mul3A_100 = arith.muli %scan3A_97, %mul3A_99 : i32
        %get3A = arith.index_cast %mul3A_100 : i32 to index
        %get3A_101 = tpu.vector_load %arg11[%get3A] {strides = array<i32>} : memref<512xi32, #tpu.memory_space<vmem>>, vector<16xi32>,
        %mul3A_102 = arith.constant 16 : i32
        %mul3A_103 = arith.muli %scan3A_97, %mul3A_102 : i32
        %get3A_104 = arith.index_cast %mul3A_103 : i32 to index
        %get3A_105 = tpu.vector_load %arg12[%get3A_104] {strides = array<i32>} : memref<512xi32, #tpu.memory_space<vmem>>, vector<16xi32>,
        %ne3A = arith.cmpi ne, %get3A_101, %get3A_105 : vector<16xi32>
        %jit3A = arith.constant 4 : i32
        %div3A = arith.divsi %scan3A_97, %jit3A : i32
        %sign3A = arith.constant 0 : i32
        %sign3A_106 = arith.cmpi sgt, %scan3A_97, %sign3A : i32
        %sign3A_107 = arith.extui %sign3A_106 : i1 to i32
        %sign3A_108 = arith.constant 0 : i32
        %sign3A_109 = arith.cmpi slt, %scan3A_97, %sign3A_108 : i32
        %sign3A_110 = arith.extui %sign3A_109 : i1 to i32
        %sign3A_111 = arith.subi %sign3A_107, %sign3A_110 : i32
        %sign3A_112 = arith.constant 0 : i32
        %sign3A_113 = arith.cmpi sgt, %jit3A, %sign3A_112 : i32
        %sign3A_114 = arith.extui %sign3A_113 : i1 to i32
        %sign3A_115 = arith.constant 0 : i32
        %sign3A_116 = arith.cmpi slt, %jit3A, %sign3A_115 : i32
        %sign3A_117 = arith.extui %sign3A_116 : i1 to i32
        %sign3A_118 = arith.subi %sign3A_114, %sign3A_117 : i32
        %ne3A_119 = arith.cmpi ne, %sign3A_111, %sign3A_118 : i32
        %rem3A = arith.remsi %scan3A_97, %jit3A : i32
        %ne3A_120 = arith.constant 0 : i32
        %ne3A_121 = arith.cmpi ne, %rem3A, %ne3A_120 : i32
        %and3A = arith.andi %ne3A_119, %ne3A_121 : i1
        %sub3A = arith.constant 1 : i32
        %sub3A_122 = arith.subi %div3A, %sub3A : i32
        %select_n3A = arith.select %and3A, %sub3A_122, %div3A : i32
        %jit3A_123 = arith.constant 4 : i32
        %eq3A = arith.constant 0 : i32
        %eq3A_124 = arith.cmpi eq, %jit3A_123, %eq3A : i32
        %jit3A_125 = arith.constant 1 : i32
        %select_n3A_126 = arith.select %eq3A_124, %jit3A_125, %jit3A_123 : i32
        %rem3A_127 = arith.remsi %scan3A_97, %select_n3A_126 : i32
        %ne3A_128 = arith.constant 0 : i32
        %ne3A_129 = arith.cmpi ne, %rem3A_127, %ne3A_128 : i32
        %lt3A = arith.constant 0 : i32
        %lt3A_130 = arith.cmpi slt, %rem3A_127, %lt3A : i32
        %lt3A_131 = arith.constant 0 : i32
        %lt3A_132 = arith.cmpi slt, %select_n3A_126, %lt3A_131 : i32
        %ne3A_133 = arith.xori %lt3A_130, %lt3A_132 : i1
        %and3A_134 = arith.andi %ne3A_133, %ne3A_129 : i1
        %add3A_135 = arith.addi %rem3A_127, %select_n3A_126 : i32
        %select_n3A_136 = arith.select %and3A_134, %add3A_135, %rem3A_127 : i32
        %mul3A_137 = arith.constant 16 : i32
        %mul3A_138 = arith.muli %select_n3A_136, %mul3A_137 : i32
        %swap3A_139 = arith.index_cast %select_n3A : i32 to index
        %swap3A_140 = arith.index_cast %mul3A_138 : i32 to index
        %swap3A_141 = tpu.vector_load %arg13[%swap3A_139, %swap3A_140] {strides = array<i32>} : memref<8x64xi32, #tpu.memory_space<vmem>>, vector<16xi32>,
        tpu.vector_store %arg13[%swap3A_139, %swap3A_140], %get3A_101 {strides = array<i32>} : memref<8x64xi32, #tpu.memory_space<vmem>>, vector<16xi32>,
        %swap3A_142 = arith.index_cast %select_n3A : i32 to index
        %swap3A_143 = arith.index_cast %mul3A_138 : i32 to index
        %swap3A_144 = tpu.vector_load %arg14[%swap3A_142, %swap3A_143] {strides = array<i32>} : memref<8x64xi32, #tpu.memory_space<vmem>>, vector<16xi32>,
        tpu.vector_store %arg14[%swap3A_142, %swap3A_143], %get3A_105 {strides = array<i32>} : memref<8x64xi32, #tpu.memory_space<vmem>>, vector<16xi32>,
        %jit3A_145 = arith.constant 10000 : i32
        %broadcast_in_dim3A = vector.broadcast %jit3A_145 : i32 to vector<16xi32>
        %select_n3A_146 = arith.select %ne3A, %get3A_105, %broadcast_in_dim3A : vector<16xi1>, vector<16xi32>
        %swap3A_147 = arith.index_cast %select_n3A : i32 to index
        %swap3A_148 = arith.index_cast %mul3A_138 : i32 to index
        %swap3A_149 = tpu.vector_load %arg15[%swap3A_147, %swap3A_148] {strides = array<i32>} : memref<8x64xi32, #tpu.memory_space<vmem>>, vector<16xi32>,
        tpu.vector_store %arg15[%swap3A_147, %swap3A_148], %select_n3A_146 {strides = array<i32>} : memref<8x64xi32, #tpu.memory_space<vmem>>, vector<16xi32>,
        %scan3A_150 = arith.constant 0 : i32
        scf.yield %scan3A_150 : i32
      }
      %scan3A_69 = arith.constant 32 : i32
      %dma_start3A = arith.constant 0 : i32
      %dma_start3A_70 = arith.constant 0 : i32
      %dma_start3A_71 = tpu.memref_slice %arg13[%dma_start3A, %dma_start3A_70] : memref<8x64xi32, #tpu.memory_space<vmem>> -> memref<1x64xi32, #tpu.memory_space<vmem>>
      %dma_start3A_72 = tpu.memref_squeeze %dma_start3A_71 : memref<1x64xi32, #tpu.memory_space<vmem>> -> memref<64xi32, #tpu.memory_space<vmem>>
      %dma_start3A_73 = arith.constant 0 : i32
      %dma_start3A_74 = arith.constant 0 : i32
      %dma_start3A_75 = tpu.memref_slice %arg4[%dma_start3A_73, %dma_start3A_74] : memref<10000x128xf32, #tpu.memory_space<hbm>> -> memref<10000x128xf32, #tpu.memory_space<hbm>>
      tpu.enqueue_indirect_dma source(%dma_start3A_75 : memref<10000x128xf32, #tpu.memory_space<hbm>>) target(%arg16 : memref<64x128xf32, #tpu.memory_space<vmem>>) offsets(%dma_start3A_72 : memref<64xi32, #tpu.memory_space<vmem>>) semaphore(%arg20 : memref<!tpu.dma_semaphore, #tpu.memory_space<semaphore_mem>>)
      %dma_start3A_76 = arith.constant 0 : i32
      %dma_start3A_77 = arith.constant 0 : i32
      %dma_start3A_78 = tpu.memref_slice %arg14[%dma_start3A_76, %dma_start3A_77] : memref<8x64xi32, #tpu.memory_space<vmem>> -> memref<1x64xi32, #tpu.memory_space<vmem>>
      %dma_start3A_79 = tpu.memref_squeeze %dma_start3A_78 : memref<1x64xi32, #tpu.memory_space<vmem>> -> memref<64xi32, #tpu.memory_space<vmem>>
      %dma_start3A_80 = arith.constant 0 : i32
      %dma_start3A_81 = arith.constant 0 : i32
      %dma_start3A_82 = tpu.memref_slice %arg4[%dma_start3A_80, %dma_start3A_81] : memref<10000x128xf32, #tpu.memory_space<hbm>> -> memref<10000x128xf32, #tpu.memory_space<hbm>>
      tpu.enqueue_indirect_dma source(%dma_start3A_82 : memref<10000x128xf32, #tpu.memory_space<hbm>>) target(%arg18 : memref<64x128xf32, #tpu.memory_space<vmem>>) offsets(%dma_start3A_79 : memref<64xi32, #tpu.memory_space<vmem>>) semaphore(%arg20 : memref<!tpu.dma_semaphore, #tpu.memory_space<semaphore_mem>>)
      %scan3A_83 = arith.constant 0 : i32
      %scan3A_84 = arith.constant 0 : i32
      %scan3A_85 = arith.constant 4 : i32
      %scan3A_86 = arith.addi %scan3A_84, %scan3A_85 : i32
      %scan3A_87 = arith.constant 1 : i32
      %scan3A_88 = scf.for %scan3A_97 = %scan3A_84 to %scan3A_86 step %scan3A_87 iter_args(%scan3A_98 = %scan3A_83) -> (i32)  : i32 {
        %mul3A_99 = arith.constant 2 : i32
        %mul3A_100 = arith.muli %scan3A_97, %mul3A_99 : i32
        %add3A_101 = arith.constant 0 : i32
        %add3A_102 = arith.addi %mul3A_100, %add3A_101 : i32
        %dma_wait3A_103 = arith.constant 0 : i32
        %dma_wait3A_104 = tpu.memref_slice %arg13[%add3A_102, %dma_wait3A_103] : memref<8x64xi32, #tpu.memory_space<vmem>> -> memref<1x64xi32, #tpu.memory_space<vmem>>
        %dma_wait3A_105 = tpu.memref_squeeze %dma_wait3A_104 : memref<1x64xi32, #tpu.memory_space<vmem>> -> memref<64xi32, #tpu.memory_space<vmem>>
        %dma_wait3A_106 = arith.constant 0 : i32
        %dma_wait3A_107 = arith.constant 0 : i32
        %dma_wait3A_108 = tpu.memref_slice %arg4[%dma_wait3A_106, %dma_wait3A_107] : memref<10000x128xf32, #tpu.memory_space<hbm>> -> memref<10000x128xf32, #tpu.memory_space<hbm>>
        tpu.wait_indirect_dma semaphore(%arg20 : memref<!tpu.dma_semaphore, #tpu.memory_space<semaphore_mem>>) src(%dma_wait3A_108 : memref<10000x128xf32, #tpu.memory_space<hbm>>) dst(%arg16 : memref<64x128xf32, #tpu.memory_space<vmem>>)
        %dma_wait3A_109 = arith.constant 0 : i32
        %dma_wait3A_110 = tpu.memref_slice %arg14[%add3A_102, %dma_wait3A_109] : memref<8x64xi32, #tpu.memory_space<vmem>> -> memref<1x64xi32, #tpu.memory_space<vmem>>
        %dma_wait3A_111 = tpu.memref_squeeze %dma_wait3A_110 : memref<1x64xi32, #tpu.memory_space<vmem>> -> memref<64xi32, #tpu.memory_space<vmem>>
        %dma_wait3A_112 = arith.constant 0 : i32
        %dma_wait3A_113 = arith.constant 0 : i32
        %dma_wait3A_114 = tpu.memref_slice %arg4[%dma_wait3A_112, %dma_wait3A_113] : memref<10000x128xf32, #tpu.memory_space<hbm>> -> memref<10000x128xf32, #tpu.memory_space<hbm>>
        tpu.wait_indirect_dma semaphore(%arg20 : memref<!tpu.dma_semaphore, #tpu.memory_space<semaphore_mem>>) src(%dma_wait3A_114 : memref<10000x128xf32, #tpu.memory_space<hbm>>) dst(%arg18 : memref<64x128xf32, #tpu.memory_space<vmem>>)
        %ge3A = arith.constant 1 : i32
        %ge3A_115 = arith.cmpi sge, %add3A_102, %ge3A : i32
        %convert_element_type3A = arith.extui %ge3A_115 : i1 to i32
        %cond3A = arith.constant 0 : i32
        %cond3A_116 = arith.cmpi ne, %convert_element_type3A, %cond3A : i32
        scf.if %cond3A_116 {
          %sub3A = arith.constant 1 : i32
          %sub3A_169 = arith.subi %add3A_102, %sub3A : i32
          %dma_wait3A_170 = arith.constant 0 : i32
          %dma_wait3A_171 = tpu.memref_slice %arg15[%sub3A_169, %dma_wait3A_170] : memref<8x64xi32, #tpu.memory_space<vmem>> -> memref<1x64xi32, #tpu.memory_space<vmem>>
          %dma_wait3A_172 = tpu.memref_squeeze %dma_wait3A_171 : memref<1x64xi32, #tpu.memory_space<vmem>> -> memref<64xi32, #tpu.memory_space<vmem>>
          %dma_wait3A_173 = arith.constant 0 : i32
          %dma_wait3A_174 = arith.constant 0 : i32
          %dma_wait3A_175 = tpu.memref_slice %arg9[%dma_wait3A_173, %dma_wait3A_174] : memref<10112x128xf32, #tpu.memory_space<vmem_shared>> -> memref<10112x128xf32, #tpu.memory_space<vmem_shared>>
          tpu.wait_indirect_dma semaphore(%arg23 : memref<!tpu.dma_semaphore, #tpu.memory_space<semaphore_mem>>) src(%arg17 : memref<64x128xf32, #tpu.memory_space<vmem>>) dst(%dma_wait3A_175 : memref<10112x128xf32, #tpu.memory_space<vmem_shared>>)
        } else {
        }
        %add3A_117 = arith.constant 1 : i32
        %add3A_118 = arith.addi %add3A_102, %add3A_117 : i32
        %lt3A = arith.constant 8 : i32
        %lt3A_119 = arith.cmpi slt, %add3A_118, %lt3A : i32
        %convert_element_type3A_120 = arith.extui %lt3A_119 : i1 to i32
        %cond3A_121 = arith.constant 0 : i32
        %cond3A_122 = arith.cmpi ne, %convert_element_type3A_120, %cond3A_121 : i32
        scf.if %cond3A_122 {
          %add3A_169 = arith.constant 1 : i32
          %add3A_170 = arith.addi %add3A_102, %add3A_169 : i32
          %dma_start3A_171 = arith.constant 0 : i32
          %dma_start3A_172 = tpu.memref_slice %arg13[%add3A_170, %dma_start3A_171] : memref<8x64xi32, #tpu.memory_space<vmem>> -> memref<1x64xi32, #tpu.memory_space<vmem>>
          %dma_start3A_173 = tpu.memref_squeeze %dma_start3A_172 : memref<1x64xi32, #tpu.memory_space<vmem>> -> memref<64xi32, #tpu.memory_space<vmem>>
          %dma_start3A_174 = arith.constant 0 : i32
          %dma_start3A_175 = arith.constant 0 : i32
          %dma_start3A_176 = tpu.memref_slice %arg4[%dma_start3A_174, %dma_start3A_175] : memref<10000x128xf32, #tpu.memory_space<hbm>> -> memref<10000x128xf32, #tpu.memory_space<hbm>>
          tpu.enqueue_indirect_dma source(%dma_start3A_176 : memref<10000x128xf32, #tpu.memory_space<hbm>>) target(%arg17 : memref<64x128xf32, #tpu.memory_space<vmem>>) offsets(%dma_start3A_173 : memref<64xi32, #tpu.memory_space<vmem>>) semaphore(%arg21 : memref<!tpu.dma_semaphore, #tpu.memory_space<semaphore_mem>>)
          %dma_start3A_177 = arith.constant 0 : i32
          %dma_start3A_178 = tpu.memref_slice %arg14[%add3A_170, %dma_start3A_177] : memref<8x64xi32, #tpu.memory_space<vmem>> -> memref<1x64xi32, #tpu.memory_space<vmem>>
          %dma_start3A_179 = tpu.memref_squeeze %dma_start3A_178 : memref<1x64xi32, #tpu.memory_space<vmem>> -> memref<64xi32, #tpu.memory_space<vmem>>
          %dma_start3A_180 = arith.constant 0 : i32
          %dma_start3A_181 = arith.constant 0 : i32
          %dma_start3A_182 = tpu.memref_slice %arg4[%dma_start3A_180, %dma_start3A_181] : memref<10000x128xf32, #tpu.memory_space<hbm>> -> memref<10000x128xf32, #tpu.memory_space<hbm>>
          tpu.enqueue_indirect_dma source(%dma_start3A_182 : memref<10000x128xf32, #tpu.memory_space<hbm>>) target(%arg19 : memref<64x128xf32, #tpu.memory_space<vmem>>) offsets(%dma_start3A_179 : memref<64xi32, #tpu.memory_space<vmem>>) semaphore(%arg21 : memref<!tpu.dma_semaphore, #tpu.memory_space<semaphore_mem>>)
        } else {
        }
        %parallel_loop3A = arith.constant 0 : i32
        %parallel_loop3A_123 = arith.constant 64 : i32
        %parallel_loop3A_124 = arith.constant 1 : i32
        scf.for %parallel_loop3A_169 = %parallel_loop3A to %parallel_loop3A_123 step %parallel_loop3A_124  : i32 {
          %parallel_loop3A_170 = arith.index_cast %parallel_loop3A_169 : i32 to index
          %parallel_loop3A_171 = arith.constant 64 : index
          %parallel_loop3A_172 = tpu.vector_load %arg16[%parallel_loop3A_170, %parallel_loop3A_171] {strides = array<i32>} : memref<64x128xf32, #tpu.memory_space<vmem>>, vector<16xf32>,
          %parallel_loop3A_173 = arith.index_cast %parallel_loop3A_169 : i32 to index
          %parallel_loop3A_174 = arith.constant 64 : index
          %parallel_loop3A_175 = tpu.vector_load %arg18[%parallel_loop3A_173, %parallel_loop3A_174] {strides = array<i32>} : memref<64x128xf32, #tpu.memory_space<vmem>>, vector<16xf32>,
          %parallel_loop3A_176 = arith.constant 8 : i32
          %parallel_loop3A_177 = vector.broadcast %parallel_loop3A_176 : i32 to vector<16xi32>
          %parallel_loop3A_178 = arith.addi %iota3A, %parallel_loop3A_177 : vector<16xi32>
          %parallel_loop3A_179 = arith.constant 15 : i32
          %parallel_loop3A_180 = vector.broadcast %parallel_loop3A_179 : i32 to vector<16xi32>
          %parallel_loop3A_181 = arith.andi %parallel_loop3A_178, %parallel_loop3A_180 : vector<16xi32>
          %parallel_loop3A_182 = vector.shape_cast %parallel_loop3A_181 : vector<16xi32> to vector<16x1xi32>
          %parallel_loop3A_183 = vector.shape_cast %parallel_loop3A_182 : vector<16x1xi32> to vector<16xi32>
          %parallel_loop3A_184 = tpu.dynamic_gather %parallel_loop3A_175[%parallel_loop3A_183] in [0] : vector<16xf32>, vector<16xi32> -> vector<16xf32>
          %parallel_loop3A_185 = arith.addf %parallel_loop3A_172, %parallel_loop3A_184 : vector<16xf32>
          %parallel_loop3A_186 = arith.constant 2.000000e-01 : f32
          %parallel_loop3A_187 = vector.broadcast %parallel_loop3A_186 : f32 to vector<16xf32>
          %parallel_loop3A_188 = arith.mulf %parallel_loop3A_187, %parallel_loop3A_185 : vector<16xf32>
          %parallel_loop3A_189 = arith.maximumf %parallel_loop3A_185, %parallel_loop3A_188 : vector<16xf32>
          %parallel_loop3A_190 = math.exp %parallel_loop3A_189 : vector<16xf32>
          %parallel_loop3A_191 = arith.index_cast %parallel_loop3A_169 : i32 to index
          %parallel_loop3A_192 = arith.constant 112 : index
          %parallel_loop3A_193 = tpu.vector_load %arg16[%parallel_loop3A_191, %parallel_loop3A_192] {strides = array<i32>} : memref<64x128xf32, #tpu.memory_space<vmem>>, vector<16xf32>,
          tpu.vector_store %arg16[%parallel_loop3A_191, %parallel_loop3A_192], %parallel_loop3A_190 {strides = array<i32>} : memref<64x128xf32, #tpu.memory_space<vmem>>, vector<16xf32>,
          %parallel_loop3A_194 = arith.index_cast %parallel_loop3A_169 : i32 to index
          %parallel_loop3A_195 = arith.constant 0 : index
          %parallel_loop3A_196 = tpu.vector_load %arg16[%parallel_loop3A_194, %parallel_loop3A_195] {strides = array<i32>} : memref<64x128xf32, #tpu.memory_space<vmem>>, vector<16xf32>,
          %parallel_loop3A_197 = arith.constant 8 : i32
          %parallel_loop3A_198 = vector.broadcast %parallel_loop3A_197 : i32 to vector<16xi32>
          %parallel_loop3A_199 = arith.divsi %iota3A, %parallel_loop3A_198 : vector<16xi32>
          %parallel_loop3A_200 = arith.constant 0 : i32
          %parallel_loop3A_201 = vector.broadcast %parallel_loop3A_200 : i32 to vector<16xi32>
          %parallel_loop3A_202 = arith.cmpi sgt, %iota3A, %parallel_loop3A_201 : vector<16xi32>
          %parallel_loop3A_203 = arith.extui %parallel_loop3A_202 : vector<16xi1> to vector<16xi32>
          %parallel_loop3A_204 = arith.constant 0 : i32
          %parallel_loop3A_205 = vector.broadcast %parallel_loop3A_204 : i32 to vector<16xi32>
          %parallel_loop3A_206 = arith.cmpi slt, %iota3A, %parallel_loop3A_205 : vector<16xi32>
          %parallel_loop3A_207 = arith.extui %parallel_loop3A_206 : vector<16xi1> to vector<16xi32>
          %parallel_loop3A_208 = arith.subi %parallel_loop3A_203, %parallel_loop3A_207 : vector<16xi32>
          %parallel_loop3A_209 = arith.constant 0 : i32
          %parallel_loop3A_210 = arith.cmpi sgt, %parallel_loop3A_197, %parallel_loop3A_209 : i32
          %parallel_loop3A_211 = arith.extui %parallel_loop3A_210 : i1 to i32
          %parallel_loop3A_212 = arith.constant 0 : i32
          %parallel_loop3A_213 = arith.cmpi slt, %parallel_loop3A_197, %parallel_loop3A_212 : i32
          %parallel_loop3A_214 = arith.extui %parallel_loop3A_213 : i1 to i32
          %parallel_loop3A_215 = arith.subi %parallel_loop3A_211, %parallel_loop3A_214 : i32
          %parallel_loop3A_216 = vector.broadcast %parallel_loop3A_215 : i32 to vector<16xi32>
          %parallel_loop3A_217 = arith.cmpi ne, %parallel_loop3A_208, %parallel_loop3A_216 : vector<16xi32>
          %parallel_loop3A_218 = vector.broadcast %parallel_loop3A_197 : i32 to vector<16xi32>
          %parallel_loop3A_219 = arith.remsi %iota3A, %parallel_loop3A_218 : vector<16xi32>
          %parallel_loop3A_220 = arith.constant 0 : i32
          %parallel_loop3A_221 = vector.broadcast %parallel_loop3A_220 : i32 to vector<16xi32>
          %parallel_loop3A_222 = arith.cmpi ne, %parallel_loop3A_219, %parallel_loop3A_221 : vector<16xi32>
          %parallel_loop3A_223 = arith.andi %parallel_loop3A_217, %parallel_loop3A_222 : vector<16xi1>
          %parallel_loop3A_224 = arith.constant 1 : i32
          %parallel_loop3A_225 = vector.broadcast %parallel_loop3A_224 : i32 to vector<16xi32>
          %parallel_loop3A_226 = arith.subi %parallel_loop3A_199, %parallel_loop3A_225 : vector<16xi32>
          %parallel_loop3A_227 = arith.select %parallel_loop3A_223, %parallel_loop3A_226, %parallel_loop3A_199 : vector<16xi1>, vector<16xi32>
          %parallel_loop3A_228 = arith.constant 0 : i32
          %parallel_loop3A_229 = vector.broadcast %parallel_loop3A_228 : i32 to vector<16xi32>
          %parallel_loop3A_230 = arith.addi %parallel_loop3A_227, %parallel_loop3A_229 : vector<16xi32>
          %parallel_loop3A_231 = vector.shape_cast %parallel_loop3A_230 : vector<16xi32> to vector<16x1xi32>
          %parallel_loop3A_232 = vector.shape_cast %parallel_loop3A_231 : vector<16x1xi32> to vector<16xi32>
          %parallel_loop3A_233 = tpu.dynamic_gather %parallel_loop3A_190[%parallel_loop3A_232] in [0] : vector<16xf32>, vector<16xi32> -> vector<16xf32>
          %parallel_loop3A_234 = arith.mulf %parallel_loop3A_196, %parallel_loop3A_233 : vector<16xf32>
          %parallel_loop3A_235 = arith.index_cast %parallel_loop3A_169 : i32 to index
          %parallel_loop3A_236 = arith.constant 0 : index
          %parallel_loop3A_237 = tpu.vector_load %arg16[%parallel_loop3A_235, %parallel_loop3A_236] {strides = array<i32>} : memref<64x128xf32, #tpu.memory_space<vmem>>, vector<16xf32>,
          tpu.vector_store %arg16[%parallel_loop3A_235, %parallel_loop3A_236], %parallel_loop3A_234 {strides = array<i32>} : memref<64x128xf32, #tpu.memory_space<vmem>>, vector<16xf32>,
          %parallel_loop3A_238 = arith.index_cast %parallel_loop3A_169 : i32 to index
          %parallel_loop3A_239 = arith.constant 16 : index
          %parallel_loop3A_240 = tpu.vector_load %arg16[%parallel_loop3A_238, %parallel_loop3A_239] {strides = array<i32>} : memref<64x128xf32, #tpu.memory_space<vmem>>, vector<16xf32>,
          %parallel_loop3A_241 = arith.constant 8 : i32
          %parallel_loop3A_242 = vector.broadcast %parallel_loop3A_241 : i32 to vector<16xi32>
          %parallel_loop3A_243 = arith.divsi %iota3A, %parallel_loop3A_242 : vector<16xi32>
          %parallel_loop3A_244 = arith.constant 0 : i32
          %parallel_loop3A_245 = vector.broadcast %parallel_loop3A_244 : i32 to vector<16xi32>
          %parallel_loop3A_246 = arith.cmpi sgt, %iota3A, %parallel_loop3A_245 : vector<16xi32>
          %parallel_loop3A_247 = arith.extui %parallel_loop3A_246 : vector<16xi1> to vector<16xi32>
          %parallel_loop3A_248 = arith.constant 0 : i32
          %parallel_loop3A_249 = vector.broadcast %parallel_loop3A_248 : i32 to vector<16xi32>
          %parallel_loop3A_250 = arith.cmpi slt, %iota3A, %parallel_loop3A_249 : vector<16xi32>
          %parallel_loop3A_251 = arith.extui %parallel_loop3A_250 : vector<16xi1> to vector<16xi32>
          %parallel_loop3A_252 = arith.subi %parallel_loop3A_247, %parallel_loop3A_251 : vector<16xi32>
          %parallel_loop3A_253 = arith.constant 0 : i32
          %parallel_loop3A_254 = arith.cmpi sgt, %parallel_loop3A_241, %parallel_loop3A_253 : i32
          %parallel_loop3A_255 = arith.extui %parallel_loop3A_254 : i1 to i32
          %parallel_loop3A_256 = arith.constant 0 : i32
          %parallel_loop3A_257 = arith.cmpi slt, %parallel_loop3A_241, %parallel_loop3A_256 : i32
          %parallel_loop3A_258 = arith.extui %parallel_loop3A_257 : i1 to i32
          %parallel_loop3A_259 = arith.subi %parallel_loop3A_255, %parallel_loop3A_258 : i32
          %parallel_loop3A_260 = vector.broadcast %parallel_loop3A_259 : i32 to vector<16xi32>
          %parallel_loop3A_261 = arith.cmpi ne, %parallel_loop3A_252, %parallel_loop3A_260 : vector<16xi32>
          %parallel_loop3A_262 = vector.broadcast %parallel_loop3A_241 : i32 to vector<16xi32>
          %parallel_loop3A_263 = arith.remsi %iota3A, %parallel_loop3A_262 : vector<16xi32>
          %parallel_loop3A_264 = arith.constant 0 : i32
          %parallel_loop3A_265 = vector.broadcast %parallel_loop3A_264 : i32 to vector<16xi32>
          %parallel_loop3A_266 = arith.cmpi ne, %parallel_loop3A_263, %parallel_loop3A_265 : vector<16xi32>
          %parallel_loop3A_267 = arith.andi %parallel_loop3A_261, %parallel_loop3A_266 : vector<16xi1>
          %parallel_loop3A_268 = arith.constant 1 : i32
          %parallel_loop3A_269 = vector.broadcast %parallel_loop3A_268 : i32 to vector<16xi32>
          %parallel_loop3A_270 = arith.subi %parallel_loop3A_243, %parallel_loop3A_269 : vector<16xi32>
          %parallel_loop3A_271 = arith.select %parallel_loop3A_267, %parallel_loop3A_270, %parallel_loop3A_243 : vector<16xi1>, vector<16xi32>
          %parallel_loop3A_272 = arith.constant 2 : i32
          %parallel_loop3A_273 = vector.broadcast %parallel_loop3A_272 : i32 to vector<16xi32>
          %parallel_loop3A_274 = arith.addi %parallel_loop3A_271, %parallel_loop3A_273 : vector<16xi32>
          %parallel_loop3A_275 = vector.shape_cast %parallel_loop3A_274 : vector<16xi32> to vector<16x1xi32>
          %parallel_loop3A_276 = vector.shape_cast %parallel_loop3A_275 : vector<16x1xi32> to vector<16xi32>
          %parallel_loop3A_277 = tpu.dynamic_gather %parallel_loop3A_190[%parallel_loop3A_276] in [0] : vector<16xf32>, vector<16xi32> -> vector<16xf32>
          %parallel_loop3A_278 = arith.mulf %parallel_loop3A_240, %parallel_loop3A_277 : vector<16xf32>
          %parallel_loop3A_279 = arith.index_cast %parallel_loop3A_169 : i32 to index
          %parallel_loop3A_280 = arith.constant 16 : index
          %parallel_loop3A_281 = tpu.vector_load %arg16[%parallel_loop3A_279, %parallel_loop3A_280] {strides = array<i32>} : memref<64x128xf32, #tpu.memory_space<vmem>>, vector<16xf32>,
          tpu.vector_store %arg16[%parallel_loop3A_279, %parallel_loop3A_280], %parallel_loop3A_278 {strides = array<i32>} : memref<64x128xf32, #tpu.memory_space<vmem>>, vector<16xf32>,
          %parallel_loop3A_282 = arith.index_cast %parallel_loop3A_169 : i32 to index
          %parallel_loop3A_283 = arith.constant 32 : index
          %parallel_loop3A_284 = tpu.vector_load %arg16[%parallel_loop3A_282, %parallel_loop3A_283] {strides = array<i32>} : memref<64x128xf32, #tpu.memory_space<vmem>>, vector<16xf32>,
          %parallel_loop3A_285 = arith.constant 8 : i32
          %parallel_loop3A_286 = vector.broadcast %parallel_loop3A_285 : i32 to vector<16xi32>
          %parallel_loop3A_287 = arith.divsi %iota3A, %parallel_loop3A_286 : vector<16xi32>
          %parallel_loop3A_288 = arith.constant 0 : i32
          %parallel_loop3A_289 = vector.broadcast %parallel_loop3A_288 : i32 to vector<16xi32>
          %parallel_loop3A_290 = arith.cmpi sgt, %iota3A, %parallel_loop3A_289 : vector<16xi32>
          %parallel_loop3A_291 = arith.extui %parallel_loop3A_290 : vector<16xi1> to vector<16xi32>
          %parallel_loop3A_292 = arith.constant 0 : i32
          %parallel_loop3A_293 = vector.broadcast %parallel_loop3A_292 : i32 to vector<16xi32>
          %parallel_loop3A_294 = arith.cmpi slt, %iota3A, %parallel_loop3A_293 : vector<16xi32>
          %parallel_loop3A_295 = arith.extui %parallel_loop3A_294 : vector<16xi1> to vector<16xi32>
          %parallel_loop3A_296 = arith.subi %parallel_loop3A_291, %parallel_loop3A_295 : vector<16xi32>
          %parallel_loop3A_297 = arith.constant 0 : i32
          %parallel_loop3A_298 = arith.cmpi sgt, %parallel_loop3A_285, %parallel_loop3A_297 : i32
          %parallel_loop3A_299 = arith.extui %parallel_loop3A_298 : i1 to i32
          %parallel_loop3A_300 = arith.constant 0 : i32
          %parallel_loop3A_301 = arith.cmpi slt, %parallel_loop3A_285, %parallel_loop3A_300 : i32
          %parallel_loop3A_302 = arith.extui %parallel_loop3A_301 : i1 to i32
          %parallel_loop3A_303 = arith.subi %parallel_loop3A_299, %parallel_loop3A_302 : i32
          %parallel_loop3A_304 = vector.broadcast %parallel_loop3A_303 : i32 to vector<16xi32>
          %parallel_loop3A_305 = arith.cmpi ne, %parallel_loop3A_296, %parallel_loop3A_304 : vector<16xi32>
          %parallel_loop3A_306 = vector.broadcast %parallel_loop3A_285 : i32 to vector<16xi32>
          %parallel_loop3A_307 = arith.remsi %iota3A, %parallel_loop3A_306 : vector<16xi32>
          %parallel_loop3A_308 = arith.constant 0 : i32
          %parallel_loop3A_309 = vector.broadcast %parallel_loop3A_308 : i32 to vector<16xi32>
          %parallel_loop3A_310 = arith.cmpi ne, %parallel_loop3A_307, %parallel_loop3A_309 : vector<16xi32>
          %parallel_loop3A_311 = arith.andi %parallel_loop3A_305, %parallel_loop3A_310 : vector<16xi1>
          %parallel_loop3A_312 = arith.constant 1 : i32
          %parallel_loop3A_313 = vector.broadcast %parallel_loop3A_312 : i32 to vector<16xi32>
          %parallel_loop3A_314 = arith.subi %parallel_loop3A_287, %parallel_loop3A_313 : vector<16xi32>
          %parallel_loop3A_315 = arith.select %parallel_loop3A_311, %parallel_loop3A_314, %parallel_loop3A_287 : vector<16xi1>, vector<16xi32>
          %parallel_loop3A_316 = arith.constant 4 : i32
          %parallel_loop3A_317 = vector.broadcast %parallel_loop3A_316 : i32 to vector<16xi32>
          %parallel_loop3A_318 = arith.addi %parallel_loop3A_315, %parallel_loop3A_317 : vector<16xi32>
          %parallel_loop3A_319 = vector.shape_cast %parallel_loop3A_318 : vector<16xi32> to vector<16x1xi32>
          %parallel_loop3A_320 = vector.shape_cast %parallel_loop3A_319 : vector<16x1xi32> to vector<16xi32>
          %parallel_loop3A_321 = tpu.dynamic_gather %parallel_loop3A_190[%parallel_loop3A_320] in [0] : vector<16xf32>, vector<16xi32> -> vector<16xf32>
          %parallel_loop3A_322 = arith.mulf %parallel_loop3A_284, %parallel_loop3A_321 : vector<16xf32>
          %parallel_loop3A_323 = arith.index_cast %parallel_loop3A_169 : i32 to index
          %parallel_loop3A_324 = arith.constant 32 : index
          %parallel_loop3A_325 = tpu.vector_load %arg16[%parallel_loop3A_323, %parallel_loop3A_324] {strides = array<i32>} : memref<64x128xf32, #tpu.memory_space<vmem>>, vector<16xf32>,
          tpu.vector_store %arg16[%parallel_loop3A_323, %parallel_loop3A_324], %parallel_loop3A_322 {strides = array<i32>} : memref<64x128xf32, #tpu.memory_space<vmem>>, vector<16xf32>,
          %parallel_loop3A_326 = arith.index_cast %parallel_loop3A_169 : i32 to index
          %parallel_loop3A_327 = arith.constant 48 : index
          %parallel_loop3A_328 = tpu.vector_load %arg16[%parallel_loop3A_326, %parallel_loop3A_327] {strides = array<i32>} : memref<64x128xf32, #tpu.memory_space<vmem>>, vector<16xf32>,
          %parallel_loop3A_329 = arith.constant 8 : i32
          %parallel_loop3A_330 = vector.broadcast %parallel_loop3A_329 : i32 to vector<16xi32>
          %parallel_loop3A_331 = arith.divsi %iota3A, %parallel_loop3A_330 : vector<16xi32>
          %parallel_loop3A_332 = arith.constant 0 : i32
          %parallel_loop3A_333 = vector.broadcast %parallel_loop3A_332 : i32 to vector<16xi32>
          %parallel_loop3A_334 = arith.cmpi sgt, %iota3A, %parallel_loop3A_333 : vector<16xi32>
          %parallel_loop3A_335 = arith.extui %parallel_loop3A_334 : vector<16xi1> to vector<16xi32>
          %parallel_loop3A_336 = arith.constant 0 : i32
          %parallel_loop3A_337 = vector.broadcast %parallel_loop3A_336 : i32 to vector<16xi32>
          %parallel_loop3A_338 = arith.cmpi slt, %iota3A, %parallel_loop3A_337 : vector<16xi32>
          %parallel_loop3A_339 = arith.extui %parallel_loop3A_338 : vector<16xi1> to vector<16xi32>
          %parallel_loop3A_340 = arith.subi %parallel_loop3A_335, %parallel_loop3A_339 : vector<16xi32>
          %parallel_loop3A_341 = arith.constant 0 : i32
          %parallel_loop3A_342 = arith.cmpi sgt, %parallel_loop3A_329, %parallel_loop3A_341 : i32
          %parallel_loop3A_343 = arith.extui %parallel_loop3A_342 : i1 to i32
          %parallel_loop3A_344 = arith.constant 0 : i32
          %parallel_loop3A_345 = arith.cmpi slt, %parallel_loop3A_329, %parallel_loop3A_344 : i32
          %parallel_loop3A_346 = arith.extui %parallel_loop3A_345 : i1 to i32
          %parallel_loop3A_347 = arith.subi %parallel_loop3A_343, %parallel_loop3A_346 : i32
          %parallel_loop3A_348 = vector.broadcast %parallel_loop3A_347 : i32 to vector<16xi32>
          %parallel_loop3A_349 = arith.cmpi ne, %parallel_loop3A_340, %parallel_loop3A_348 : vector<16xi32>
          %parallel_loop3A_350 = vector.broadcast %parallel_loop3A_329 : i32 to vector<16xi32>
          %parallel_loop3A_351 = arith.remsi %iota3A, %parallel_loop3A_350 : vector<16xi32>
          %parallel_loop3A_352 = arith.constant 0 : i32
          %parallel_loop3A_353 = vector.broadcast %parallel_loop3A_352 : i32 to vector<16xi32>
          %parallel_loop3A_354 = arith.cmpi ne, %parallel_loop3A_351, %parallel_loop3A_353 : vector<16xi32>
          %parallel_loop3A_355 = arith.andi %parallel_loop3A_349, %parallel_loop3A_354 : vector<16xi1>
          %parallel_loop3A_356 = arith.constant 1 : i32
          %parallel_loop3A_357 = vector.broadcast %parallel_loop3A_356 : i32 to vector<16xi32>
          %parallel_loop3A_358 = arith.subi %parallel_loop3A_331, %parallel_loop3A_357 : vector<16xi32>
          %parallel_loop3A_359 = arith.select %parallel_loop3A_355, %parallel_loop3A_358, %parallel_loop3A_331 : vector<16xi1>, vector<16xi32>
          %parallel_loop3A_360 = arith.constant 6 : i32
          %parallel_loop3A_361 = vector.broadcast %parallel_loop3A_360 : i32 to vector<16xi32>
          %parallel_loop3A_362 = arith.addi %parallel_loop3A_359, %parallel_loop3A_361 : vector<16xi32>
          %parallel_loop3A_363 = vector.shape_cast %parallel_loop3A_362 : vector<16xi32> to vector<16x1xi32>
          %parallel_loop3A_364 = vector.shape_cast %parallel_loop3A_363 : vector<16x1xi32> to vector<16xi32>
          %parallel_loop3A_365 = tpu.dynamic_gather %parallel_loop3A_190[%parallel_loop3A_364] in [0] : vector<16xf32>, vector<16xi32> -> vector<16xf32>
          %parallel_loop3A_366 = arith.mulf %parallel_loop3A_328, %parallel_loop3A_365 : vector<16xf32>
          %parallel_loop3A_367 = arith.index_cast %parallel_loop3A_169 : i32 to index
          %parallel_loop3A_368 = arith.constant 48 : index
          %parallel_loop3A_369 = tpu.vector_load %arg16[%parallel_loop3A_367, %parallel_loop3A_368] {strides = array<i32>} : memref<64x128xf32, #tpu.memory_space<vmem>>, vector<16xf32>,
          tpu.vector_store %arg16[%parallel_loop3A_367, %parallel_loop3A_368], %parallel_loop3A_366 {strides = array<i32>} : memref<64x128xf32, #tpu.memory_space<vmem>>, vector<16xf32>,
        } {sc.loop_unroll_factor = 8 : i64, sc.parallel_access}
        %dma_start3A_125 = arith.constant 0 : i32
        %dma_start3A_126 = tpu.memref_slice %arg15[%add3A_102, %dma_start3A_125] : memref<8x64xi32, #tpu.memory_space<vmem>> -> memref<1x64xi32, #tpu.memory_space<vmem>>
        %dma_start3A_127 = tpu.memref_squeeze %dma_start3A_126 : memref<1x64xi32, #tpu.memory_space<vmem>> -> memref<64xi32, #tpu.memory_space<vmem>>
        %dma_start3A_128 = arith.constant 0 : i32
        %dma_start3A_129 = arith.constant 0 : i32
        %dma_start3A_130 = tpu.memref_slice %arg9[%dma_start3A_128, %dma_start3A_129] : memref<10112x128xf32, #tpu.memory_space<vmem_shared>> -> memref<10112x128xf32, #tpu.memory_space<vmem_shared>>
        tpu.enqueue_indirect_dma source(%arg16 : memref<64x128xf32, #tpu.memory_space<vmem>>) target(%dma_start3A_130 : memref<10112x128xf32, #tpu.memory_space<vmem_shared>>) offsets(%dma_start3A_127 : memref<64xi32, #tpu.memory_space<vmem>>) semaphore(%arg22 : memref<!tpu.dma_semaphore, #tpu.memory_space<semaphore_mem>>) {add = true}
        %mul3A_131 = arith.constant 2 : i32
        %mul3A_132 = arith.muli %scan3A_97, %mul3A_131 : i32
        %add3A_133 = arith.constant 1 : i32
        %add3A_134 = arith.addi %mul3A_132, %add3A_133 : i32
        %dma_wait3A_135 = arith.constant 0 : i32
        %dma_wait3A_136 = tpu.memref_slice %arg13[%add3A_134, %dma_wait3A_135] : memref<8x64xi32, #tpu.memory_space<vmem>> -> memref<1x64xi32, #tpu.memory_space<vmem>>
        %dma_wait3A_137 = tpu.memref_squeeze %dma_wait3A_136 : memref<1x64xi32, #tpu.memory_space<vmem>> -> memref<64xi32, #tpu.memory_space<vmem>>
        %dma_wait3A_138 = arith.constant 0 : i32
        %dma_wait3A_139 = arith.constant 0 : i32
        %dma_wait3A_140 = tpu.memref_slice %arg4[%dma_wait3A_138, %dma_wait3A_139] : memref<10000x128xf32, #tpu.memory_space<hbm>> -> memref<10000x128xf32, #tpu.memory_space<hbm>>
        tpu.wait_indirect_dma semaphore(%arg21 : memref<!tpu.dma_semaphore, #tpu.memory_space<semaphore_mem>>) src(%dma_wait3A_140 : memref<10000x128xf32, #tpu.memory_space<hbm>>) dst(%arg17 : memref<64x128xf32, #tpu.memory_space<vmem>>)
        %dma_wait3A_141 = arith.constant 0 : i32
        %dma_wait3A_142 = tpu.memref_slice %arg14[%add3A_134, %dma_wait3A_141] : memref<8x64xi32, #tpu.memory_space<vmem>> -> memref<1x64xi32, #tpu.memory_space<vmem>>
        %dma_wait3A_143 = tpu.memref_squeeze %dma_wait3A_142 : memref<1x64xi32, #tpu.memory_space<vmem>> -> memref<64xi32, #tpu.memory_space<vmem>>
        %dma_wait3A_144 = arith.constant 0 : i32
        %dma_wait3A_145 = arith.constant 0 : i32
        %dma_wait3A_146 = tpu.memref_slice %arg4[%dma_wait3A_144, %dma_wait3A_145] : memref<10000x128xf32, #tpu.memory_space<hbm>> -> memref<10000x128xf32, #tpu.memory_space<hbm>>
        tpu.wait_indirect_dma semaphore(%arg21 : memref<!tpu.dma_semaphore, #tpu.memory_space<semaphore_mem>>) src(%dma_wait3A_146 : memref<10000x128xf32, #tpu.memory_space<hbm>>) dst(%arg19 : memref<64x128xf32, #tpu.memory_space<vmem>>)
        %ge3A_147 = arith.constant 1 : i32
        %ge3A_148 = arith.cmpi sge, %add3A_134, %ge3A_147 : i32
        %convert_element_type3A_149 = arith.extui %ge3A_148 : i1 to i32
        %cond3A_150 = arith.constant 0 : i32
        %cond3A_151 = arith.cmpi ne, %convert_element_type3A_149, %cond3A_150 : i32
        scf.if %cond3A_151 {
          %sub3A = arith.constant 1 : i32
          %sub3A_169 = arith.subi %add3A_134, %sub3A : i32
          %dma_wait3A_170 = arith.constant 0 : i32
          %dma_wait3A_171 = tpu.memref_slice %arg15[%sub3A_169, %dma_wait3A_170] : memref<8x64xi32, #tpu.memory_space<vmem>> -> memref<1x64xi32, #tpu.memory_space<vmem>>
          %dma_wait3A_172 = tpu.memref_squeeze %dma_wait3A_171 : memref<1x64xi32, #tpu.memory_space<vmem>> -> memref<64xi32, #tpu.memory_space<vmem>>
          %dma_wait3A_173 = arith.constant 0 : i32
          %dma_wait3A_174 = arith.constant 0 : i32
          %dma_wait3A_175 = tpu.memref_slice %arg9[%dma_wait3A_173, %dma_wait3A_174] : memref<10112x128xf32, #tpu.memory_space<vmem_shared>> -> memref<10112x128xf32, #tpu.memory_space<vmem_shared>>
          tpu.wait_indirect_dma semaphore(%arg22 : memref<!tpu.dma_semaphore, #tpu.memory_space<semaphore_mem>>) src(%arg16 : memref<64x128xf32, #tpu.memory_space<vmem>>) dst(%dma_wait3A_175 : memref<10112x128xf32, #tpu.memory_space<vmem_shared>>)
        } else {
        }
        %add3A_152 = arith.constant 1 : i32
        %add3A_153 = arith.addi %add3A_134, %add3A_152 : i32
        %lt3A_154 = arith.constant 8 : i32
        %lt3A_155 = arith.cmpi slt, %add3A_153, %lt3A_154 : i32
        %convert_element_type3A_156 = arith.extui %lt3A_155 : i1 to i32
        %cond3A_157 = arith.constant 0 : i32
        %cond3A_158 = arith.cmpi ne, %convert_element_type3A_156, %cond3A_157 : i32
        scf.if %cond3A_158 {
          %add3A_169 = arith.constant 1 : i32
          %add3A_170 = arith.addi %add3A_134, %add3A_169 : i32
          %dma_start3A_171 = arith.constant 0 : i32
          %dma_start3A_172 = tpu.memref_slice %arg13[%add3A_170, %dma_start3A_171] : memref<8x64xi32, #tpu.memory_space<vmem>> -> memref<1x64xi32, #tpu.memory_space<vmem>>
          %dma_start3A_173 = tpu.memref_squeeze %dma_start3A_172 : memref<1x64xi32, #tpu.memory_space<vmem>> -> memref<64xi32, #tpu.memory_space<vmem>>
          %dma_start3A_174 = arith.constant 0 : i32
          %dma_start3A_175 = arith.constant 0 : i32
          %dma_start3A_176 = tpu.memref_slice %arg4[%dma_start3A_174, %dma_start3A_175] : memref<10000x128xf32, #tpu.memory_space<hbm>> -> memref<10000x128xf32, #tpu.memory_space<hbm>>
          tpu.enqueue_indirect_dma source(%dma_start3A_176 : memref<10000x128xf32, #tpu.memory_space<hbm>>) target(%arg16 : memref<64x128xf32, #tpu.memory_space<vmem>>) offsets(%dma_start3A_173 : memref<64xi32, #tpu.memory_space<vmem>>) semaphore(%arg20 : memref<!tpu.dma_semaphore, #tpu.memory_space<semaphore_mem>>)
          %dma_start3A_177 = arith.constant 0 : i32
          %dma_start3A_178 = tpu.memref_slice %arg14[%add3A_170, %dma_start3A_177] : memref<8x64xi32, #tpu.memory_space<vmem>> -> memref<1x64xi32, #tpu.memory_space<vmem>>
          %dma_start3A_179 = tpu.memref_squeeze %dma_start3A_178 : memref<1x64xi32, #tpu.memory_space<vmem>> -> memref<64xi32, #tpu.memory_space<vmem>>
          %dma_start3A_180 = arith.constant 0 : i32
          %dma_start3A_181 = arith.constant 0 : i32
          %dma_start3A_182 = tpu.memref_slice %arg4[%dma_start3A_180, %dma_start3A_181] : memref<10000x128xf32, #tpu.memory_space<hbm>> -> memref<10000x128xf32, #tpu.memory_space<hbm>>
          tpu.enqueue_indirect_dma source(%dma_start3A_182 : memref<10000x128xf32, #tpu.memory_space<hbm>>) target(%arg18 : memref<64x128xf32, #tpu.memory_space<vmem>>) offsets(%dma_start3A_179 : memref<64xi32, #tpu.memory_space<vmem>>) semaphore(%arg20 : memref<!tpu.dma_semaphore, #tpu.memory_space<semaphore_mem>>)
        } else {
        }
        %parallel_loop3A_159 = arith.constant 0 : i32
        %parallel_loop3A_160 = arith.constant 64 : i32
        %parallel_loop3A_161 = arith.constant 1 : i32
        scf.for %parallel_loop3A_169 = %parallel_loop3A_159 to %parallel_loop3A_160 step %parallel_loop3A_161  : i32 {
          %parallel_loop3A_170 = arith.index_cast %parallel_loop3A_169 : i32 to index
          %parallel_loop3A_171 = arith.constant 64 : index
          %parallel_loop3A_172 = tpu.vector_load %arg17[%parallel_loop3A_170, %parallel_loop3A_171] {strides = array<i32>} : memref<64x128xf32, #tpu.memory_space<vmem>>, vector<16xf32>,
          %parallel_loop3A_173 = arith.index_cast %parallel_loop3A_169 : i32 to index
          %parallel_loop3A_174 = arith.constant 64 : index
          %parallel_loop3A_175 = tpu.vector_load %arg19[%parallel_loop3A_173, %parallel_loop3A_174] {strides = array<i32>} : memref<64x128xf32, #tpu.memory_space<vmem>>, vector<16xf32>,
          %parallel_loop3A_176 = arith.constant 8 : i32
          %parallel_loop3A_177 = vector.broadcast %parallel_loop3A_176 : i32 to vector<16xi32>
          %parallel_loop3A_178 = arith.addi %iota3A, %parallel_loop3A_177 : vector<16xi32>
          %parallel_loop3A_179 = arith.constant 15 : i32
          %parallel_loop3A_180 = vector.broadcast %parallel_loop3A_179 : i32 to vector<16xi32>
          %parallel_loop3A_181 = arith.andi %parallel_loop3A_178, %parallel_loop3A_180 : vector<16xi32>
          %parallel_loop3A_182 = vector.shape_cast %parallel_loop3A_181 : vector<16xi32> to vector<16x1xi32>
          %parallel_loop3A_183 = vector.shape_cast %parallel_loop3A_182 : vector<16x1xi32> to vector<16xi32>
          %parallel_loop3A_184 = tpu.dynamic_gather %parallel_loop3A_175[%parallel_loop3A_183] in [0] : vector<16xf32>, vector<16xi32> -> vector<16xf32>
          %parallel_loop3A_185 = arith.addf %parallel_loop3A_172, %parallel_loop3A_184 : vector<16xf32>
          %parallel_loop3A_186 = arith.constant 2.000000e-01 : f32
          %parallel_loop3A_187 = vector.broadcast %parallel_loop3A_186 : f32 to vector<16xf32>
          %parallel_loop3A_188 = arith.mulf %parallel_loop3A_187, %parallel_loop3A_185 : vector<16xf32>
          %parallel_loop3A_189 = arith.maximumf %parallel_loop3A_185, %parallel_loop3A_188 : vector<16xf32>
          %parallel_loop3A_190 = math.exp %parallel_loop3A_189 : vector<16xf32>
          %parallel_loop3A_191 = arith.index_cast %parallel_loop3A_169 : i32 to index
          %parallel_loop3A_192 = arith.constant 112 : index
          %parallel_loop3A_193 = tpu.vector_load %arg17[%parallel_loop3A_191, %parallel_loop3A_192] {strides = array<i32>} : memref<64x128xf32, #tpu.memory_space<vmem>>, vector<16xf32>,
          tpu.vector_store %arg17[%parallel_loop3A_191, %parallel_loop3A_192], %parallel_loop3A_190 {strides = array<i32>} : memref<64x128xf32, #tpu.memory_space<vmem>>, vector<16xf32>,
          %parallel_loop3A_194 = arith.index_cast %parallel_loop3A_169 : i32 to index
          %parallel_loop3A_195 = arith.constant 0 : index
          %parallel_loop3A_196 = tpu.vector_load %arg17[%parallel_loop3A_194, %parallel_loop3A_195] {strides = array<i32>} : memref<64x128xf32, #tpu.memory_space<vmem>>, vector<16xf32>,
          %parallel_loop3A_197 = arith.constant 8 : i32
          %parallel_loop3A_198 = vector.broadcast %parallel_loop3A_197 : i32 to vector<16xi32>
          %parallel_loop3A_199 = arith.divsi %iota3A, %parallel_loop3A_198 : vector<16xi32>
          %parallel_loop3A_200 = arith.constant 0 : i32
          %parallel_loop3A_201 = vector.broadcast %parallel_loop3A_200 : i32 to vector<16xi32>
          %parallel_loop3A_202 = arith.cmpi sgt, %iota3A, %parallel_loop3A_201 : vector<16xi32>
          %parallel_loop3A_203 = arith.extui %parallel_loop3A_202 : vector<16xi1> to vector<16xi32>
          %parallel_loop3A_204 = arith.constant 0 : i32
          %parallel_loop3A_205 = vector.broadcast %parallel_loop3A_204 : i32 to vector<16xi32>
          %parallel_loop3A_206 = arith.cmpi slt, %iota3A, %parallel_loop3A_205 : vector<16xi32>
          %parallel_loop3A_207 = arith.extui %parallel_loop3A_206 : vector<16xi1> to vector<16xi32>
          %parallel_loop3A_208 = arith.subi %parallel_loop3A_203, %parallel_loop3A_207 : vector<16xi32>
          %parallel_loop3A_209 = arith.constant 0 : i32
          %parallel_loop3A_210 = arith.cmpi sgt, %parallel_loop3A_197, %parallel_loop3A_209 : i32
          %parallel_loop3A_211 = arith.extui %parallel_loop3A_210 : i1 to i32
          %parallel_loop3A_212 = arith.constant 0 : i32
          %parallel_loop3A_213 = arith.cmpi slt, %parallel_loop3A_197, %parallel_loop3A_212 : i32
          %parallel_loop3A_214 = arith.extui %parallel_loop3A_213 : i1 to i32
          %parallel_loop3A_215 = arith.subi %parallel_loop3A_211, %parallel_loop3A_214 : i32
          %parallel_loop3A_216 = vector.broadcast %parallel_loop3A_215 : i32 to vector<16xi32>
          %parallel_loop3A_217 = arith.cmpi ne, %parallel_loop3A_208, %parallel_loop3A_216 : vector<16xi32>
          %parallel_loop3A_218 = vector.broadcast %parallel_loop3A_197 : i32 to vector<16xi32>
          %parallel_loop3A_219 = arith.remsi %iota3A, %parallel_loop3A_218 : vector<16xi32>
          %parallel_loop3A_220 = arith.constant 0 : i32
          %parallel_loop3A_221 = vector.broadcast %parallel_loop3A_220 : i32 to vector<16xi32>
          %parallel_loop3A_222 = arith.cmpi ne, %parallel_loop3A_219, %parallel_loop3A_221 : vector<16xi32>
          %parallel_loop3A_223 = arith.andi %parallel_loop3A_217, %parallel_loop3A_222 : vector<16xi1>
          %parallel_loop3A_224 = arith.constant 1 : i32
          %parallel_loop3A_225 = vector.broadcast %parallel_loop3A_224 : i32 to vector<16xi32>
          %parallel_loop3A_226 = arith.subi %parallel_loop3A_199, %parallel_loop3A_225 : vector<16xi32>
          %parallel_loop3A_227 = arith.select %parallel_loop3A_223, %parallel_loop3A_226, %parallel_loop3A_199 : vector<16xi1>, vector<16xi32>
          %parallel_loop3A_228 = arith.constant 0 : i32
          %parallel_loop3A_229 = vector.broadcast %parallel_loop3A_228 : i32 to vector<16xi32>
          %parallel_loop3A_230 = arith.addi %parallel_loop3A_227, %parallel_loop3A_229 : vector<16xi32>
          %parallel_loop3A_231 = vector.shape_cast %parallel_loop3A_230 : vector<16xi32> to vector<16x1xi32>
          %parallel_loop3A_232 = vector.shape_cast %parallel_loop3A_231 : vector<16x1xi32> to vector<16xi32>
          %parallel_loop3A_233 = tpu.dynamic_gather %parallel_loop3A_190[%parallel_loop3A_232] in [0] : vector<16xf32>, vector<16xi32> -> vector<16xf32>
          %parallel_loop3A_234 = arith.mulf %parallel_loop3A_196, %parallel_loop3A_233 : vector<16xf32>
          %parallel_loop3A_235 = arith.index_cast %parallel_loop3A_169 : i32 to index
          %parallel_loop3A_236 = arith.constant 0 : index
          %parallel_loop3A_237 = tpu.vector_load %arg17[%parallel_loop3A_235, %parallel_loop3A_236] {strides = array<i32>} : memref<64x128xf32, #tpu.memory_space<vmem>>, vector<16xf32>,
          tpu.vector_store %arg17[%parallel_loop3A_235, %parallel_loop3A_236], %parallel_loop3A_234 {strides = array<i32>} : memref<64x128xf32, #tpu.memory_space<vmem>>, vector<16xf32>,
          %parallel_loop3A_238 = arith.index_cast %parallel_loop3A_169 : i32 to index
          %parallel_loop3A_239 = arith.constant 16 : index
          %parallel_loop3A_240 = tpu.vector_load %arg17[%parallel_loop3A_238, %parallel_loop3A_239] {strides = array<i32>} : memref<64x128xf32, #tpu.memory_space<vmem>>, vector<16xf32>,
          %parallel_loop3A_241 = arith.constant 8 : i32
          %parallel_loop3A_242 = vector.broadcast %parallel_loop3A_241 : i32 to vector<16xi32>
          %parallel_loop3A_243 = arith.divsi %iota3A, %parallel_loop3A_242 : vector<16xi32>
          %parallel_loop3A_244 = arith.constant 0 : i32
          %parallel_loop3A_245 = vector.broadcast %parallel_loop3A_244 : i32 to vector<16xi32>
          %parallel_loop3A_246 = arith.cmpi sgt, %iota3A, %parallel_loop3A_245 : vector<16xi32>
          %parallel_loop3A_247 = arith.extui %parallel_loop3A_246 : vector<16xi1> to vector<16xi32>
          %parallel_loop3A_248 = arith.constant 0 : i32
          %parallel_loop3A_249 = vector.broadcast %parallel_loop3A_248 : i32 to vector<16xi32>
          %parallel_loop3A_250 = arith.cmpi slt, %iota3A, %parallel_loop3A_249 : vector<16xi32>
          %parallel_loop3A_251 = arith.extui %parallel_loop3A_250 : vector<16xi1> to vector<16xi32>
          %parallel_loop3A_252 = arith.subi %parallel_loop3A_247, %parallel_loop3A_251 : vector<16xi32>
          %parallel_loop3A_253 = arith.constant 0 : i32
          %parallel_loop3A_254 = arith.cmpi sgt, %parallel_loop3A_241, %parallel_loop3A_253 : i32
          %parallel_loop3A_255 = arith.extui %parallel_loop3A_254 : i1 to i32
          %parallel_loop3A_256 = arith.constant 0 : i32
          %parallel_loop3A_257 = arith.cmpi slt, %parallel_loop3A_241, %parallel_loop3A_256 : i32
          %parallel_loop3A_258 = arith.extui %parallel_loop3A_257 : i1 to i32
          %parallel_loop3A_259 = arith.subi %parallel_loop3A_255, %parallel_loop3A_258 : i32
          %parallel_loop3A_260 = vector.broadcast %parallel_loop3A_259 : i32 to vector<16xi32>
          %parallel_loop3A_261 = arith.cmpi ne, %parallel_loop3A_252, %parallel_loop3A_260 : vector<16xi32>
          %parallel_loop3A_262 = vector.broadcast %parallel_loop3A_241 : i32 to vector<16xi32>
          %parallel_loop3A_263 = arith.remsi %iota3A, %parallel_loop3A_262 : vector<16xi32>
          %parallel_loop3A_264 = arith.constant 0 : i32
          %parallel_loop3A_265 = vector.broadcast %parallel_loop3A_264 : i32 to vector<16xi32>
          %parallel_loop3A_266 = arith.cmpi ne, %parallel_loop3A_263, %parallel_loop3A_265 : vector<16xi32>
          %parallel_loop3A_267 = arith.andi %parallel_loop3A_261, %parallel_loop3A_266 : vector<16xi1>
          %parallel_loop3A_268 = arith.constant 1 : i32
          %parallel_loop3A_269 = vector.broadcast %parallel_loop3A_268 : i32 to vector<16xi32>
          %parallel_loop3A_270 = arith.subi %parallel_loop3A_243, %parallel_loop3A_269 : vector<16xi32>
          %parallel_loop3A_271 = arith.select %parallel_loop3A_267, %parallel_loop3A_270, %parallel_loop3A_243 : vector<16xi1>, vector<16xi32>
          %parallel_loop3A_272 = arith.constant 2 : i32
          %parallel_loop3A_273 = vector.broadcast %parallel_loop3A_272 : i32 to vector<16xi32>
          %parallel_loop3A_274 = arith.addi %parallel_loop3A_271, %parallel_loop3A_273 : vector<16xi32>
          %parallel_loop3A_275 = vector.shape_cast %parallel_loop3A_274 : vector<16xi32> to vector<16x1xi32>
          %parallel_loop3A_276 = vector.shape_cast %parallel_loop3A_275 : vector<16x1xi32> to vector<16xi32>
          %parallel_loop3A_277 = tpu.dynamic_gather %parallel_loop3A_190[%parallel_loop3A_276] in [0] : vector<16xf32>, vector<16xi32> -> vector<16xf32>
          %parallel_loop3A_278 = arith.mulf %parallel_loop3A_240, %parallel_loop3A_277 : vector<16xf32>
          %parallel_loop3A_279 = arith.index_cast %parallel_loop3A_169 : i32 to index
          %parallel_loop3A_280 = arith.constant 16 : index
          %parallel_loop3A_281 = tpu.vector_load %arg17[%parallel_loop3A_279, %parallel_loop3A_280] {strides = array<i32>} : memref<64x128xf32, #tpu.memory_space<vmem>>, vector<16xf32>,
          tpu.vector_store %arg17[%parallel_loop3A_279, %parallel_loop3A_280], %parallel_loop3A_278 {strides = array<i32>} : memref<64x128xf32, #tpu.memory_space<vmem>>, vector<16xf32>,
          %parallel_loop3A_282 = arith.index_cast %parallel_loop3A_169 : i32 to index
          %parallel_loop3A_283 = arith.constant 32 : index
          %parallel_loop3A_284 = tpu.vector_load %arg17[%parallel_loop3A_282, %parallel_loop3A_283] {strides = array<i32>} : memref<64x128xf32, #tpu.memory_space<vmem>>, vector<16xf32>,
          %parallel_loop3A_285 = arith.constant 8 : i32
          %parallel_loop3A_286 = vector.broadcast %parallel_loop3A_285 : i32 to vector<16xi32>
          %parallel_loop3A_287 = arith.divsi %iota3A, %parallel_loop3A_286 : vector<16xi32>
          %parallel_loop3A_288 = arith.constant 0 : i32
          %parallel_loop3A_289 = vector.broadcast %parallel_loop3A_288 : i32 to vector<16xi32>
          %parallel_loop3A_290 = arith.cmpi sgt, %iota3A, %parallel_loop3A_289 : vector<16xi32>
          %parallel_loop3A_291 = arith.extui %parallel_loop3A_290 : vector<16xi1> to vector<16xi32>
          %parallel_loop3A_292 = arith.constant 0 : i32
          %parallel_loop3A_293 = vector.broadcast %parallel_loop3A_292 : i32 to vector<16xi32>
          %parallel_loop3A_294 = arith.cmpi slt, %iota3A, %parallel_loop3A_293 : vector<16xi32>
          %parallel_loop3A_295 = arith.extui %parallel_loop3A_294 : vector<16xi1> to vector<16xi32>
          %parallel_loop3A_296 = arith.subi %parallel_loop3A_291, %parallel_loop3A_295 : vector<16xi32>
          %parallel_loop3A_297 = arith.constant 0 : i32
          %parallel_loop3A_298 = arith.cmpi sgt, %parallel_loop3A_285, %parallel_loop3A_297 : i32
          %parallel_loop3A_299 = arith.extui %parallel_loop3A_298 : i1 to i32
          %parallel_loop3A_300 = arith.constant 0 : i32
          %parallel_loop3A_301 = arith.cmpi slt, %parallel_loop3A_285, %parallel_loop3A_300 : i32
          %parallel_loop3A_302 = arith.extui %parallel_loop3A_301 : i1 to i32
          %parallel_loop3A_303 = arith.subi %parallel_loop3A_299, %parallel_loop3A_302 : i32
          %parallel_loop3A_304 = vector.broadcast %parallel_loop3A_303 : i32 to vector<16xi32>
          %parallel_loop3A_305 = arith.cmpi ne, %parallel_loop3A_296, %parallel_loop3A_304 : vector<16xi32>
          %parallel_loop3A_306 = vector.broadcast %parallel_loop3A_285 : i32 to vector<16xi32>
          %parallel_loop3A_307 = arith.remsi %iota3A, %parallel_loop3A_306 : vector<16xi32>
          %parallel_loop3A_308 = arith.constant 0 : i32
          %parallel_loop3A_309 = vector.broadcast %parallel_loop3A_308 : i32 to vector<16xi32>
          %parallel_loop3A_310 = arith.cmpi ne, %parallel_loop3A_307, %parallel_loop3A_309 : vector<16xi32>
          %parallel_loop3A_311 = arith.andi %parallel_loop3A_305, %parallel_loop3A_310 : vector<16xi1>
          %parallel_loop3A_312 = arith.constant 1 : i32
          %parallel_loop3A_313 = vector.broadcast %parallel_loop3A_312 : i32 to vector<16xi32>
          %parallel_loop3A_314 = arith.subi %parallel_loop3A_287, %parallel_loop3A_313 : vector<16xi32>
          %parallel_loop3A_315 = arith.select %parallel_loop3A_311, %parallel_loop3A_314, %parallel_loop3A_287 : vector<16xi1>, vector<16xi32>
          %parallel_loop3A_316 = arith.constant 4 : i32
          %parallel_loop3A_317 = vector.broadcast %parallel_loop3A_316 : i32 to vector<16xi32>
          %parallel_loop3A_318 = arith.addi %parallel_loop3A_315, %parallel_loop3A_317 : vector<16xi32>
          %parallel_loop3A_319 = vector.shape_cast %parallel_loop3A_318 : vector<16xi32> to vector<16x1xi32>
          %parallel_loop3A_320 = vector.shape_cast %parallel_loop3A_319 : vector<16x1xi32> to vector<16xi32>
          %parallel_loop3A_321 = tpu.dynamic_gather %parallel_loop3A_190[%parallel_loop3A_320] in [0] : vector<16xf32>, vector<16xi32> -> vector<16xf32>
          %parallel_loop3A_322 = arith.mulf %parallel_loop3A_284, %parallel_loop3A_321 : vector<16xf32>
          %parallel_loop3A_323 = arith.index_cast %parallel_loop3A_169 : i32 to index
          %parallel_loop3A_324 = arith.constant 32 : index
          %parallel_loop3A_325 = tpu.vector_load %arg17[%parallel_loop3A_323, %parallel_loop3A_324] {strides = array<i32>} : memref<64x128xf32, #tpu.memory_space<vmem>>, vector<16xf32>,
          tpu.vector_store %arg17[%parallel_loop3A_323, %parallel_loop3A_324], %parallel_loop3A_322 {strides = array<i32>} : memref<64x128xf32, #tpu.memory_space<vmem>>, vector<16xf32>,
          %parallel_loop3A_326 = arith.index_cast %parallel_loop3A_169 : i32 to index
          %parallel_loop3A_327 = arith.constant 48 : index
          %parallel_loop3A_328 = tpu.vector_load %arg17[%parallel_loop3A_326, %parallel_loop3A_327] {strides = array<i32>} : memref<64x128xf32, #tpu.memory_space<vmem>>, vector<16xf32>,
          %parallel_loop3A_329 = arith.constant 8 : i32
          %parallel_loop3A_330 = vector.broadcast %parallel_loop3A_329 : i32 to vector<16xi32>
          %parallel_loop3A_331 = arith.divsi %iota3A, %parallel_loop3A_330 : vector<16xi32>
          %parallel_loop3A_332 = arith.constant 0 : i32
          %parallel_loop3A_333 = vector.broadcast %parallel_loop3A_332 : i32 to vector<16xi32>
          %parallel_loop3A_334 = arith.cmpi sgt, %iota3A, %parallel_loop3A_333 : vector<16xi32>
          %parallel_loop3A_335 = arith.extui %parallel_loop3A_334 : vector<16xi1> to vector<16xi32>
          %parallel_loop3A_336 = arith.constant 0 : i32
          %parallel_loop3A_337 = vector.broadcast %parallel_loop3A_336 : i32 to vector<16xi32>
          %parallel_loop3A_338 = arith.cmpi slt, %iota3A, %parallel_loop3A_337 : vector<16xi32>
          %parallel_loop3A_339 = arith.extui %parallel_loop3A_338 : vector<16xi1> to vector<16xi32>
          %parallel_loop3A_340 = arith.subi %parallel_loop3A_335, %parallel_loop3A_339 : vector<16xi32>
          %parallel_loop3A_341 = arith.constant 0 : i32
          %parallel_loop3A_342 = arith.cmpi sgt, %parallel_loop3A_329, %parallel_loop3A_341 : i32
          %parallel_loop3A_343 = arith.extui %parallel_loop3A_342 : i1 to i32
          %parallel_loop3A_344 = arith.constant 0 : i32
          %parallel_loop3A_345 = arith.cmpi slt, %parallel_loop3A_329, %parallel_loop3A_344 : i32
          %parallel_loop3A_346 = arith.extui %parallel_loop3A_345 : i1 to i32
          %parallel_loop3A_347 = arith.subi %parallel_loop3A_343, %parallel_loop3A_346 : i32
          %parallel_loop3A_348 = vector.broadcast %parallel_loop3A_347 : i32 to vector<16xi32>
          %parallel_loop3A_349 = arith.cmpi ne, %parallel_loop3A_340, %parallel_loop3A_348 : vector<16xi32>
          %parallel_loop3A_350 = vector.broadcast %parallel_loop3A_329 : i32 to vector<16xi32>
          %parallel_loop3A_351 = arith.remsi %iota3A, %parallel_loop3A_350 : vector<16xi32>
          %parallel_loop3A_352 = arith.constant 0 : i32
          %parallel_loop3A_353 = vector.broadcast %parallel_loop3A_352 : i32 to vector<16xi32>
          %parallel_loop3A_354 = arith.cmpi ne, %parallel_loop3A_351, %parallel_loop3A_353 : vector<16xi32>
          %parallel_loop3A_355 = arith.andi %parallel_loop3A_349, %parallel_loop3A_354 : vector<16xi1>
          %parallel_loop3A_356 = arith.constant 1 : i32
          %parallel_loop3A_357 = vector.broadcast %parallel_loop3A_356 : i32 to vector<16xi32>
          %parallel_loop3A_358 = arith.subi %parallel_loop3A_331, %parallel_loop3A_357 : vector<16xi32>
          %parallel_loop3A_359 = arith.select %parallel_loop3A_355, %parallel_loop3A_358, %parallel_loop3A_331 : vector<16xi1>, vector<16xi32>
          %parallel_loop3A_360 = arith.constant 6 : i32
          %parallel_loop3A_361 = vector.broadcast %parallel_loop3A_360 : i32 to vector<16xi32>
          %parallel_loop3A_362 = arith.addi %parallel_loop3A_359, %parallel_loop3A_361 : vector<16xi32>
          %parallel_loop3A_363 = vector.shape_cast %parallel_loop3A_362 : vector<16xi32> to vector<16x1xi32>
          %parallel_loop3A_364 = vector.shape_cast %parallel_loop3A_363 : vector<16x1xi32> to vector<16xi32>
          %parallel_loop3A_365 = tpu.dynamic_gather %parallel_loop3A_190[%parallel_loop3A_364] in [0] : vector<16xf32>, vector<16xi32> -> vector<16xf32>
          %parallel_loop3A_366 = arith.mulf %parallel_loop3A_328, %parallel_loop3A_365 : vector<16xf32>
          %parallel_loop3A_367 = arith.index_cast %parallel_loop3A_169 : i32 to index
          %parallel_loop3A_368 = arith.constant 48 : index
          %parallel_loop3A_369 = tpu.vector_load %arg17[%parallel_loop3A_367, %parallel_loop3A_368] {strides = array<i32>} : memref<64x128xf32, #tpu.memory_space<vmem>>, vector<16xf32>,
          tpu.vector_store %arg17[%parallel_loop3A_367, %parallel_loop3A_368], %parallel_loop3A_366 {strides = array<i32>} : memref<64x128xf32, #tpu.memory_space<vmem>>, vector<16xf32>,
        } {sc.loop_unroll_factor = 8 : i64, sc.parallel_access}
        %dma_start3A_162 = arith.constant 0 : i32
        %dma_start3A_163 = tpu.memref_slice %arg15[%add3A_134, %dma_start3A_162] : memref<8x64xi32, #tpu.memory_space<vmem>> -> memref<1x64xi32, #tpu.memory_space<vmem>>
        %dma_start3A_164 = tpu.memref_squeeze %dma_start3A_163 : memref<1x64xi32, #tpu.memory_space<vmem>> -> memref<64xi32, #tpu.memory_space<vmem>>
        %dma_start3A_165 = arith.constant 0 : i32
        %dma_start3A_166 = arith.constant 0 : i32
        %dma_start3A_167 = tpu.memref_slice %arg9[%dma_start3A_165, %dma_start3A_166] : memref<10112x128xf32, #tpu.memory_space<vmem_shared>> -> memref<10112x128xf32, #tpu.memory_space<vmem_shared>>
        tpu.enqueue_indirect_dma source(%arg17 : memref<64x128xf32, #tpu.memory_space<vmem>>) target(%dma_start3A_167 : memref<10112x128xf32, #tpu.memory_space<vmem_shared>>) offsets(%dma_start3A_164 : memref<64xi32, #tpu.memory_space<vmem>>) semaphore(%arg23 : memref<!tpu.dma_semaphore, #tpu.memory_space<semaphore_mem>>) {add = true}
        %scan3A_168 = arith.constant 0 : i32
        scf.yield %scan3A_168 : i32
      }
      %scan3A_89 = arith.constant 4 : i32
      %dma_wait3A = arith.constant 7 : i32
      %dma_wait3A_90 = arith.constant 0 : i32
      %dma_wait3A_91 = tpu.memref_slice %arg15[%dma_wait3A, %dma_wait3A_90] : memref<8x64xi32, #tpu.memory_space<vmem>> -> memref<1x64xi32, #tpu.memory_space<vmem>>
      %dma_wait3A_92 = tpu.memref_squeeze %dma_wait3A_91 : memref<1x64xi32, #tpu.memory_space<vmem>> -> memref<64xi32, #tpu.memory_space<vmem>>
      %dma_wait3A_93 = arith.constant 0 : i32
      %dma_wait3A_94 = arith.constant 0 : i32
      %dma_wait3A_95 = tpu.memref_slice %arg9[%dma_wait3A_93, %dma_wait3A_94] : memref<10112x128xf32, #tpu.memory_space<vmem_shared>> -> memref<10112x128xf32, #tpu.memory_space<vmem_shared>>
      tpu.wait_indirect_dma semaphore(%arg23 : memref<!tpu.dma_semaphore, #tpu.memory_space<semaphore_mem>>) src(%arg17 : memref<64x128xf32, #tpu.memory_space<vmem>>) dst(%dma_wait3A_95 : memref<10112x128xf32, #tpu.memory_space<vmem_shared>>)
      %scan3A_96 = arith.constant 0 : i32
      scf.yield %scan3A_96 : i32
    }
    %scan3A_47 = arith.constant 20 : i32
    %barrier3A_48 = arith.constant 0 : index
    tpu.barrier barrier_id(%barrier3A_48)
    "tpu.region"() ({
      %run_scoped3A = tpu.sem_alloc : memref<!tpu.dma_semaphore, #tpu.memory_space<semaphore_mem>>
      %dma_start3A = arith.constant 0 : i32
      %dma_start3A_58 = tpu.memref_slice %arg7[%arg0, %mul3A_4, %dma_start3A] : memref<2x10112x128xf32, #tpu.memory_space<hbm>> -> memref<1x632x128xf32, #tpu.memory_space<hbm>>
      %dma_start3A_59 = tpu.memref_squeeze %dma_start3A_58 : memref<1x632x128xf32, #tpu.memory_space<hbm>> -> memref<632x128xf32, #tpu.memory_space<hbm>>
      %dma_start3A_60 = arith.constant 0 : i32
      %dma_start3A_61 = tpu.memref_slice %arg9[%mul3A_4, %dma_start3A_60] : memref<10112x128xf32, #tpu.memory_space<vmem_shared>> -> memref<632x128xf32, #tpu.memory_space<vmem_shared>>
      tpu.enqueue_dma source(%dma_start3A_61 : memref<632x128xf32, #tpu.memory_space<vmem_shared>>) target(%dma_start3A_59 : memref<632x128xf32, #tpu.memory_space<hbm>>) target_semaphore(%run_scoped3A : memref<!tpu.dma_semaphore, #tpu.memory_space<semaphore_mem>>)
      %dma_wait3A = arith.constant 0 : i32
      %dma_wait3A_62 = tpu.memref_slice %arg7[%arg0, %mul3A_4, %dma_wait3A] : memref<2x10112x128xf32, #tpu.memory_space<hbm>> -> memref<1x632x128xf32, #tpu.memory_space<hbm>>
      %dma_wait3A_63 = tpu.memref_squeeze %dma_wait3A_62 : memref<1x632x128xf32, #tpu.memory_space<hbm>> -> memref<632x128xf32, #tpu.memory_space<hbm>>
      %dma_wait3A_64 = arith.constant 0 : i32
      %dma_wait3A_65 = tpu.memref_slice %arg9[%mul3A_4, %dma_wait3A_64] : memref<10112x128xf32, #tpu.memory_space<vmem_shared>> -> memref<632x128xf32, #tpu.memory_space<vmem_shared>>
      tpu.wait_dma2 semaphore(%run_scoped3A : memref<!tpu.dma_semaphore, #tpu.memory_space<semaphore_mem>>) src(%dma_wait3A_65 : memref<632x128xf32, #tpu.memory_space<vmem_shared>>) dst(%dma_wait3A_63 : memref<632x128xf32, #tpu.memory_space<hbm>>)
      tpu.yield
    }) : () -> ()
    "tpu.region"() ({
      %run_scoped3A = tpu.sem_alloc : memref<!tpu.dma_semaphore, #tpu.memory_space<semaphore_mem>>
      %dma_start3A = arith.constant 0 : i32
      %dma_start3A_58 = tpu.memref_slice %arg9[%mul3A_4, %dma_start3A] : memref<10112x128xf32, #tpu.memory_space<vmem_shared>> -> memref<632x128xf32, #tpu.memory_space<vmem_shared>>
      tpu.enqueue_dma source(%arg6 : memref<632x128xf32, #tpu.memory_space<hbm>>) target(%dma_start3A_58 : memref<632x128xf32, #tpu.memory_space<vmem_shared>>) target_semaphore(%run_scoped3A : memref<!tpu.dma_semaphore, #tpu.memory_space<semaphore_mem>>)
      %dma_wait3A = arith.constant 0 : i32
      %dma_wait3A_59 = tpu.memref_slice %arg9[%mul3A_4, %dma_wait3A] : memref<10112x128xf32, #tpu.memory_space<vmem_shared>> -> memref<632x128xf32, #tpu.memory_space<vmem_shared>>
      tpu.wait_dma2 semaphore(%run_scoped3A : memref<!tpu.dma_semaphore, #tpu.memory_space<semaphore_mem>>) src(%arg6 : memref<632x128xf32, #tpu.memory_space<hbm>>) dst(%dma_wait3A_59 : memref<632x128xf32, #tpu.memory_space<vmem_shared>>)
      tpu.yield
    }) : () -> ()
    %barrier3A_49 = arith.constant 0 : index
    tpu.barrier barrier_id(%barrier3A_49)
    %scan3A_50 = arith.constant 0 : i32
    %scan3A_51 = arith.constant 0 : i32
    %scan3A_52 = arith.constant 20 : i32
    %scan3A_53 = arith.addi %scan3A_51, %scan3A_52 : i32
    %scan3A_54 = arith.constant 1 : i32
    %scan3A_55 = scf.for %scan3A_58 = %scan3A_51 to %scan3A_53 step %scan3A_54 iter_args(%scan3A_59 = %scan3A_50) -> (i32)  : i32 {
      %mul3A_60 = arith.constant 512 : i32
      %mul3A_61 = arith.muli %scan3A_58, %mul3A_60 : i32
      %add3A_62 = arith.addi %mul3A_2, %mul3A_61 : i32
      %multiple_of3A = tpu.assume_multiple %add3A_62, 512 : i32
      "tpu.region"() ({
        %run_scoped3A = tpu.sem_alloc : memref<!tpu.dma_semaphore, #tpu.memory_space<semaphore_mem>>
        %dma_start3A_97 = tpu.memref_slice %arg2[%multiple_of3A] : memref<327680xi32, #tpu.memory_space<hbm>> -> memref<512xi32, #tpu.memory_space<hbm>>
        %dma_start3A_98 = tpu.memref_slice %arg2[%multiple_of3A] : memref<327680xi32, #tpu.memory_space<hbm>> -> memref<512xi32, #tpu.memory_space<hbm>>
        tpu.enqueue_dma source(%dma_start3A_98 : memref<512xi32, #tpu.memory_space<hbm>>) target(%arg11 : memref<512xi32, #tpu.memory_space<vmem>>) target_semaphore(%run_scoped3A : memref<!tpu.dma_semaphore, #tpu.memory_space<semaphore_mem>>)
        %dma_wait3A_99 = tpu.memref_slice %arg2[%multiple_of3A] : memref<327680xi32, #tpu.memory_space<hbm>> -> memref<512xi32, #tpu.memory_space<hbm>>
        %dma_wait3A_100 = tpu.memref_slice %arg2[%multiple_of3A] : memref<327680xi32, #tpu.memory_space<hbm>> -> memref<512xi32, #tpu.memory_space<hbm>>
        tpu.wait_dma2 semaphore(%run_scoped3A : memref<!tpu.dma_semaphore, #tpu.memory_space<semaphore_mem>>) src(%dma_wait3A_100 : memref<512xi32, #tpu.memory_space<hbm>>) dst(%arg11 : memref<512xi32, #tpu.memory_space<vmem>>)
        tpu.yield
      }) : () -> ()
      "tpu.region"() ({
        %run_scoped3A = tpu.sem_alloc : memref<!tpu.dma_semaphore, #tpu.memory_space<semaphore_mem>>
        %dma_start3A_97 = tpu.memref_slice %arg3[%multiple_of3A] : memref<327680xi32, #tpu.memory_space<hbm>> -> memref<512xi32, #tpu.memory_space<hbm>>
        %dma_start3A_98 = tpu.memref_slice %arg3[%multiple_of3A] : memref<327680xi32, #tpu.memory_space<hbm>> -> memref<512xi32, #tpu.memory_space<hbm>>
        tpu.enqueue_dma source(%dma_start3A_98 : memref<512xi32, #tpu.memory_space<hbm>>) target(%arg12 : memref<512xi32, #tpu.memory_space<vmem>>) target_semaphore(%run_scoped3A : memref<!tpu.dma_semaphore, #tpu.memory_space<semaphore_mem>>)
        %dma_wait3A_99 = tpu.memref_slice %arg3[%multiple_of3A] : memref<327680xi32, #tpu.memory_space<hbm>> -> memref<512xi32, #tpu.memory_space<hbm>>
        %dma_wait3A_100 = tpu.memref_slice %arg3[%multiple_of3A] : memref<327680xi32, #tpu.memory_space<hbm>> -> memref<512xi32, #tpu.memory_space<hbm>>
        tpu.wait_dma2 semaphore(%run_scoped3A : memref<!tpu.dma_semaphore, #tpu.memory_space<semaphore_mem>>) src(%dma_wait3A_100 : memref<512xi32, #tpu.memory_space<hbm>>) dst(%arg12 : memref<512xi32, #tpu.memory_space<vmem>>)
        tpu.yield
      }) : () -> ()
      %scan3A_63 = arith.constant 0 : i32
      %scan3A_64 = arith.constant 0 : i32
      %scan3A_65 = arith.constant 32 : i32
      %scan3A_66 = arith.addi %scan3A_64, %scan3A_65 : i32
      %scan3A_67 = arith.constant 1 : i32
      %scan3A_68 = scf.for %scan3A_97 = %scan3A_64 to %scan3A_66 step %scan3A_67 iter_args(%scan3A_98 = %scan3A_63) -> (i32)  : i32 {
        %mul3A_99 = arith.constant 16 : i32
        %mul3A_100 = arith.muli %scan3A_97, %mul3A_99 : i32
        %get3A = arith.index_cast %mul3A_100 : i32 to index
        %get3A_101 = tpu.vector_load %arg11[%get3A] {strides = array<i32>} : memref<512xi32, #tpu.memory_space<vmem>>, vector<16xi32>,
        %mul3A_102 = arith.constant 16 : i32
        %mul3A_103 = arith.muli %scan3A_97, %mul3A_102 : i32
        %get3A_104 = arith.index_cast %mul3A_103 : i32 to index
        %get3A_105 = tpu.vector_load %arg12[%get3A_104] {strides = array<i32>} : memref<512xi32, #tpu.memory_space<vmem>>, vector<16xi32>,
        %ne3A = arith.cmpi ne, %get3A_101, %get3A_105 : vector<16xi32>
        %gather3A = tpu.vector_load_idx %arg10[%get3A_105] : memref<10544xi32, #tpu.memory_space<vmem>>[vector<16xi32>], vector<16xi32>,
        %and3A = arith.constant 65535 : i32
        %and3A_106 = vector.broadcast %and3A : i32 to vector<16xi32>
        %and3A_107 = arith.andi %gather3A, %and3A_106 : vector<16xi32>
        %shift_right_logical3A = arith.constant 16 : i32
        %shift_right_logical3A_108 = vector.broadcast %shift_right_logical3A : i32 to vector<16xi32>
        %shift_right_logical3A_109 = arith.shrui %gather3A, %shift_right_logical3A_108 : vector<16xi32>
        %ne3A_110 = arith.cmpi ne, %and3A_107, %shift_right_logical3A_109 : vector<16xi32>
        %and3A_111 = arith.andi %ne3A, %ne3A_110 : vector<16xi1>
        %jit3A = arith.constant 4 : i32
        %div3A = arith.divsi %scan3A_97, %jit3A : i32
        %sign3A = arith.constant 0 : i32
        %sign3A_112 = arith.cmpi sgt, %scan3A_97, %sign3A : i32
        %sign3A_113 = arith.extui %sign3A_112 : i1 to i32
        %sign3A_114 = arith.constant 0 : i32
        %sign3A_115 = arith.cmpi slt, %scan3A_97, %sign3A_114 : i32
        %sign3A_116 = arith.extui %sign3A_115 : i1 to i32
        %sign3A_117 = arith.subi %sign3A_113, %sign3A_116 : i32
        %sign3A_118 = arith.constant 0 : i32
        %sign3A_119 = arith.cmpi sgt, %jit3A, %sign3A_118 : i32
        %sign3A_120 = arith.extui %sign3A_119 : i1 to i32
        %sign3A_121 = arith.constant 0 : i32
        %sign3A_122 = arith.cmpi slt, %jit3A, %sign3A_121 : i32
        %sign3A_123 = arith.extui %sign3A_122 : i1 to i32
        %sign3A_124 = arith.subi %sign3A_120, %sign3A_123 : i32
        %ne3A_125 = arith.cmpi ne, %sign3A_117, %sign3A_124 : i32
        %rem3A = arith.remsi %scan3A_97, %jit3A : i32
        %ne3A_126 = arith.constant 0 : i32
        %ne3A_127 = arith.cmpi ne, %rem3A, %ne3A_126 : i32
        %and3A_128 = arith.andi %ne3A_125, %ne3A_127 : i1
        %sub3A = arith.constant 1 : i32
        %sub3A_129 = arith.subi %div3A, %sub3A : i32
        %select_n3A = arith.select %and3A_128, %sub3A_129, %div3A : i32
        %jit3A_130 = arith.constant 4 : i32
        %eq3A = arith.constant 0 : i32
        %eq3A_131 = arith.cmpi eq, %jit3A_130, %eq3A : i32
        %jit3A_132 = arith.constant 1 : i32
        %select_n3A_133 = arith.select %eq3A_131, %jit3A_132, %jit3A_130 : i32
        %rem3A_134 = arith.remsi %scan3A_97, %select_n3A_133 : i32
        %ne3A_135 = arith.constant 0 : i32
        %ne3A_136 = arith.cmpi ne, %rem3A_134, %ne3A_135 : i32
        %lt3A = arith.constant 0 : i32
        %lt3A_137 = arith.cmpi slt, %rem3A_134, %lt3A : i32
        %lt3A_138 = arith.constant 0 : i32
        %lt3A_139 = arith.cmpi slt, %select_n3A_133, %lt3A_138 : i32
        %ne3A_140 = arith.xori %lt3A_137, %lt3A_139 : i1
        %and3A_141 = arith.andi %ne3A_140, %ne3A_136 : i1
        %add3A_142 = arith.addi %rem3A_134, %select_n3A_133 : i32
        %select_n3A_143 = arith.select %and3A_141, %add3A_142, %rem3A_134 : i32
        %mul3A_144 = arith.constant 16 : i32
        %mul3A_145 = arith.muli %select_n3A_143, %mul3A_144 : i32
        %swap3A_146 = arith.index_cast %select_n3A : i32 to index
        %swap3A_147 = arith.index_cast %mul3A_145 : i32 to index
        %swap3A_148 = tpu.vector_load %arg13[%swap3A_146, %swap3A_147] {strides = array<i32>} : memref<8x64xi32, #tpu.memory_space<vmem>>, vector<16xi32>,
        tpu.vector_store %arg13[%swap3A_146, %swap3A_147], %and3A_107 {strides = array<i32>} : memref<8x64xi32, #tpu.memory_space<vmem>>, vector<16xi32>,
        %swap3A_149 = arith.index_cast %select_n3A : i32 to index
        %swap3A_150 = arith.index_cast %mul3A_145 : i32 to index
        %swap3A_151 = tpu.vector_load %arg14[%swap3A_149, %swap3A_150] {strides = array<i32>} : memref<8x64xi32, #tpu.memory_space<vmem>>, vector<16xi32>,
        tpu.vector_store %arg14[%swap3A_149, %swap3A_150], %shift_right_logical3A_109 {strides = array<i32>} : memref<8x64xi32, #tpu.memory_space<vmem>>, vector<16xi32>,
        %jit3A_152 = arith.constant 10000 : i32
        %broadcast_in_dim3A = vector.broadcast %jit3A_152 : i32 to vector<16xi32>
        %select_n3A_153 = arith.select %and3A_111, %shift_right_logical3A_109, %broadcast_in_dim3A : vector<16xi1>, vector<16xi32>
        %swap3A_154 = arith.index_cast %select_n3A : i32 to index
        %swap3A_155 = arith.index_cast %mul3A_145 : i32 to index
        %swap3A_156 = tpu.vector_load %arg15[%swap3A_154, %swap3A_155] {strides = array<i32>} : memref<8x64xi32, #tpu.memory_space<vmem>>, vector<16xi32>,
        tpu.vector_store %arg15[%swap3A_154, %swap3A_155], %select_n3A_153 {strides = array<i32>} : memref<8x64xi32, #tpu.memory_space<vmem>>, vector<16xi32>,
        %scan3A_157 = arith.constant 0 : i32
        scf.yield %scan3A_157 : i32
      }
      %scan3A_69 = arith.constant 32 : i32
      %dma_start3A = arith.constant 0 : i32
      %dma_start3A_70 = arith.constant 0 : i32
      %dma_start3A_71 = tpu.memref_slice %arg13[%dma_start3A, %dma_start3A_70] : memref<8x64xi32, #tpu.memory_space<vmem>> -> memref<1x64xi32, #tpu.memory_space<vmem>>
      %dma_start3A_72 = tpu.memref_squeeze %dma_start3A_71 : memref<1x64xi32, #tpu.memory_space<vmem>> -> memref<64xi32, #tpu.memory_space<vmem>>
      %dma_start3A_73 = arith.constant 0 : i32
      %dma_start3A_74 = arith.constant 0 : i32
      %dma_start3A_75 = tpu.memref_slice %arg5[%dma_start3A_73, %dma_start3A_74] : memref<10000x128xf32, #tpu.memory_space<hbm>> -> memref<10000x128xf32, #tpu.memory_space<hbm>>
      tpu.enqueue_indirect_dma source(%dma_start3A_75 : memref<10000x128xf32, #tpu.memory_space<hbm>>) target(%arg16 : memref<64x128xf32, #tpu.memory_space<vmem>>) offsets(%dma_start3A_72 : memref<64xi32, #tpu.memory_space<vmem>>) semaphore(%arg20 : memref<!tpu.dma_semaphore, #tpu.memory_space<semaphore_mem>>)
      %dma_start3A_76 = arith.constant 0 : i32
      %dma_start3A_77 = arith.constant 0 : i32
      %dma_start3A_78 = tpu.memref_slice %arg14[%dma_start3A_76, %dma_start3A_77] : memref<8x64xi32, #tpu.memory_space<vmem>> -> memref<1x64xi32, #tpu.memory_space<vmem>>
      %dma_start3A_79 = tpu.memref_squeeze %dma_start3A_78 : memref<1x64xi32, #tpu.memory_space<vmem>> -> memref<64xi32, #tpu.memory_space<vmem>>
      %dma_start3A_80 = arith.constant 0 : i32
      %dma_start3A_81 = arith.constant 0 : i32
      %dma_start3A_82 = tpu.memref_slice %arg5[%dma_start3A_80, %dma_start3A_81] : memref<10000x128xf32, #tpu.memory_space<hbm>> -> memref<10000x128xf32, #tpu.memory_space<hbm>>
      tpu.enqueue_indirect_dma source(%dma_start3A_82 : memref<10000x128xf32, #tpu.memory_space<hbm>>) target(%arg18 : memref<64x128xf32, #tpu.memory_space<vmem>>) offsets(%dma_start3A_79 : memref<64xi32, #tpu.memory_space<vmem>>) semaphore(%arg20 : memref<!tpu.dma_semaphore, #tpu.memory_space<semaphore_mem>>)
      %scan3A_83 = arith.constant 0 : i32
      %scan3A_84 = arith.constant 0 : i32
      %scan3A_85 = arith.constant 4 : i32
      %scan3A_86 = arith.addi %scan3A_84, %scan3A_85 : i32
      %scan3A_87 = arith.constant 1 : i32
      %scan3A_88 = scf.for %scan3A_97 = %scan3A_84 to %scan3A_86 step %scan3A_87 iter_args(%scan3A_98 = %scan3A_83) -> (i32)  : i32 {
        %mul3A_99 = arith.constant 2 : i32
        %mul3A_100 = arith.muli %scan3A_97, %mul3A_99 : i32
        %add3A_101 = arith.constant 0 : i32
        %add3A_102 = arith.addi %mul3A_100, %add3A_101 : i32
        %dma_wait3A_103 = arith.constant 0 : i32
        %dma_wait3A_104 = tpu.memref_slice %arg13[%add3A_102, %dma_wait3A_103] : memref<8x64xi32, #tpu.memory_space<vmem>> -> memref<1x64xi32, #tpu.memory_space<vmem>>
        %dma_wait3A_105 = tpu.memref_squeeze %dma_wait3A_104 : memref<1x64xi32, #tpu.memory_space<vmem>> -> memref<64xi32, #tpu.memory_space<vmem>>
        %dma_wait3A_106 = arith.constant 0 : i32
        %dma_wait3A_107 = arith.constant 0 : i32
        %dma_wait3A_108 = tpu.memref_slice %arg5[%dma_wait3A_106, %dma_wait3A_107] : memref<10000x128xf32, #tpu.memory_space<hbm>> -> memref<10000x128xf32, #tpu.memory_space<hbm>>
        tpu.wait_indirect_dma semaphore(%arg20 : memref<!tpu.dma_semaphore, #tpu.memory_space<semaphore_mem>>) src(%dma_wait3A_108 : memref<10000x128xf32, #tpu.memory_space<hbm>>) dst(%arg16 : memref<64x128xf32, #tpu.memory_space<vmem>>)
        %dma_wait3A_109 = arith.constant 0 : i32
        %dma_wait3A_110 = tpu.memref_slice %arg14[%add3A_102, %dma_wait3A_109] : memref<8x64xi32, #tpu.memory_space<vmem>> -> memref<1x64xi32, #tpu.memory_space<vmem>>
        %dma_wait3A_111 = tpu.memref_squeeze %dma_wait3A_110 : memref<1x64xi32, #tpu.memory_space<vmem>> -> memref<64xi32, #tpu.memory_space<vmem>>
        %dma_wait3A_112 = arith.constant 0 : i32
        %dma_wait3A_113 = arith.constant 0 : i32
        %dma_wait3A_114 = tpu.memref_slice %arg5[%dma_wait3A_112, %dma_wait3A_113] : memref<10000x128xf32, #tpu.memory_space<hbm>> -> memref<10000x128xf32, #tpu.memory_space<hbm>>
        tpu.wait_indirect_dma semaphore(%arg20 : memref<!tpu.dma_semaphore, #tpu.memory_space<semaphore_mem>>) src(%dma_wait3A_114 : memref<10000x128xf32, #tpu.memory_space<hbm>>) dst(%arg18 : memref<64x128xf32, #tpu.memory_space<vmem>>)
        %ge3A = arith.constant 1 : i32
        %ge3A_115 = arith.cmpi sge, %add3A_102, %ge3A : i32
        %convert_element_type3A = arith.extui %ge3A_115 : i1 to i32
        %cond3A = arith.constant 0 : i32
        %cond3A_116 = arith.cmpi ne, %convert_element_type3A, %cond3A : i32
        scf.if %cond3A_116 {
          %sub3A = arith.constant 1 : i32
          %sub3A_169 = arith.subi %add3A_102, %sub3A : i32
          %dma_wait3A_170 = arith.constant 0 : i32
          %dma_wait3A_171 = tpu.memref_slice %arg15[%sub3A_169, %dma_wait3A_170] : memref<8x64xi32, #tpu.memory_space<vmem>> -> memref<1x64xi32, #tpu.memory_space<vmem>>
          %dma_wait3A_172 = tpu.memref_squeeze %dma_wait3A_171 : memref<1x64xi32, #tpu.memory_space<vmem>> -> memref<64xi32, #tpu.memory_space<vmem>>
          %dma_wait3A_173 = arith.constant 0 : i32
          %dma_wait3A_174 = arith.constant 0 : i32
          %dma_wait3A_175 = tpu.memref_slice %arg9[%dma_wait3A_173, %dma_wait3A_174] : memref<10112x128xf32, #tpu.memory_space<vmem_shared>> -> memref<10112x128xf32, #tpu.memory_space<vmem_shared>>
          tpu.wait_indirect_dma semaphore(%arg23 : memref<!tpu.dma_semaphore, #tpu.memory_space<semaphore_mem>>) src(%arg17 : memref<64x128xf32, #tpu.memory_space<vmem>>) dst(%dma_wait3A_175 : memref<10112x128xf32, #tpu.memory_space<vmem_shared>>)
        } else {
        }
        %add3A_117 = arith.constant 1 : i32
        %add3A_118 = arith.addi %add3A_102, %add3A_117 : i32
        %lt3A = arith.constant 8 : i32
        %lt3A_119 = arith.cmpi slt, %add3A_118, %lt3A : i32
        %convert_element_type3A_120 = arith.extui %lt3A_119 : i1 to i32
        %cond3A_121 = arith.constant 0 : i32
        %cond3A_122 = arith.cmpi ne, %convert_element_type3A_120, %cond3A_121 : i32
        scf.if %cond3A_122 {
          %add3A_169 = arith.constant 1 : i32
          %add3A_170 = arith.addi %add3A_102, %add3A_169 : i32
          %dma_start3A_171 = arith.constant 0 : i32
          %dma_start3A_172 = tpu.memref_slice %arg13[%add3A_170, %dma_start3A_171] : memref<8x64xi32, #tpu.memory_space<vmem>> -> memref<1x64xi32, #tpu.memory_space<vmem>>
          %dma_start3A_173 = tpu.memref_squeeze %dma_start3A_172 : memref<1x64xi32, #tpu.memory_space<vmem>> -> memref<64xi32, #tpu.memory_space<vmem>>
          %dma_start3A_174 = arith.constant 0 : i32
          %dma_start3A_175 = arith.constant 0 : i32
          %dma_start3A_176 = tpu.memref_slice %arg5[%dma_start3A_174, %dma_start3A_175] : memref<10000x128xf32, #tpu.memory_space<hbm>> -> memref<10000x128xf32, #tpu.memory_space<hbm>>
          tpu.enqueue_indirect_dma source(%dma_start3A_176 : memref<10000x128xf32, #tpu.memory_space<hbm>>) target(%arg17 : memref<64x128xf32, #tpu.memory_space<vmem>>) offsets(%dma_start3A_173 : memref<64xi32, #tpu.memory_space<vmem>>) semaphore(%arg21 : memref<!tpu.dma_semaphore, #tpu.memory_space<semaphore_mem>>)
          %dma_start3A_177 = arith.constant 0 : i32
          %dma_start3A_178 = tpu.memref_slice %arg14[%add3A_170, %dma_start3A_177] : memref<8x64xi32, #tpu.memory_space<vmem>> -> memref<1x64xi32, #tpu.memory_space<vmem>>
          %dma_start3A_179 = tpu.memref_squeeze %dma_start3A_178 : memref<1x64xi32, #tpu.memory_space<vmem>> -> memref<64xi32, #tpu.memory_space<vmem>>
          %dma_start3A_180 = arith.constant 0 : i32
          %dma_start3A_181 = arith.constant 0 : i32
          %dma_start3A_182 = tpu.memref_slice %arg5[%dma_start3A_180, %dma_start3A_181] : memref<10000x128xf32, #tpu.memory_space<hbm>> -> memref<10000x128xf32, #tpu.memory_space<hbm>>
          tpu.enqueue_indirect_dma source(%dma_start3A_182 : memref<10000x128xf32, #tpu.memory_space<hbm>>) target(%arg19 : memref<64x128xf32, #tpu.memory_space<vmem>>) offsets(%dma_start3A_179 : memref<64xi32, #tpu.memory_space<vmem>>) semaphore(%arg21 : memref<!tpu.dma_semaphore, #tpu.memory_space<semaphore_mem>>)
        } else {
        }
        %parallel_loop3A = arith.constant 0 : i32
        %parallel_loop3A_123 = arith.constant 64 : i32
        %parallel_loop3A_124 = arith.constant 1 : i32
        scf.for %parallel_loop3A_169 = %parallel_loop3A to %parallel_loop3A_123 step %parallel_loop3A_124  : i32 {
          %parallel_loop3A_170 = arith.index_cast %parallel_loop3A_169 : i32 to index
          %parallel_loop3A_171 = arith.constant 64 : index
          %parallel_loop3A_172 = tpu.vector_load %arg16[%parallel_loop3A_170, %parallel_loop3A_171] {strides = array<i32>} : memref<64x128xf32, #tpu.memory_space<vmem>>, vector<16xf32>,
          %parallel_loop3A_173 = arith.index_cast %parallel_loop3A_169 : i32 to index
          %parallel_loop3A_174 = arith.constant 64 : index
          %parallel_loop3A_175 = tpu.vector_load %arg18[%parallel_loop3A_173, %parallel_loop3A_174] {strides = array<i32>} : memref<64x128xf32, #tpu.memory_space<vmem>>, vector<16xf32>,
          %parallel_loop3A_176 = arith.constant 8 : i32
          %parallel_loop3A_177 = vector.broadcast %parallel_loop3A_176 : i32 to vector<16xi32>
          %parallel_loop3A_178 = arith.addi %iota3A, %parallel_loop3A_177 : vector<16xi32>
          %parallel_loop3A_179 = arith.constant 15 : i32
          %parallel_loop3A_180 = vector.broadcast %parallel_loop3A_179 : i32 to vector<16xi32>
          %parallel_loop3A_181 = arith.andi %parallel_loop3A_178, %parallel_loop3A_180 : vector<16xi32>
          %parallel_loop3A_182 = vector.shape_cast %parallel_loop3A_181 : vector<16xi32> to vector<16x1xi32>
          %parallel_loop3A_183 = vector.shape_cast %parallel_loop3A_182 : vector<16x1xi32> to vector<16xi32>
          %parallel_loop3A_184 = tpu.dynamic_gather %parallel_loop3A_175[%parallel_loop3A_183] in [0] : vector<16xf32>, vector<16xi32> -> vector<16xf32>
          %parallel_loop3A_185 = arith.addf %parallel_loop3A_172, %parallel_loop3A_184 : vector<16xf32>
          %parallel_loop3A_186 = arith.constant 2.000000e-01 : f32
          %parallel_loop3A_187 = vector.broadcast %parallel_loop3A_186 : f32 to vector<16xf32>
          %parallel_loop3A_188 = arith.mulf %parallel_loop3A_187, %parallel_loop3A_185 : vector<16xf32>
          %parallel_loop3A_189 = arith.maximumf %parallel_loop3A_185, %parallel_loop3A_188 : vector<16xf32>
          %parallel_loop3A_190 = math.exp %parallel_loop3A_189 : vector<16xf32>
          %parallel_loop3A_191 = arith.index_cast %parallel_loop3A_169 : i32 to index
          %parallel_loop3A_192 = arith.constant 112 : index
          %parallel_loop3A_193 = tpu.vector_load %arg16[%parallel_loop3A_191, %parallel_loop3A_192] {strides = array<i32>} : memref<64x128xf32, #tpu.memory_space<vmem>>, vector<16xf32>,
          tpu.vector_store %arg16[%parallel_loop3A_191, %parallel_loop3A_192], %parallel_loop3A_190 {strides = array<i32>} : memref<64x128xf32, #tpu.memory_space<vmem>>, vector<16xf32>,
          %parallel_loop3A_194 = arith.index_cast %parallel_loop3A_169 : i32 to index
          %parallel_loop3A_195 = arith.constant 0 : index
          %parallel_loop3A_196 = tpu.vector_load %arg16[%parallel_loop3A_194, %parallel_loop3A_195] {strides = array<i32>} : memref<64x128xf32, #tpu.memory_space<vmem>>, vector<16xf32>,
          %parallel_loop3A_197 = arith.constant 8 : i32
          %parallel_loop3A_198 = vector.broadcast %parallel_loop3A_197 : i32 to vector<16xi32>
          %parallel_loop3A_199 = arith.divsi %iota3A, %parallel_loop3A_198 : vector<16xi32>
          %parallel_loop3A_200 = arith.constant 0 : i32
          %parallel_loop3A_201 = vector.broadcast %parallel_loop3A_200 : i32 to vector<16xi32>
          %parallel_loop3A_202 = arith.cmpi sgt, %iota3A, %parallel_loop3A_201 : vector<16xi32>
          %parallel_loop3A_203 = arith.extui %parallel_loop3A_202 : vector<16xi1> to vector<16xi32>
          %parallel_loop3A_204 = arith.constant 0 : i32
          %parallel_loop3A_205 = vector.broadcast %parallel_loop3A_204 : i32 to vector<16xi32>
          %parallel_loop3A_206 = arith.cmpi slt, %iota3A, %parallel_loop3A_205 : vector<16xi32>
          %parallel_loop3A_207 = arith.extui %parallel_loop3A_206 : vector<16xi1> to vector<16xi32>
          %parallel_loop3A_208 = arith.subi %parallel_loop3A_203, %parallel_loop3A_207 : vector<16xi32>
          %parallel_loop3A_209 = arith.constant 0 : i32
          %parallel_loop3A_210 = arith.cmpi sgt, %parallel_loop3A_197, %parallel_loop3A_209 : i32
          %parallel_loop3A_211 = arith.extui %parallel_loop3A_210 : i1 to i32
          %parallel_loop3A_212 = arith.constant 0 : i32
          %parallel_loop3A_213 = arith.cmpi slt, %parallel_loop3A_197, %parallel_loop3A_212 : i32
          %parallel_loop3A_214 = arith.extui %parallel_loop3A_213 : i1 to i32
          %parallel_loop3A_215 = arith.subi %parallel_loop3A_211, %parallel_loop3A_214 : i32
          %parallel_loop3A_216 = vector.broadcast %parallel_loop3A_215 : i32 to vector<16xi32>
          %parallel_loop3A_217 = arith.cmpi ne, %parallel_loop3A_208, %parallel_loop3A_216 : vector<16xi32>
          %parallel_loop3A_218 = vector.broadcast %parallel_loop3A_197 : i32 to vector<16xi32>
          %parallel_loop3A_219 = arith.remsi %iota3A, %parallel_loop3A_218 : vector<16xi32>
          %parallel_loop3A_220 = arith.constant 0 : i32
          %parallel_loop3A_221 = vector.broadcast %parallel_loop3A_220 : i32 to vector<16xi32>
          %parallel_loop3A_222 = arith.cmpi ne, %parallel_loop3A_219, %parallel_loop3A_221 : vector<16xi32>
          %parallel_loop3A_223 = arith.andi %parallel_loop3A_217, %parallel_loop3A_222 : vector<16xi1>
          %parallel_loop3A_224 = arith.constant 1 : i32
          %parallel_loop3A_225 = vector.broadcast %parallel_loop3A_224 : i32 to vector<16xi32>
          %parallel_loop3A_226 = arith.subi %parallel_loop3A_199, %parallel_loop3A_225 : vector<16xi32>
          %parallel_loop3A_227 = arith.select %parallel_loop3A_223, %parallel_loop3A_226, %parallel_loop3A_199 : vector<16xi1>, vector<16xi32>
          %parallel_loop3A_228 = arith.constant 0 : i32
          %parallel_loop3A_229 = vector.broadcast %parallel_loop3A_228 : i32 to vector<16xi32>
          %parallel_loop3A_230 = arith.addi %parallel_loop3A_227, %parallel_loop3A_229 : vector<16xi32>
          %parallel_loop3A_231 = vector.shape_cast %parallel_loop3A_230 : vector<16xi32> to vector<16x1xi32>
          %parallel_loop3A_232 = vector.shape_cast %parallel_loop3A_231 : vector<16x1xi32> to vector<16xi32>
          %parallel_loop3A_233 = tpu.dynamic_gather %parallel_loop3A_190[%parallel_loop3A_232] in [0] : vector<16xf32>, vector<16xi32> -> vector<16xf32>
          %parallel_loop3A_234 = arith.mulf %parallel_loop3A_196, %parallel_loop3A_233 : vector<16xf32>
          %parallel_loop3A_235 = arith.index_cast %parallel_loop3A_169 : i32 to index
          %parallel_loop3A_236 = arith.constant 0 : index
          %parallel_loop3A_237 = tpu.vector_load %arg16[%parallel_loop3A_235, %parallel_loop3A_236] {strides = array<i32>} : memref<64x128xf32, #tpu.memory_space<vmem>>, vector<16xf32>,
          tpu.vector_store %arg16[%parallel_loop3A_235, %parallel_loop3A_236], %parallel_loop3A_234 {strides = array<i32>} : memref<64x128xf32, #tpu.memory_space<vmem>>, vector<16xf32>,
          %parallel_loop3A_238 = arith.index_cast %parallel_loop3A_169 : i32 to index
          %parallel_loop3A_239 = arith.constant 16 : index
          %parallel_loop3A_240 = tpu.vector_load %arg16[%parallel_loop3A_238, %parallel_loop3A_239] {strides = array<i32>} : memref<64x128xf32, #tpu.memory_space<vmem>>, vector<16xf32>,
          %parallel_loop3A_241 = arith.constant 8 : i32
          %parallel_loop3A_242 = vector.broadcast %parallel_loop3A_241 : i32 to vector<16xi32>
          %parallel_loop3A_243 = arith.divsi %iota3A, %parallel_loop3A_242 : vector<16xi32>
          %parallel_loop3A_244 = arith.constant 0 : i32
          %parallel_loop3A_245 = vector.broadcast %parallel_loop3A_244 : i32 to vector<16xi32>
          %parallel_loop3A_246 = arith.cmpi sgt, %iota3A, %parallel_loop3A_245 : vector<16xi32>
          %parallel_loop3A_247 = arith.extui %parallel_loop3A_246 : vector<16xi1> to vector<16xi32>
          %parallel_loop3A_248 = arith.constant 0 : i32
          %parallel_loop3A_249 = vector.broadcast %parallel_loop3A_248 : i32 to vector<16xi32>
          %parallel_loop3A_250 = arith.cmpi slt, %iota3A, %parallel_loop3A_249 : vector<16xi32>
          %parallel_loop3A_251 = arith.extui %parallel_loop3A_250 : vector<16xi1> to vector<16xi32>
          %parallel_loop3A_252 = arith.subi %parallel_loop3A_247, %parallel_loop3A_251 : vector<16xi32>
          %parallel_loop3A_253 = arith.constant 0 : i32
          %parallel_loop3A_254 = arith.cmpi sgt, %parallel_loop3A_241, %parallel_loop3A_253 : i32
          %parallel_loop3A_255 = arith.extui %parallel_loop3A_254 : i1 to i32
          %parallel_loop3A_256 = arith.constant 0 : i32
          %parallel_loop3A_257 = arith.cmpi slt, %parallel_loop3A_241, %parallel_loop3A_256 : i32
          %parallel_loop3A_258 = arith.extui %parallel_loop3A_257 : i1 to i32
          %parallel_loop3A_259 = arith.subi %parallel_loop3A_255, %parallel_loop3A_258 : i32
          %parallel_loop3A_260 = vector.broadcast %parallel_loop3A_259 : i32 to vector<16xi32>
          %parallel_loop3A_261 = arith.cmpi ne, %parallel_loop3A_252, %parallel_loop3A_260 : vector<16xi32>
          %parallel_loop3A_262 = vector.broadcast %parallel_loop3A_241 : i32 to vector<16xi32>
          %parallel_loop3A_263 = arith.remsi %iota3A, %parallel_loop3A_262 : vector<16xi32>
          %parallel_loop3A_264 = arith.constant 0 : i32
          %parallel_loop3A_265 = vector.broadcast %parallel_loop3A_264 : i32 to vector<16xi32>
          %parallel_loop3A_266 = arith.cmpi ne, %parallel_loop3A_263, %parallel_loop3A_265 : vector<16xi32>
          %parallel_loop3A_267 = arith.andi %parallel_loop3A_261, %parallel_loop3A_266 : vector<16xi1>
          %parallel_loop3A_268 = arith.constant 1 : i32
          %parallel_loop3A_269 = vector.broadcast %parallel_loop3A_268 : i32 to vector<16xi32>
          %parallel_loop3A_270 = arith.subi %parallel_loop3A_243, %parallel_loop3A_269 : vector<16xi32>
          %parallel_loop3A_271 = arith.select %parallel_loop3A_267, %parallel_loop3A_270, %parallel_loop3A_243 : vector<16xi1>, vector<16xi32>
          %parallel_loop3A_272 = arith.constant 2 : i32
          %parallel_loop3A_273 = vector.broadcast %parallel_loop3A_272 : i32 to vector<16xi32>
          %parallel_loop3A_274 = arith.addi %parallel_loop3A_271, %parallel_loop3A_273 : vector<16xi32>
          %parallel_loop3A_275 = vector.shape_cast %parallel_loop3A_274 : vector<16xi32> to vector<16x1xi32>
          %parallel_loop3A_276 = vector.shape_cast %parallel_loop3A_275 : vector<16x1xi32> to vector<16xi32>
          %parallel_loop3A_277 = tpu.dynamic_gather %parallel_loop3A_190[%parallel_loop3A_276] in [0] : vector<16xf32>, vector<16xi32> -> vector<16xf32>
          %parallel_loop3A_278 = arith.mulf %parallel_loop3A_240, %parallel_loop3A_277 : vector<16xf32>
          %parallel_loop3A_279 = arith.index_cast %parallel_loop3A_169 : i32 to index
          %parallel_loop3A_280 = arith.constant 16 : index
          %parallel_loop3A_281 = tpu.vector_load %arg16[%parallel_loop3A_279, %parallel_loop3A_280] {strides = array<i32>} : memref<64x128xf32, #tpu.memory_space<vmem>>, vector<16xf32>,
          tpu.vector_store %arg16[%parallel_loop3A_279, %parallel_loop3A_280], %parallel_loop3A_278 {strides = array<i32>} : memref<64x128xf32, #tpu.memory_space<vmem>>, vector<16xf32>,
          %parallel_loop3A_282 = arith.index_cast %parallel_loop3A_169 : i32 to index
          %parallel_loop3A_283 = arith.constant 32 : index
          %parallel_loop3A_284 = tpu.vector_load %arg16[%parallel_loop3A_282, %parallel_loop3A_283] {strides = array<i32>} : memref<64x128xf32, #tpu.memory_space<vmem>>, vector<16xf32>,
          %parallel_loop3A_285 = arith.constant 8 : i32
          %parallel_loop3A_286 = vector.broadcast %parallel_loop3A_285 : i32 to vector<16xi32>
          %parallel_loop3A_287 = arith.divsi %iota3A, %parallel_loop3A_286 : vector<16xi32>
          %parallel_loop3A_288 = arith.constant 0 : i32
          %parallel_loop3A_289 = vector.broadcast %parallel_loop3A_288 : i32 to vector<16xi32>
          %parallel_loop3A_290 = arith.cmpi sgt, %iota3A, %parallel_loop3A_289 : vector<16xi32>
          %parallel_loop3A_291 = arith.extui %parallel_loop3A_290 : vector<16xi1> to vector<16xi32>
          %parallel_loop3A_292 = arith.constant 0 : i32
          %parallel_loop3A_293 = vector.broadcast %parallel_loop3A_292 : i32 to vector<16xi32>
          %parallel_loop3A_294 = arith.cmpi slt, %iota3A, %parallel_loop3A_293 : vector<16xi32>
          %parallel_loop3A_295 = arith.extui %parallel_loop3A_294 : vector<16xi1> to vector<16xi32>
          %parallel_loop3A_296 = arith.subi %parallel_loop3A_291, %parallel_loop3A_295 : vector<16xi32>
          %parallel_loop3A_297 = arith.constant 0 : i32
          %parallel_loop3A_298 = arith.cmpi sgt, %parallel_loop3A_285, %parallel_loop3A_297 : i32
          %parallel_loop3A_299 = arith.extui %parallel_loop3A_298 : i1 to i32
          %parallel_loop3A_300 = arith.constant 0 : i32
          %parallel_loop3A_301 = arith.cmpi slt, %parallel_loop3A_285, %parallel_loop3A_300 : i32
          %parallel_loop3A_302 = arith.extui %parallel_loop3A_301 : i1 to i32
          %parallel_loop3A_303 = arith.subi %parallel_loop3A_299, %parallel_loop3A_302 : i32
          %parallel_loop3A_304 = vector.broadcast %parallel_loop3A_303 : i32 to vector<16xi32>
          %parallel_loop3A_305 = arith.cmpi ne, %parallel_loop3A_296, %parallel_loop3A_304 : vector<16xi32>
          %parallel_loop3A_306 = vector.broadcast %parallel_loop3A_285 : i32 to vector<16xi32>
          %parallel_loop3A_307 = arith.remsi %iota3A, %parallel_loop3A_306 : vector<16xi32>
          %parallel_loop3A_308 = arith.constant 0 : i32
          %parallel_loop3A_309 = vector.broadcast %parallel_loop3A_308 : i32 to vector<16xi32>
          %parallel_loop3A_310 = arith.cmpi ne, %parallel_loop3A_307, %parallel_loop3A_309 : vector<16xi32>
          %parallel_loop3A_311 = arith.andi %parallel_loop3A_305, %parallel_loop3A_310 : vector<16xi1>
          %parallel_loop3A_312 = arith.constant 1 : i32
          %parallel_loop3A_313 = vector.broadcast %parallel_loop3A_312 : i32 to vector<16xi32>
          %parallel_loop3A_314 = arith.subi %parallel_loop3A_287, %parallel_loop3A_313 : vector<16xi32>
          %parallel_loop3A_315 = arith.select %parallel_loop3A_311, %parallel_loop3A_314, %parallel_loop3A_287 : vector<16xi1>, vector<16xi32>
          %parallel_loop3A_316 = arith.constant 4 : i32
          %parallel_loop3A_317 = vector.broadcast %parallel_loop3A_316 : i32 to vector<16xi32>
          %parallel_loop3A_318 = arith.addi %parallel_loop3A_315, %parallel_loop3A_317 : vector<16xi32>
          %parallel_loop3A_319 = vector.shape_cast %parallel_loop3A_318 : vector<16xi32> to vector<16x1xi32>
          %parallel_loop3A_320 = vector.shape_cast %parallel_loop3A_319 : vector<16x1xi32> to vector<16xi32>
          %parallel_loop3A_321 = tpu.dynamic_gather %parallel_loop3A_190[%parallel_loop3A_320] in [0] : vector<16xf32>, vector<16xi32> -> vector<16xf32>
          %parallel_loop3A_322 = arith.mulf %parallel_loop3A_284, %parallel_loop3A_321 : vector<16xf32>
          %parallel_loop3A_323 = arith.index_cast %parallel_loop3A_169 : i32 to index
          %parallel_loop3A_324 = arith.constant 32 : index
          %parallel_loop3A_325 = tpu.vector_load %arg16[%parallel_loop3A_323, %parallel_loop3A_324] {strides = array<i32>} : memref<64x128xf32, #tpu.memory_space<vmem>>, vector<16xf32>,
          tpu.vector_store %arg16[%parallel_loop3A_323, %parallel_loop3A_324], %parallel_loop3A_322 {strides = array<i32>} : memref<64x128xf32, #tpu.memory_space<vmem>>, vector<16xf32>,
          %parallel_loop3A_326 = arith.index_cast %parallel_loop3A_169 : i32 to index
          %parallel_loop3A_327 = arith.constant 48 : index
          %parallel_loop3A_328 = tpu.vector_load %arg16[%parallel_loop3A_326, %parallel_loop3A_327] {strides = array<i32>} : memref<64x128xf32, #tpu.memory_space<vmem>>, vector<16xf32>,
          %parallel_loop3A_329 = arith.constant 8 : i32
          %parallel_loop3A_330 = vector.broadcast %parallel_loop3A_329 : i32 to vector<16xi32>
          %parallel_loop3A_331 = arith.divsi %iota3A, %parallel_loop3A_330 : vector<16xi32>
          %parallel_loop3A_332 = arith.constant 0 : i32
          %parallel_loop3A_333 = vector.broadcast %parallel_loop3A_332 : i32 to vector<16xi32>
          %parallel_loop3A_334 = arith.cmpi sgt, %iota3A, %parallel_loop3A_333 : vector<16xi32>
          %parallel_loop3A_335 = arith.extui %parallel_loop3A_334 : vector<16xi1> to vector<16xi32>
          %parallel_loop3A_336 = arith.constant 0 : i32
          %parallel_loop3A_337 = vector.broadcast %parallel_loop3A_336 : i32 to vector<16xi32>
          %parallel_loop3A_338 = arith.cmpi slt, %iota3A, %parallel_loop3A_337 : vector<16xi32>
          %parallel_loop3A_339 = arith.extui %parallel_loop3A_338 : vector<16xi1> to vector<16xi32>
          %parallel_loop3A_340 = arith.subi %parallel_loop3A_335, %parallel_loop3A_339 : vector<16xi32>
          %parallel_loop3A_341 = arith.constant 0 : i32
          %parallel_loop3A_342 = arith.cmpi sgt, %parallel_loop3A_329, %parallel_loop3A_341 : i32
          %parallel_loop3A_343 = arith.extui %parallel_loop3A_342 : i1 to i32
          %parallel_loop3A_344 = arith.constant 0 : i32
          %parallel_loop3A_345 = arith.cmpi slt, %parallel_loop3A_329, %parallel_loop3A_344 : i32
          %parallel_loop3A_346 = arith.extui %parallel_loop3A_345 : i1 to i32
          %parallel_loop3A_347 = arith.subi %parallel_loop3A_343, %parallel_loop3A_346 : i32
          %parallel_loop3A_348 = vector.broadcast %parallel_loop3A_347 : i32 to vector<16xi32>
          %parallel_loop3A_349 = arith.cmpi ne, %parallel_loop3A_340, %parallel_loop3A_348 : vector<16xi32>
          %parallel_loop3A_350 = vector.broadcast %parallel_loop3A_329 : i32 to vector<16xi32>
          %parallel_loop3A_351 = arith.remsi %iota3A, %parallel_loop3A_350 : vector<16xi32>
          %parallel_loop3A_352 = arith.constant 0 : i32
          %parallel_loop3A_353 = vector.broadcast %parallel_loop3A_352 : i32 to vector<16xi32>
          %parallel_loop3A_354 = arith.cmpi ne, %parallel_loop3A_351, %parallel_loop3A_353 : vector<16xi32>
          %parallel_loop3A_355 = arith.andi %parallel_loop3A_349, %parallel_loop3A_354 : vector<16xi1>
          %parallel_loop3A_356 = arith.constant 1 : i32
          %parallel_loop3A_357 = vector.broadcast %parallel_loop3A_356 : i32 to vector<16xi32>
          %parallel_loop3A_358 = arith.subi %parallel_loop3A_331, %parallel_loop3A_357 : vector<16xi32>
          %parallel_loop3A_359 = arith.select %parallel_loop3A_355, %parallel_loop3A_358, %parallel_loop3A_331 : vector<16xi1>, vector<16xi32>
          %parallel_loop3A_360 = arith.constant 6 : i32
          %parallel_loop3A_361 = vector.broadcast %parallel_loop3A_360 : i32 to vector<16xi32>
          %parallel_loop3A_362 = arith.addi %parallel_loop3A_359, %parallel_loop3A_361 : vector<16xi32>
          %parallel_loop3A_363 = vector.shape_cast %parallel_loop3A_362 : vector<16xi32> to vector<16x1xi32>
          %parallel_loop3A_364 = vector.shape_cast %parallel_loop3A_363 : vector<16x1xi32> to vector<16xi32>
          %parallel_loop3A_365 = tpu.dynamic_gather %parallel_loop3A_190[%parallel_loop3A_364] in [0] : vector<16xf32>, vector<16xi32> -> vector<16xf32>
          %parallel_loop3A_366 = arith.mulf %parallel_loop3A_328, %parallel_loop3A_365 : vector<16xf32>
          %parallel_loop3A_367 = arith.index_cast %parallel_loop3A_169 : i32 to index
          %parallel_loop3A_368 = arith.constant 48 : index
          %parallel_loop3A_369 = tpu.vector_load %arg16[%parallel_loop3A_367, %parallel_loop3A_368] {strides = array<i32>} : memref<64x128xf32, #tpu.memory_space<vmem>>, vector<16xf32>,
          tpu.vector_store %arg16[%parallel_loop3A_367, %parallel_loop3A_368], %parallel_loop3A_366 {strides = array<i32>} : memref<64x128xf32, #tpu.memory_space<vmem>>, vector<16xf32>,
        } {sc.loop_unroll_factor = 8 : i64, sc.parallel_access}
        %dma_start3A_125 = arith.constant 0 : i32
        %dma_start3A_126 = tpu.memref_slice %arg15[%add3A_102, %dma_start3A_125] : memref<8x64xi32, #tpu.memory_space<vmem>> -> memref<1x64xi32, #tpu.memory_space<vmem>>
        %dma_start3A_127 = tpu.memref_squeeze %dma_start3A_126 : memref<1x64xi32, #tpu.memory_space<vmem>> -> memref<64xi32, #tpu.memory_space<vmem>>
        %dma_start3A_128 = arith.constant 0 : i32
        %dma_start3A_129 = arith.constant 0 : i32
        %dma_start3A_130 = tpu.memref_slice %arg9[%dma_start3A_128, %dma_start3A_129] : memref<10112x128xf32, #tpu.memory_space<vmem_shared>> -> memref<10112x128xf32, #tpu.memory_space<vmem_shared>>
        tpu.enqueue_indirect_dma source(%arg16 : memref<64x128xf32, #tpu.memory_space<vmem>>) target(%dma_start3A_130 : memref<10112x128xf32, #tpu.memory_space<vmem_shared>>) offsets(%dma_start3A_127 : memref<64xi32, #tpu.memory_space<vmem>>) semaphore(%arg22 : memref<!tpu.dma_semaphore, #tpu.memory_space<semaphore_mem>>) {add = true}
        %mul3A_131 = arith.constant 2 : i32
        %mul3A_132 = arith.muli %scan3A_97, %mul3A_131 : i32
        %add3A_133 = arith.constant 1 : i32
        %add3A_134 = arith.addi %mul3A_132, %add3A_133 : i32
        %dma_wait3A_135 = arith.constant 0 : i32
        %dma_wait3A_136 = tpu.memref_slice %arg13[%add3A_134, %dma_wait3A_135] : memref<8x64xi32, #tpu.memory_space<vmem>> -> memref<1x64xi32, #tpu.memory_space<vmem>>
        %dma_wait3A_137 = tpu.memref_squeeze %dma_wait3A_136 : memref<1x64xi32, #tpu.memory_space<vmem>> -> memref<64xi32, #tpu.memory_space<vmem>>
        %dma_wait3A_138 = arith.constant 0 : i32
        %dma_wait3A_139 = arith.constant 0 : i32
        %dma_wait3A_140 = tpu.memref_slice %arg5[%dma_wait3A_138, %dma_wait3A_139] : memref<10000x128xf32, #tpu.memory_space<hbm>> -> memref<10000x128xf32, #tpu.memory_space<hbm>>
        tpu.wait_indirect_dma semaphore(%arg21 : memref<!tpu.dma_semaphore, #tpu.memory_space<semaphore_mem>>) src(%dma_wait3A_140 : memref<10000x128xf32, #tpu.memory_space<hbm>>) dst(%arg17 : memref<64x128xf32, #tpu.memory_space<vmem>>)
        %dma_wait3A_141 = arith.constant 0 : i32
        %dma_wait3A_142 = tpu.memref_slice %arg14[%add3A_134, %dma_wait3A_141] : memref<8x64xi32, #tpu.memory_space<vmem>> -> memref<1x64xi32, #tpu.memory_space<vmem>>
        %dma_wait3A_143 = tpu.memref_squeeze %dma_wait3A_142 : memref<1x64xi32, #tpu.memory_space<vmem>> -> memref<64xi32, #tpu.memory_space<vmem>>
        %dma_wait3A_144 = arith.constant 0 : i32
        %dma_wait3A_145 = arith.constant 0 : i32
        %dma_wait3A_146 = tpu.memref_slice %arg5[%dma_wait3A_144, %dma_wait3A_145] : memref<10000x128xf32, #tpu.memory_space<hbm>> -> memref<10000x128xf32, #tpu.memory_space<hbm>>
        tpu.wait_indirect_dma semaphore(%arg21 : memref<!tpu.dma_semaphore, #tpu.memory_space<semaphore_mem>>) src(%dma_wait3A_146 : memref<10000x128xf32, #tpu.memory_space<hbm>>) dst(%arg19 : memref<64x128xf32, #tpu.memory_space<vmem>>)
        %ge3A_147 = arith.constant 1 : i32
        %ge3A_148 = arith.cmpi sge, %add3A_134, %ge3A_147 : i32
        %convert_element_type3A_149 = arith.extui %ge3A_148 : i1 to i32
        %cond3A_150 = arith.constant 0 : i32
        %cond3A_151 = arith.cmpi ne, %convert_element_type3A_149, %cond3A_150 : i32
        scf.if %cond3A_151 {
          %sub3A = arith.constant 1 : i32
          %sub3A_169 = arith.subi %add3A_134, %sub3A : i32
          %dma_wait3A_170 = arith.constant 0 : i32
          %dma_wait3A_171 = tpu.memref_slice %arg15[%sub3A_169, %dma_wait3A_170] : memref<8x64xi32, #tpu.memory_space<vmem>> -> memref<1x64xi32, #tpu.memory_space<vmem>>
          %dma_wait3A_172 = tpu.memref_squeeze %dma_wait3A_171 : memref<1x64xi32, #tpu.memory_space<vmem>> -> memref<64xi32, #tpu.memory_space<vmem>>
          %dma_wait3A_173 = arith.constant 0 : i32
          %dma_wait3A_174 = arith.constant 0 : i32
          %dma_wait3A_175 = tpu.memref_slice %arg9[%dma_wait3A_173, %dma_wait3A_174] : memref<10112x128xf32, #tpu.memory_space<vmem_shared>> -> memref<10112x128xf32, #tpu.memory_space<vmem_shared>>
          tpu.wait_indirect_dma semaphore(%arg22 : memref<!tpu.dma_semaphore, #tpu.memory_space<semaphore_mem>>) src(%arg16 : memref<64x128xf32, #tpu.memory_space<vmem>>) dst(%dma_wait3A_175 : memref<10112x128xf32, #tpu.memory_space<vmem_shared>>)
        } else {
        }
        %add3A_152 = arith.constant 1 : i32
        %add3A_153 = arith.addi %add3A_134, %add3A_152 : i32
        %lt3A_154 = arith.constant 8 : i32
        %lt3A_155 = arith.cmpi slt, %add3A_153, %lt3A_154 : i32
        %convert_element_type3A_156 = arith.extui %lt3A_155 : i1 to i32
        %cond3A_157 = arith.constant 0 : i32
        %cond3A_158 = arith.cmpi ne, %convert_element_type3A_156, %cond3A_157 : i32
        scf.if %cond3A_158 {
          %add3A_169 = arith.constant 1 : i32
          %add3A_170 = arith.addi %add3A_134, %add3A_169 : i32
          %dma_start3A_171 = arith.constant 0 : i32
          %dma_start3A_172 = tpu.memref_slice %arg13[%add3A_170, %dma_start3A_171] : memref<8x64xi32, #tpu.memory_space<vmem>> -> memref<1x64xi32, #tpu.memory_space<vmem>>
          %dma_start3A_173 = tpu.memref_squeeze %dma_start3A_172 : memref<1x64xi32, #tpu.memory_space<vmem>> -> memref<64xi32, #tpu.memory_space<vmem>>
          %dma_start3A_174 = arith.constant 0 : i32
          %dma_start3A_175 = arith.constant 0 : i32
          %dma_start3A_176 = tpu.memref_slice %arg5[%dma_start3A_174, %dma_start3A_175] : memref<10000x128xf32, #tpu.memory_space<hbm>> -> memref<10000x128xf32, #tpu.memory_space<hbm>>
          tpu.enqueue_indirect_dma source(%dma_start3A_176 : memref<10000x128xf32, #tpu.memory_space<hbm>>) target(%arg16 : memref<64x128xf32, #tpu.memory_space<vmem>>) offsets(%dma_start3A_173 : memref<64xi32, #tpu.memory_space<vmem>>) semaphore(%arg20 : memref<!tpu.dma_semaphore, #tpu.memory_space<semaphore_mem>>)
          %dma_start3A_177 = arith.constant 0 : i32
          %dma_start3A_178 = tpu.memref_slice %arg14[%add3A_170, %dma_start3A_177] : memref<8x64xi32, #tpu.memory_space<vmem>> -> memref<1x64xi32, #tpu.memory_space<vmem>>
          %dma_start3A_179 = tpu.memref_squeeze %dma_start3A_178 : memref<1x64xi32, #tpu.memory_space<vmem>> -> memref<64xi32, #tpu.memory_space<vmem>>
          %dma_start3A_180 = arith.constant 0 : i32
          %dma_start3A_181 = arith.constant 0 : i32
          %dma_start3A_182 = tpu.memref_slice %arg5[%dma_start3A_180, %dma_start3A_181] : memref<10000x128xf32, #tpu.memory_space<hbm>> -> memref<10000x128xf32, #tpu.memory_space<hbm>>
          tpu.enqueue_indirect_dma source(%dma_start3A_182 : memref<10000x128xf32, #tpu.memory_space<hbm>>) target(%arg18 : memref<64x128xf32, #tpu.memory_space<vmem>>) offsets(%dma_start3A_179 : memref<64xi32, #tpu.memory_space<vmem>>) semaphore(%arg20 : memref<!tpu.dma_semaphore, #tpu.memory_space<semaphore_mem>>)
        } else {
        }
        %parallel_loop3A_159 = arith.constant 0 : i32
        %parallel_loop3A_160 = arith.constant 64 : i32
        %parallel_loop3A_161 = arith.constant 1 : i32
        scf.for %parallel_loop3A_169 = %parallel_loop3A_159 to %parallel_loop3A_160 step %parallel_loop3A_161  : i32 {
          %parallel_loop3A_170 = arith.index_cast %parallel_loop3A_169 : i32 to index
          %parallel_loop3A_171 = arith.constant 64 : index
          %parallel_loop3A_172 = tpu.vector_load %arg17[%parallel_loop3A_170, %parallel_loop3A_171] {strides = array<i32>} : memref<64x128xf32, #tpu.memory_space<vmem>>, vector<16xf32>,
          %parallel_loop3A_173 = arith.index_cast %parallel_loop3A_169 : i32 to index
          %parallel_loop3A_174 = arith.constant 64 : index
          %parallel_loop3A_175 = tpu.vector_load %arg19[%parallel_loop3A_173, %parallel_loop3A_174] {strides = array<i32>} : memref<64x128xf32, #tpu.memory_space<vmem>>, vector<16xf32>,
          %parallel_loop3A_176 = arith.constant 8 : i32
          %parallel_loop3A_177 = vector.broadcast %parallel_loop3A_176 : i32 to vector<16xi32>
          %parallel_loop3A_178 = arith.addi %iota3A, %parallel_loop3A_177 : vector<16xi32>
          %parallel_loop3A_179 = arith.constant 15 : i32
          %parallel_loop3A_180 = vector.broadcast %parallel_loop3A_179 : i32 to vector<16xi32>
          %parallel_loop3A_181 = arith.andi %parallel_loop3A_178, %parallel_loop3A_180 : vector<16xi32>
          %parallel_loop3A_182 = vector.shape_cast %parallel_loop3A_181 : vector<16xi32> to vector<16x1xi32>
          %parallel_loop3A_183 = vector.shape_cast %parallel_loop3A_182 : vector<16x1xi32> to vector<16xi32>
          %parallel_loop3A_184 = tpu.dynamic_gather %parallel_loop3A_175[%parallel_loop3A_183] in [0] : vector<16xf32>, vector<16xi32> -> vector<16xf32>
          %parallel_loop3A_185 = arith.addf %parallel_loop3A_172, %parallel_loop3A_184 : vector<16xf32>
          %parallel_loop3A_186 = arith.constant 2.000000e-01 : f32
          %parallel_loop3A_187 = vector.broadcast %parallel_loop3A_186 : f32 to vector<16xf32>
          %parallel_loop3A_188 = arith.mulf %parallel_loop3A_187, %parallel_loop3A_185 : vector<16xf32>
          %parallel_loop3A_189 = arith.maximumf %parallel_loop3A_185, %parallel_loop3A_188 : vector<16xf32>
          %parallel_loop3A_190 = math.exp %parallel_loop3A_189 : vector<16xf32>
          %parallel_loop3A_191 = arith.index_cast %parallel_loop3A_169 : i32 to index
          %parallel_loop3A_192 = arith.constant 112 : index
          %parallel_loop3A_193 = tpu.vector_load %arg17[%parallel_loop3A_191, %parallel_loop3A_192] {strides = array<i32>} : memref<64x128xf32, #tpu.memory_space<vmem>>, vector<16xf32>,
          tpu.vector_store %arg17[%parallel_loop3A_191, %parallel_loop3A_192], %parallel_loop3A_190 {strides = array<i32>} : memref<64x128xf32, #tpu.memory_space<vmem>>, vector<16xf32>,
          %parallel_loop3A_194 = arith.index_cast %parallel_loop3A_169 : i32 to index
          %parallel_loop3A_195 = arith.constant 0 : index
          %parallel_loop3A_196 = tpu.vector_load %arg17[%parallel_loop3A_194, %parallel_loop3A_195] {strides = array<i32>} : memref<64x128xf32, #tpu.memory_space<vmem>>, vector<16xf32>,
          %parallel_loop3A_197 = arith.constant 8 : i32
          %parallel_loop3A_198 = vector.broadcast %parallel_loop3A_197 : i32 to vector<16xi32>
          %parallel_loop3A_199 = arith.divsi %iota3A, %parallel_loop3A_198 : vector<16xi32>
          %parallel_loop3A_200 = arith.constant 0 : i32
          %parallel_loop3A_201 = vector.broadcast %parallel_loop3A_200 : i32 to vector<16xi32>
          %parallel_loop3A_202 = arith.cmpi sgt, %iota3A, %parallel_loop3A_201 : vector<16xi32>
          %parallel_loop3A_203 = arith.extui %parallel_loop3A_202 : vector<16xi1> to vector<16xi32>
          %parallel_loop3A_204 = arith.constant 0 : i32
          %parallel_loop3A_205 = vector.broadcast %parallel_loop3A_204 : i32 to vector<16xi32>
          %parallel_loop3A_206 = arith.cmpi slt, %iota3A, %parallel_loop3A_205 : vector<16xi32>
          %parallel_loop3A_207 = arith.extui %parallel_loop3A_206 : vector<16xi1> to vector<16xi32>
          %parallel_loop3A_208 = arith.subi %parallel_loop3A_203, %parallel_loop3A_207 : vector<16xi32>
          %parallel_loop3A_209 = arith.constant 0 : i32
          %parallel_loop3A_210 = arith.cmpi sgt, %parallel_loop3A_197, %parallel_loop3A_209 : i32
          %parallel_loop3A_211 = arith.extui %parallel_loop3A_210 : i1 to i32
          %parallel_loop3A_212 = arith.constant 0 : i32
          %parallel_loop3A_213 = arith.cmpi slt, %parallel_loop3A_197, %parallel_loop3A_212 : i32
          %parallel_loop3A_214 = arith.extui %parallel_loop3A_213 : i1 to i32
          %parallel_loop3A_215 = arith.subi %parallel_loop3A_211, %parallel_loop3A_214 : i32
          %parallel_loop3A_216 = vector.broadcast %parallel_loop3A_215 : i32 to vector<16xi32>
          %parallel_loop3A_217 = arith.cmpi ne, %parallel_loop3A_208, %parallel_loop3A_216 : vector<16xi32>
          %parallel_loop3A_218 = vector.broadcast %parallel_loop3A_197 : i32 to vector<16xi32>
          %parallel_loop3A_219 = arith.remsi %iota3A, %parallel_loop3A_218 : vector<16xi32>
          %parallel_loop3A_220 = arith.constant 0 : i32
          %parallel_loop3A_221 = vector.broadcast %parallel_loop3A_220 : i32 to vector<16xi32>
          %parallel_loop3A_222 = arith.cmpi ne, %parallel_loop3A_219, %parallel_loop3A_221 : vector<16xi32>
          %parallel_loop3A_223 = arith.andi %parallel_loop3A_217, %parallel_loop3A_222 : vector<16xi1>
          %parallel_loop3A_224 = arith.constant 1 : i32
          %parallel_loop3A_225 = vector.broadcast %parallel_loop3A_224 : i32 to vector<16xi32>
          %parallel_loop3A_226 = arith.subi %parallel_loop3A_199, %parallel_loop3A_225 : vector<16xi32>
          %parallel_loop3A_227 = arith.select %parallel_loop3A_223, %parallel_loop3A_226, %parallel_loop3A_199 : vector<16xi1>, vector<16xi32>
          %parallel_loop3A_228 = arith.constant 0 : i32
          %parallel_loop3A_229 = vector.broadcast %parallel_loop3A_228 : i32 to vector<16xi32>
          %parallel_loop3A_230 = arith.addi %parallel_loop3A_227, %parallel_loop3A_229 : vector<16xi32>
          %parallel_loop3A_231 = vector.shape_cast %parallel_loop3A_230 : vector<16xi32> to vector<16x1xi32>
          %parallel_loop3A_232 = vector.shape_cast %parallel_loop3A_231 : vector<16x1xi32> to vector<16xi32>
          %parallel_loop3A_233 = tpu.dynamic_gather %parallel_loop3A_190[%parallel_loop3A_232] in [0] : vector<16xf32>, vector<16xi32> -> vector<16xf32>
          %parallel_loop3A_234 = arith.mulf %parallel_loop3A_196, %parallel_loop3A_233 : vector<16xf32>
          %parallel_loop3A_235 = arith.index_cast %parallel_loop3A_169 : i32 to index
          %parallel_loop3A_236 = arith.constant 0 : index
          %parallel_loop3A_237 = tpu.vector_load %arg17[%parallel_loop3A_235, %parallel_loop3A_236] {strides = array<i32>} : memref<64x128xf32, #tpu.memory_space<vmem>>, vector<16xf32>,
          tpu.vector_store %arg17[%parallel_loop3A_235, %parallel_loop3A_236], %parallel_loop3A_234 {strides = array<i32>} : memref<64x128xf32, #tpu.memory_space<vmem>>, vector<16xf32>,
          %parallel_loop3A_238 = arith.index_cast %parallel_loop3A_169 : i32 to index
          %parallel_loop3A_239 = arith.constant 16 : index
          %parallel_loop3A_240 = tpu.vector_load %arg17[%parallel_loop3A_238, %parallel_loop3A_239] {strides = array<i32>} : memref<64x128xf32, #tpu.memory_space<vmem>>, vector<16xf32>,
          %parallel_loop3A_241 = arith.constant 8 : i32
          %parallel_loop3A_242 = vector.broadcast %parallel_loop3A_241 : i32 to vector<16xi32>
          %parallel_loop3A_243 = arith.divsi %iota3A, %parallel_loop3A_242 : vector<16xi32>
          %parallel_loop3A_244 = arith.constant 0 : i32
          %parallel_loop3A_245 = vector.broadcast %parallel_loop3A_244 : i32 to vector<16xi32>
          %parallel_loop3A_246 = arith.cmpi sgt, %iota3A, %parallel_loop3A_245 : vector<16xi32>
          %parallel_loop3A_247 = arith.extui %parallel_loop3A_246 : vector<16xi1> to vector<16xi32>
          %parallel_loop3A_248 = arith.constant 0 : i32
          %parallel_loop3A_249 = vector.broadcast %parallel_loop3A_248 : i32 to vector<16xi32>
          %parallel_loop3A_250 = arith.cmpi slt, %iota3A, %parallel_loop3A_249 : vector<16xi32>
          %parallel_loop3A_251 = arith.extui %parallel_loop3A_250 : vector<16xi1> to vector<16xi32>
          %parallel_loop3A_252 = arith.subi %parallel_loop3A_247, %parallel_loop3A_251 : vector<16xi32>
          %parallel_loop3A_253 = arith.constant 0 : i32
          %parallel_loop3A_254 = arith.cmpi sgt, %parallel_loop3A_241, %parallel_loop3A_253 : i32
          %parallel_loop3A_255 = arith.extui %parallel_loop3A_254 : i1 to i32
          %parallel_loop3A_256 = arith.constant 0 : i32
          %parallel_loop3A_257 = arith.cmpi slt, %parallel_loop3A_241, %parallel_loop3A_256 : i32
          %parallel_loop3A_258 = arith.extui %parallel_loop3A_257 : i1 to i32
          %parallel_loop3A_259 = arith.subi %parallel_loop3A_255, %parallel_loop3A_258 : i32
          %parallel_loop3A_260 = vector.broadcast %parallel_loop3A_259 : i32 to vector<16xi32>
          %parallel_loop3A_261 = arith.cmpi ne, %parallel_loop3A_252, %parallel_loop3A_260 : vector<16xi32>
          %parallel_loop3A_262 = vector.broadcast %parallel_loop3A_241 : i32 to vector<16xi32>
          %parallel_loop3A_263 = arith.remsi %iota3A, %parallel_loop3A_262 : vector<16xi32>
          %parallel_loop3A_264 = arith.constant 0 : i32
          %parallel_loop3A_265 = vector.broadcast %parallel_loop3A_264 : i32 to vector<16xi32>
          %parallel_loop3A_266 = arith.cmpi ne, %parallel_loop3A_263, %parallel_loop3A_265 : vector<16xi32>
          %parallel_loop3A_267 = arith.andi %parallel_loop3A_261, %parallel_loop3A_266 : vector<16xi1>
          %parallel_loop3A_268 = arith.constant 1 : i32
          %parallel_loop3A_269 = vector.broadcast %parallel_loop3A_268 : i32 to vector<16xi32>
          %parallel_loop3A_270 = arith.subi %parallel_loop3A_243, %parallel_loop3A_269 : vector<16xi32>
          %parallel_loop3A_271 = arith.select %parallel_loop3A_267, %parallel_loop3A_270, %parallel_loop3A_243 : vector<16xi1>, vector<16xi32>
          %parallel_loop3A_272 = arith.constant 2 : i32
          %parallel_loop3A_273 = vector.broadcast %parallel_loop3A_272 : i32 to vector<16xi32>
          %parallel_loop3A_274 = arith.addi %parallel_loop3A_271, %parallel_loop3A_273 : vector<16xi32>
          %parallel_loop3A_275 = vector.shape_cast %parallel_loop3A_274 : vector<16xi32> to vector<16x1xi32>
          %parallel_loop3A_276 = vector.shape_cast %parallel_loop3A_275 : vector<16x1xi32> to vector<16xi32>
          %parallel_loop3A_277 = tpu.dynamic_gather %parallel_loop3A_190[%parallel_loop3A_276] in [0] : vector<16xf32>, vector<16xi32> -> vector<16xf32>
          %parallel_loop3A_278 = arith.mulf %parallel_loop3A_240, %parallel_loop3A_277 : vector<16xf32>
          %parallel_loop3A_279 = arith.index_cast %parallel_loop3A_169 : i32 to index
          %parallel_loop3A_280 = arith.constant 16 : index
          %parallel_loop3A_281 = tpu.vector_load %arg17[%parallel_loop3A_279, %parallel_loop3A_280] {strides = array<i32>} : memref<64x128xf32, #tpu.memory_space<vmem>>, vector<16xf32>,
          tpu.vector_store %arg17[%parallel_loop3A_279, %parallel_loop3A_280], %parallel_loop3A_278 {strides = array<i32>} : memref<64x128xf32, #tpu.memory_space<vmem>>, vector<16xf32>,
          %parallel_loop3A_282 = arith.index_cast %parallel_loop3A_169 : i32 to index
          %parallel_loop3A_283 = arith.constant 32 : index
          %parallel_loop3A_284 = tpu.vector_load %arg17[%parallel_loop3A_282, %parallel_loop3A_283] {strides = array<i32>} : memref<64x128xf32, #tpu.memory_space<vmem>>, vector<16xf32>,
          %parallel_loop3A_285 = arith.constant 8 : i32
          %parallel_loop3A_286 = vector.broadcast %parallel_loop3A_285 : i32 to vector<16xi32>
          %parallel_loop3A_287 = arith.divsi %iota3A, %parallel_loop3A_286 : vector<16xi32>
          %parallel_loop3A_288 = arith.constant 0 : i32
          %parallel_loop3A_289 = vector.broadcast %parallel_loop3A_288 : i32 to vector<16xi32>
          %parallel_loop3A_290 = arith.cmpi sgt, %iota3A, %parallel_loop3A_289 : vector<16xi32>
          %parallel_loop3A_291 = arith.extui %parallel_loop3A_290 : vector<16xi1> to vector<16xi32>
          %parallel_loop3A_292 = arith.constant 0 : i32
          %parallel_loop3A_293 = vector.broadcast %parallel_loop3A_292 : i32 to vector<16xi32>
          %parallel_loop3A_294 = arith.cmpi slt, %iota3A, %parallel_loop3A_293 : vector<16xi32>
          %parallel_loop3A_295 = arith.extui %parallel_loop3A_294 : vector<16xi1> to vector<16xi32>
          %parallel_loop3A_296 = arith.subi %parallel_loop3A_291, %parallel_loop3A_295 : vector<16xi32>
          %parallel_loop3A_297 = arith.constant 0 : i32
          %parallel_loop3A_298 = arith.cmpi sgt, %parallel_loop3A_285, %parallel_loop3A_297 : i32
          %parallel_loop3A_299 = arith.extui %parallel_loop3A_298 : i1 to i32
          %parallel_loop3A_300 = arith.constant 0 : i32
          %parallel_loop3A_301 = arith.cmpi slt, %parallel_loop3A_285, %parallel_loop3A_300 : i32
          %parallel_loop3A_302 = arith.extui %parallel_loop3A_301 : i1 to i32
          %parallel_loop3A_303 = arith.subi %parallel_loop3A_299, %parallel_loop3A_302 : i32
          %parallel_loop3A_304 = vector.broadcast %parallel_loop3A_303 : i32 to vector<16xi32>
          %parallel_loop3A_305 = arith.cmpi ne, %parallel_loop3A_296, %parallel_loop3A_304 : vector<16xi32>
          %parallel_loop3A_306 = vector.broadcast %parallel_loop3A_285 : i32 to vector<16xi32>
          %parallel_loop3A_307 = arith.remsi %iota3A, %parallel_loop3A_306 : vector<16xi32>
          %parallel_loop3A_308 = arith.constant 0 : i32
          %parallel_loop3A_309 = vector.broadcast %parallel_loop3A_308 : i32 to vector<16xi32>
          %parallel_loop3A_310 = arith.cmpi ne, %parallel_loop3A_307, %parallel_loop3A_309 : vector<16xi32>
          %parallel_loop3A_311 = arith.andi %parallel_loop3A_305, %parallel_loop3A_310 : vector<16xi1>
          %parallel_loop3A_312 = arith.constant 1 : i32
          %parallel_loop3A_313 = vector.broadcast %parallel_loop3A_312 : i32 to vector<16xi32>
          %parallel_loop3A_314 = arith.subi %parallel_loop3A_287, %parallel_loop3A_313 : vector<16xi32>
          %parallel_loop3A_315 = arith.select %parallel_loop3A_311, %parallel_loop3A_314, %parallel_loop3A_287 : vector<16xi1>, vector<16xi32>
          %parallel_loop3A_316 = arith.constant 4 : i32
          %parallel_loop3A_317 = vector.broadcast %parallel_loop3A_316 : i32 to vector<16xi32>
          %parallel_loop3A_318 = arith.addi %parallel_loop3A_315, %parallel_loop3A_317 : vector<16xi32>
          %parallel_loop3A_319 = vector.shape_cast %parallel_loop3A_318 : vector<16xi32> to vector<16x1xi32>
          %parallel_loop3A_320 = vector.shape_cast %parallel_loop3A_319 : vector<16x1xi32> to vector<16xi32>
          %parallel_loop3A_321 = tpu.dynamic_gather %parallel_loop3A_190[%parallel_loop3A_320] in [0] : vector<16xf32>, vector<16xi32> -> vector<16xf32>
          %parallel_loop3A_322 = arith.mulf %parallel_loop3A_284, %parallel_loop3A_321 : vector<16xf32>
          %parallel_loop3A_323 = arith.index_cast %parallel_loop3A_169 : i32 to index
          %parallel_loop3A_324 = arith.constant 32 : index
          %parallel_loop3A_325 = tpu.vector_load %arg17[%parallel_loop3A_323, %parallel_loop3A_324] {strides = array<i32>} : memref<64x128xf32, #tpu.memory_space<vmem>>, vector<16xf32>,
          tpu.vector_store %arg17[%parallel_loop3A_323, %parallel_loop3A_324], %parallel_loop3A_322 {strides = array<i32>} : memref<64x128xf32, #tpu.memory_space<vmem>>, vector<16xf32>,
          %parallel_loop3A_326 = arith.index_cast %parallel_loop3A_169 : i32 to index
          %parallel_loop3A_327 = arith.constant 48 : index
          %parallel_loop3A_328 = tpu.vector_load %arg17[%parallel_loop3A_326, %parallel_loop3A_327] {strides = array<i32>} : memref<64x128xf32, #tpu.memory_space<vmem>>, vector<16xf32>,
          %parallel_loop3A_329 = arith.constant 8 : i32
          %parallel_loop3A_330 = vector.broadcast %parallel_loop3A_329 : i32 to vector<16xi32>
          %parallel_loop3A_331 = arith.divsi %iota3A, %parallel_loop3A_330 : vector<16xi32>
          %parallel_loop3A_332 = arith.constant 0 : i32
          %parallel_loop3A_333 = vector.broadcast %parallel_loop3A_332 : i32 to vector<16xi32>
          %parallel_loop3A_334 = arith.cmpi sgt, %iota3A, %parallel_loop3A_333 : vector<16xi32>
          %parallel_loop3A_335 = arith.extui %parallel_loop3A_334 : vector<16xi1> to vector<16xi32>
          %parallel_loop3A_336 = arith.constant 0 : i32
          %parallel_loop3A_337 = vector.broadcast %parallel_loop3A_336 : i32 to vector<16xi32>
          %parallel_loop3A_338 = arith.cmpi slt, %iota3A, %parallel_loop3A_337 : vector<16xi32>
          %parallel_loop3A_339 = arith.extui %parallel_loop3A_338 : vector<16xi1> to vector<16xi32>
          %parallel_loop3A_340 = arith.subi %parallel_loop3A_335, %parallel_loop3A_339 : vector<16xi32>
          %parallel_loop3A_341 = arith.constant 0 : i32
          %parallel_loop3A_342 = arith.cmpi sgt, %parallel_loop3A_329, %parallel_loop3A_341 : i32
          %parallel_loop3A_343 = arith.extui %parallel_loop3A_342 : i1 to i32
          %parallel_loop3A_344 = arith.constant 0 : i32
          %parallel_loop3A_345 = arith.cmpi slt, %parallel_loop3A_329, %parallel_loop3A_344 : i32
          %parallel_loop3A_346 = arith.extui %parallel_loop3A_345 : i1 to i32
          %parallel_loop3A_347 = arith.subi %parallel_loop3A_343, %parallel_loop3A_346 : i32
          %parallel_loop3A_348 = vector.broadcast %parallel_loop3A_347 : i32 to vector<16xi32>
          %parallel_loop3A_349 = arith.cmpi ne, %parallel_loop3A_340, %parallel_loop3A_348 : vector<16xi32>
          %parallel_loop3A_350 = vector.broadcast %parallel_loop3A_329 : i32 to vector<16xi32>
          %parallel_loop3A_351 = arith.remsi %iota3A, %parallel_loop3A_350 : vector<16xi32>
          %parallel_loop3A_352 = arith.constant 0 : i32
          %parallel_loop3A_353 = vector.broadcast %parallel_loop3A_352 : i32 to vector<16xi32>
          %parallel_loop3A_354 = arith.cmpi ne, %parallel_loop3A_351, %parallel_loop3A_353 : vector<16xi32>
          %parallel_loop3A_355 = arith.andi %parallel_loop3A_349, %parallel_loop3A_354 : vector<16xi1>
          %parallel_loop3A_356 = arith.constant 1 : i32
          %parallel_loop3A_357 = vector.broadcast %parallel_loop3A_356 : i32 to vector<16xi32>
          %parallel_loop3A_358 = arith.subi %parallel_loop3A_331, %parallel_loop3A_357 : vector<16xi32>
          %parallel_loop3A_359 = arith.select %parallel_loop3A_355, %parallel_loop3A_358, %parallel_loop3A_331 : vector<16xi1>, vector<16xi32>
          %parallel_loop3A_360 = arith.constant 6 : i32
          %parallel_loop3A_361 = vector.broadcast %parallel_loop3A_360 : i32 to vector<16xi32>
          %parallel_loop3A_362 = arith.addi %parallel_loop3A_359, %parallel_loop3A_361 : vector<16xi32>
          %parallel_loop3A_363 = vector.shape_cast %parallel_loop3A_362 : vector<16xi32> to vector<16x1xi32>
          %parallel_loop3A_364 = vector.shape_cast %parallel_loop3A_363 : vector<16x1xi32> to vector<16xi32>
          %parallel_loop3A_365 = tpu.dynamic_gather %parallel_loop3A_190[%parallel_loop3A_364] in [0] : vector<16xf32>, vector<16xi32> -> vector<16xf32>
          %parallel_loop3A_366 = arith.mulf %parallel_loop3A_328, %parallel_loop3A_365 : vector<16xf32>
          %parallel_loop3A_367 = arith.index_cast %parallel_loop3A_169 : i32 to index
          %parallel_loop3A_368 = arith.constant 48 : index
          %parallel_loop3A_369 = tpu.vector_load %arg17[%parallel_loop3A_367, %parallel_loop3A_368] {strides = array<i32>} : memref<64x128xf32, #tpu.memory_space<vmem>>, vector<16xf32>,
          tpu.vector_store %arg17[%parallel_loop3A_367, %parallel_loop3A_368], %parallel_loop3A_366 {strides = array<i32>} : memref<64x128xf32, #tpu.memory_space<vmem>>, vector<16xf32>,
        } {sc.loop_unroll_factor = 8 : i64, sc.parallel_access}
        %dma_start3A_162 = arith.constant 0 : i32
        %dma_start3A_163 = tpu.memref_slice %arg15[%add3A_134, %dma_start3A_162] : memref<8x64xi32, #tpu.memory_space<vmem>> -> memref<1x64xi32, #tpu.memory_space<vmem>>
        %dma_start3A_164 = tpu.memref_squeeze %dma_start3A_163 : memref<1x64xi32, #tpu.memory_space<vmem>> -> memref<64xi32, #tpu.memory_space<vmem>>
        %dma_start3A_165 = arith.constant 0 : i32
        %dma_start3A_166 = arith.constant 0 : i32
        %dma_start3A_167 = tpu.memref_slice %arg9[%dma_start3A_165, %dma_start3A_166] : memref<10112x128xf32, #tpu.memory_space<vmem_shared>> -> memref<10112x128xf32, #tpu.memory_space<vmem_shared>>
        tpu.enqueue_indirect_dma source(%arg17 : memref<64x128xf32, #tpu.memory_space<vmem>>) target(%dma_start3A_167 : memref<10112x128xf32, #tpu.memory_space<vmem_shared>>) offsets(%dma_start3A_164 : memref<64xi32, #tpu.memory_space<vmem>>) semaphore(%arg23 : memref<!tpu.dma_semaphore, #tpu.memory_space<semaphore_mem>>) {add = true}
        %scan3A_168 = arith.constant 0 : i32
        scf.yield %scan3A_168 : i32
      }
      %scan3A_89 = arith.constant 4 : i32
      %dma_wait3A = arith.constant 7 : i32
      %dma_wait3A_90 = arith.constant 0 : i32
      %dma_wait3A_91 = tpu.memref_slice %arg15[%dma_wait3A, %dma_wait3A_90] : memref<8x64xi32, #tpu.memory_space<vmem>> -> memref<1x64xi32, #tpu.memory_space<vmem>>
      %dma_wait3A_92 = tpu.memref_squeeze %dma_wait3A_91 : memref<1x64xi32, #tpu.memory_space<vmem>> -> memref<64xi32, #tpu.memory_space<vmem>>
      %dma_wait3A_93 = arith.constant 0 : i32
      %dma_wait3A_94 = arith.constant 0 : i32
      %dma_wait3A_95 = tpu.memref_slice %arg9[%dma_wait3A_93, %dma_wait3A_94] : memref<10112x128xf32, #tpu.memory_space<vmem_shared>> -> memref<10112x128xf32, #tpu.memory_space<vmem_shared>>
      tpu.wait_indirect_dma semaphore(%arg23 : memref<!tpu.dma_semaphore, #tpu.memory_space<semaphore_mem>>) src(%arg17 : memref<64x128xf32, #tpu.memory_space<vmem>>) dst(%dma_wait3A_95 : memref<10112x128xf32, #tpu.memory_space<vmem_shared>>)
      %scan3A_96 = arith.constant 0 : i32
      scf.yield %scan3A_96 : i32
    }
    %scan3A_56 = arith.constant 20 : i32
    %barrier3A_57 = arith.constant 0 : index
    tpu.barrier barrier_id(%barrier3A_57)
    "tpu.region"() ({
      %run_scoped3A = tpu.sem_alloc : memref<!tpu.dma_semaphore, #tpu.memory_space<semaphore_mem>>
      %dma_start3A = arith.constant 0 : i32
      %dma_start3A_58 = tpu.memref_slice %arg8[%arg0, %mul3A_4, %dma_start3A] : memref<2x10112x128xf32, #tpu.memory_space<hbm>> -> memref<1x632x128xf32, #tpu.memory_space<hbm>>
      %dma_start3A_59 = tpu.memref_squeeze %dma_start3A_58 : memref<1x632x128xf32, #tpu.memory_space<hbm>> -> memref<632x128xf32, #tpu.memory_space<hbm>>
      %dma_start3A_60 = arith.constant 0 : i32
      %dma_start3A_61 = tpu.memref_slice %arg9[%mul3A_4, %dma_start3A_60] : memref<10112x128xf32, #tpu.memory_space<vmem_shared>> -> memref<632x128xf32, #tpu.memory_space<vmem_shared>>
      tpu.enqueue_dma source(%dma_start3A_61 : memref<632x128xf32, #tpu.memory_space<vmem_shared>>) target(%dma_start3A_59 : memref<632x128xf32, #tpu.memory_space<hbm>>) target_semaphore(%run_scoped3A : memref<!tpu.dma_semaphore, #tpu.memory_space<semaphore_mem>>)
      %dma_wait3A = arith.constant 0 : i32
      %dma_wait3A_62 = tpu.memref_slice %arg8[%arg0, %mul3A_4, %dma_wait3A] : memref<2x10112x128xf32, #tpu.memory_space<hbm>> -> memref<1x632x128xf32, #tpu.memory_space<hbm>>
      %dma_wait3A_63 = tpu.memref_squeeze %dma_wait3A_62 : memref<1x632x128xf32, #tpu.memory_space<hbm>> -> memref<632x128xf32, #tpu.memory_space<hbm>>
      %dma_wait3A_64 = arith.constant 0 : i32
      %dma_wait3A_65 = tpu.memref_slice %arg9[%mul3A_4, %dma_wait3A_64] : memref<10112x128xf32, #tpu.memory_space<vmem_shared>> -> memref<632x128xf32, #tpu.memory_space<vmem_shared>>
      tpu.wait_dma2 semaphore(%run_scoped3A : memref<!tpu.dma_semaphore, #tpu.memory_space<semaphore_mem>>) src(%dma_wait3A_65 : memref<632x128xf32, #tpu.memory_space<vmem_shared>>) dst(%dma_wait3A_63 : memref<632x128xf32, #tpu.memory_space<hbm>>)
      tpu.yield
    }) : () -> ()
    return
  }
}

module attributes {stable_mosaic.version = 14 : i64} {
  func.func @_tc_a_body(%arg0: i32, %arg1: memref<1000x128xf32, #tpu.memory_space<vmem>>, %arg2: memref<128x64xf32, #tpu.memory_space<vmem>>, %arg3: memref<64x64xf32, #tpu.memory_space<vmem>>, %arg4: memref<128x64xf32, #tpu.memory_space<vmem>>, %arg5: memref<64x64xf32, #tpu.memory_space<vmem>>, %arg6: memref<1000x128xf32, #tpu.memory_space<vmem>>, %arg7: memref<1000x128xf32, #tpu.memory_space<vmem>>) attributes {dimension_semantics = [#tpu.dimension_semantics<arbitrary>], iteration_bounds = array<i64: 10>, scalar_prefetch = 0 : i64, scratch_operands = 0 : i64, tpu.core_type = #tpu.core_type<tc>, window_params = [{transform_indices = @transform_0, window_bounds = array<i64: 1000, 128>}, {pipeline_mode = #tpu.pipeline_mode<synchronous>, transform_indices = @transform_1, window_bounds = array<i64: 128, 64>}, {pipeline_mode = #tpu.pipeline_mode<synchronous>, transform_indices = @transform_2, window_bounds = array<i64: 64, 64>}, {pipeline_mode = #tpu.pipeline_mode<synchronous>, transform_indices = @transform_3, window_bounds = array<i64: 128, 64>}, {pipeline_mode = #tpu.pipeline_mode<synchronous>, transform_indices = @transform_4, window_bounds = array<i64: 64, 64>}, {transform_indices = @transform_5, window_bounds = array<i64: 1000, 128>}, {transform_indices = @transform_6, window_bounds = array<i64: 1000, 128>}]} {
    %get3A = arith.constant 0 : index
    %get3A_0 = arith.constant 0 : index
    %get3A_1 = vector.load %arg1[%get3A, %get3A_0] : memref<1000x128xf32, #tpu.memory_space<vmem>>, vector<1000x128xf32>
    %get3A_2 = arith.constant 0 : index
    %get3A_3 = arith.constant 0 : index
    %get3A_4 = vector.load %arg2[%get3A_2, %get3A_3] : memref<128x64xf32, #tpu.memory_space<vmem>>, vector<128x64xf32>
    %dot_general3A = arith.constant dense<0.000000e+00> : vector<1000x64xf32>
    %dot_general3A_5 = tpu.matmul %get3A_1, %get3A_4, %dot_general3A {dimension_numbers = #tpu.dot_dimension_numbers<[1], [0], [0], [1], [0, 0, 1, 1], [], []>, transpose_lhs_hint = false} : vector<1000x128xf32>, vector<128x64xf32>, vector<1000x64xf32> -> vector<1000x64xf32>
    %get3A_6 = arith.constant 0 : index
    %get3A_7 = arith.constant 0 : index
    %get3A_8 = vector.load %arg3[%get3A_6, %get3A_7] : memref<64x64xf32, #tpu.memory_space<vmem>>, vector<64x64xf32>
    %dot_general3A_9 = arith.constant dense<0.000000e+00> : vector<1000x64xf32>
    %dot_general3A_10 = tpu.matmul %dot_general3A_5, %get3A_8, %dot_general3A_9 {dimension_numbers = #tpu.dot_dimension_numbers<[1], [0], [0], [1], [0, 0, 1, 1], [], []>, transpose_lhs_hint = false} : vector<1000x64xf32>, vector<64x64xf32>, vector<1000x64xf32> -> vector<1000x64xf32>
    %concatenate3A = tpu.concatenate %dot_general3A_5, %dot_general3A_10 in 1 : vector<1000x64xf32>, vector<1000x64xf32> -> vector<1000x128xf32>
    %swap3A = arith.constant 0 : index
    %swap3A_11 = arith.constant 0 : index
    %swap3A_12 = vector.load %arg6[%swap3A, %swap3A_11] : memref<1000x128xf32, #tpu.memory_space<vmem>>, vector<1000x128xf32>
    tpu.vector_store %arg6[%swap3A, %swap3A_11], %concatenate3A {strides = array<i32>} : memref<1000x128xf32, #tpu.memory_space<vmem>>, vector<1000x128xf32>,
    %get3A_13 = arith.constant 0 : index
    %get3A_14 = arith.constant 0 : index
    %get3A_15 = vector.load %arg4[%get3A_13, %get3A_14] : memref<128x64xf32, #tpu.memory_space<vmem>>, vector<128x64xf32>
    %dot_general3A_16 = arith.constant dense<0.000000e+00> : vector<1000x64xf32>
    %dot_general3A_17 = tpu.matmul %get3A_1, %get3A_15, %dot_general3A_16 {dimension_numbers = #tpu.dot_dimension_numbers<[1], [0], [0], [1], [0, 0, 1, 1], [], []>, transpose_lhs_hint = false} : vector<1000x128xf32>, vector<128x64xf32>, vector<1000x64xf32> -> vector<1000x64xf32>
    %get3A_18 = arith.constant 0 : index
    %get3A_19 = arith.constant 0 : index
    %get3A_20 = vector.load %arg5[%get3A_18, %get3A_19] : memref<64x64xf32, #tpu.memory_space<vmem>>, vector<64x64xf32>
    %dot_general3A_21 = arith.constant dense<0.000000e+00> : vector<1000x64xf32>
    %dot_general3A_22 = tpu.matmul %dot_general3A_17, %get3A_20, %dot_general3A_21 {dimension_numbers = #tpu.dot_dimension_numbers<[1], [0], [0], [1], [0, 0, 1, 1], [], []>, transpose_lhs_hint = false} : vector<1000x64xf32>, vector<64x64xf32>, vector<1000x64xf32> -> vector<1000x64xf32>
    %concatenate3A_23 = tpu.concatenate %dot_general3A_17, %dot_general3A_22 in 1 : vector<1000x64xf32>, vector<1000x64xf32> -> vector<1000x128xf32>
    %swap3A_24 = arith.constant 0 : index
    %swap3A_25 = arith.constant 0 : index
    %swap3A_26 = vector.load %arg7[%swap3A_24, %swap3A_25] : memref<1000x128xf32, #tpu.memory_space<vmem>>, vector<1000x128xf32>
    tpu.vector_store %arg7[%swap3A_24, %swap3A_25], %concatenate3A_23 {strides = array<i32>} : memref<1000x128xf32, #tpu.memory_space<vmem>>, vector<1000x128xf32>,
    return
  }
  func.func @transform_0(%arg0: i32) -> (i32, i32) {
    %c0_i32 = arith.constant 0 : i32
    %c0_i32_0 = arith.constant 0 : i32
    return %arg0, %c0_i32 : i32, i32
  }
  func.func @transform_1(%arg0: i32) -> (i32, i32) {
    %c0_i32 = arith.constant 0 : i32
    %c0_i32_0 = arith.constant 0 : i32
    %c0_i32_1 = arith.constant 0 : i32
    return %c0_i32, %c0_i32_0 : i32, i32
  }
  func.func @transform_2(%arg0: i32) -> (i32, i32) {
    %c0_i32 = arith.constant 0 : i32
    %c0_i32_0 = arith.constant 0 : i32
    %c0_i32_1 = arith.constant 0 : i32
    return %c0_i32, %c0_i32_0 : i32, i32
  }
  func.func @transform_3(%arg0: i32) -> (i32, i32) {
    %c0_i32 = arith.constant 0 : i32
    %c0_i32_0 = arith.constant 0 : i32
    %c0_i32_1 = arith.constant 0 : i32
    return %c0_i32, %c0_i32_0 : i32, i32
  }
  func.func @transform_4(%arg0: i32) -> (i32, i32) {
    %c0_i32 = arith.constant 0 : i32
    %c0_i32_0 = arith.constant 0 : i32
    %c0_i32_1 = arith.constant 0 : i32
    return %c0_i32, %c0_i32_0 : i32, i32
  }
  func.func @transform_5(%arg0: i32) -> (i32, i32) {
    %c0_i32 = arith.constant 0 : i32
    %c0_i32_0 = arith.constant 0 : i32
    return %arg0, %c0_i32 : i32, i32
  }
  func.func @transform_6(%arg0: i32) -> (i32, i32) {
    %c0_i32 = arith.constant 0 : i32
    %c0_i32_0 = arith.constant 0 : i32
    return %arg0, %c0_i32 : i32, i32
  }
}

module attributes {stable_mosaic.version = 14 : i64} {
  func.func @_tc_e_body(%arg0: i32, %arg1: memref<1000x128xf32, #tpu.memory_space<vmem>>, %arg2: memref<1000x128xf32, #tpu.memory_space<vmem>>, %arg3: memref<1000x128xf32, #tpu.memory_space<vmem>>, %arg4: memref<1000x128xf32, #tpu.memory_space<vmem>>, %arg5: memref<1000x128xf32, #tpu.memory_space<vmem>>, %arg6: memref<1000x128xf32, #tpu.memory_space<vmem>>, %arg7: memref<1000x128xf32, #tpu.memory_space<vmem>>, %arg8: memref<8x64xf32, #tpu.memory_space<vmem>>, %arg9: memref<1x64xf32, #tpu.memory_space<vmem>>, %arg10: memref<1x64xf32, #tpu.memory_space<vmem>>, %arg11: memref<1x128xf32, #tpu.memory_space<vmem>>, %arg12: memref<1x128xf32, #tpu.memory_space<vmem>>, %arg13: memref<1000x128xf32, #tpu.memory_space<vmem>>) attributes {dimension_semantics = [#tpu.dimension_semantics<arbitrary>], iteration_bounds = array<i64: 10>, scalar_prefetch = 0 : i64, scratch_operands = 0 : i64, tpu.core_type = #tpu.core_type<tc>, window_params = [{transform_indices = @transform_0, window_bounds = array<i64: 1000, 128>}, {transform_indices = @transform_1, window_bounds = array<i64: 1000, 128>}, {transform_indices = @transform_2, window_bounds = array<i64: 1000, 128>}, {transform_indices = @transform_3, window_bounds = array<i64: 1000, 128>}, {transform_indices = @transform_4, window_bounds = array<i64: 1000, 128>}, {transform_indices = @transform_5, window_bounds = array<i64: 1000, 128>}, {transform_indices = @transform_6, window_bounds = array<i64: 1000, 128>}, {pipeline_mode = #tpu.pipeline_mode<synchronous>, transform_indices = @transform_7, window_bounds = array<i64: 8, 64>}, {pipeline_mode = #tpu.pipeline_mode<synchronous>, transform_indices = @transform_8, window_bounds = array<i64: 1, 64>}, {pipeline_mode = #tpu.pipeline_mode<synchronous>, transform_indices = @transform_9, window_bounds = array<i64: 1, 64>}, {pipeline_mode = #tpu.pipeline_mode<synchronous>, transform_indices = @transform_10, window_bounds = array<i64: 1, 128>}, {pipeline_mode = #tpu.pipeline_mode<synchronous>, transform_indices = @transform_11, window_bounds = array<i64: 1, 128>}, {transform_indices = @transform_12, window_bounds = array<i64: 1000, 128>}]} {
    %get3A = arith.constant 0 : index
    %get3A_0 = arith.constant 0 : index
    %get3A_1 = vector.load %arg8[%get3A, %get3A_0] : memref<8x64xf32, #tpu.memory_space<vmem>>, vector<8x64xf32>
    %get3A_2 = arith.constant 0 : index
    %get3A_3 = arith.constant 0 : index
    %get3A_4 = vector.load %arg2[%get3A_2, %get3A_3] : memref<1000x128xf32, #tpu.memory_space<vmem>>, vector<1000x128xf32>
    %get3A_5 = arith.constant 0 : index
    %get3A_6 = arith.constant 0 : index
    %get3A_7 = vector.load %arg4[%get3A_5, %get3A_6] : memref<1000x128xf32, #tpu.memory_space<vmem>>, vector<1000x128xf32>
    %get3A_8 = arith.constant 0 : index
    %get3A_9 = arith.constant 0 : index
    %get3A_10 = vector.load %arg5[%get3A_8, %get3A_9] : memref<1000x128xf32, #tpu.memory_space<vmem>>, vector<1000x128xf32>
    %slice3A = vector.extract_strided_slice %get3A_4 {offsets = [0, 64], sizes = [1000, 8], strides = [1, 1]} : vector<1000x128xf32> to vector<1000x8xf32>
    %slice3A_11 = vector.extract_strided_slice %get3A_4 {offsets = [0, 72], sizes = [1000, 8], strides = [1, 1]} : vector<1000x128xf32> to vector<1000x8xf32>
    %add3A = arith.addf %slice3A, %slice3A_11 : vector<1000x8xf32>
    %mul3A = arith.constant 2.000000e-01 : f32
    %mul3A_12 = vector.broadcast %mul3A : f32 to vector<1000x8xf32>
    %mul3A_13 = arith.mulf %mul3A_12, %add3A : vector<1000x8xf32>
    %max3A = arith.maximumf %add3A, %mul3A_13 : vector<1000x8xf32>
    %exp3A = math.exp %max3A : vector<1000x8xf32>
    %slice3A_14 = vector.extract_strided_slice %get3A_7 {offsets = [0, 112], sizes = [1000, 8], strides = [1, 1]} : vector<1000x128xf32> to vector<1000x8xf32>
    %slice3A_15 = vector.extract_strided_slice %get3A_10 {offsets = [0, 112], sizes = [1000, 8], strides = [1, 1]} : vector<1000x128xf32> to vector<1000x8xf32>
    %add3A_16 = arith.addf %slice3A_14, %slice3A_15 : vector<1000x8xf32>
    %add3A_17 = arith.addf %add3A_16, %exp3A : vector<1000x8xf32>
    %dot_general3A = arith.constant dense<0.000000e+00> : vector<1000x64xf32>
    %dot_general3A_18 = tpu.matmul %add3A_17, %get3A_1, %dot_general3A {dimension_numbers = #tpu.dot_dimension_numbers<[1], [0], [0], [1], [0, 0, 1, 1], [], []>, transpose_lhs_hint = false} : vector<1000x8xf32>, vector<8x64xf32>, vector<1000x64xf32> -> vector<1000x64xf32>
    %dot_general3A_19 = arith.constant dense<0.000000e+00> : vector<1000x64xf32>
    %dot_general3A_20 = tpu.matmul %exp3A, %get3A_1, %dot_general3A_19 {dimension_numbers = #tpu.dot_dimension_numbers<[1], [0], [0], [1], [0, 0, 1, 1], [], []>, transpose_lhs_hint = false} : vector<1000x8xf32>, vector<8x64xf32>, vector<1000x64xf32> -> vector<1000x64xf32>
    %slice3A_21 = vector.extract_strided_slice %get3A_7 {offsets = [0, 0], sizes = [1000, 64], strides = [1, 1]} : vector<1000x128xf32> to vector<1000x64xf32>
    %slice3A_22 = vector.extract_strided_slice %get3A_10 {offsets = [0, 0], sizes = [1000, 64], strides = [1, 1]} : vector<1000x128xf32> to vector<1000x64xf32>
    %add3A_23 = arith.addf %slice3A_21, %slice3A_22 : vector<1000x64xf32>
    %slice3A_24 = vector.extract_strided_slice %get3A_4 {offsets = [0, 0], sizes = [1000, 64], strides = [1, 1]} : vector<1000x128xf32> to vector<1000x64xf32>
    %mul3A_25 = arith.mulf %dot_general3A_20, %slice3A_24 : vector<1000x64xf32>
    %add3A_26 = arith.addf %add3A_23, %mul3A_25 : vector<1000x64xf32>
    %add3A_27 = arith.constant 1.000000e-16 : f32
    %add3A_28 = vector.broadcast %add3A_27 : f32 to vector<1000x64xf32>
    %add3A_29 = arith.addf %dot_general3A_18, %add3A_28 : vector<1000x64xf32>
    %div3A = arith.divf %add3A_26, %add3A_29 : vector<1000x64xf32>
    %get3A_30 = arith.constant 0 : index
    %get3A_31 = arith.constant 0 : index
    %get3A_32 = vector.load %arg9[%get3A_30, %get3A_31] : memref<1x64xf32, #tpu.memory_space<vmem>>, vector<1x64xf32>
    %add3A_33 = vector.broadcast %get3A_32 : vector<1x64xf32> to vector<1000x64xf32>
    %add3A_34 = arith.addf %div3A, %add3A_33 : vector<1000x64xf32>
    %get3A_35 = arith.constant 0 : index
    %get3A_36 = arith.constant 0 : index
    %get3A_37 = vector.load %arg3[%get3A_35, %get3A_36] : memref<1000x128xf32, #tpu.memory_space<vmem>>, vector<1000x128xf32>
    %get3A_38 = arith.constant 0 : index
    %get3A_39 = arith.constant 0 : index
    %get3A_40 = vector.load %arg6[%get3A_38, %get3A_39] : memref<1000x128xf32, #tpu.memory_space<vmem>>, vector<1000x128xf32>
    %get3A_41 = arith.constant 0 : index
    %get3A_42 = arith.constant 0 : index
    %get3A_43 = vector.load %arg7[%get3A_41, %get3A_42] : memref<1000x128xf32, #tpu.memory_space<vmem>>, vector<1000x128xf32>
    %slice3A_44 = vector.extract_strided_slice %get3A_37 {offsets = [0, 64], sizes = [1000, 8], strides = [1, 1]} : vector<1000x128xf32> to vector<1000x8xf32>
    %slice3A_45 = vector.extract_strided_slice %get3A_37 {offsets = [0, 72], sizes = [1000, 8], strides = [1, 1]} : vector<1000x128xf32> to vector<1000x8xf32>
    %add3A_46 = arith.addf %slice3A_44, %slice3A_45 : vector<1000x8xf32>
    %mul3A_47 = arith.constant 2.000000e-01 : f32
    %mul3A_48 = vector.broadcast %mul3A_47 : f32 to vector<1000x8xf32>
    %mul3A_49 = arith.mulf %mul3A_48, %add3A_46 : vector<1000x8xf32>
    %max3A_50 = arith.maximumf %add3A_46, %mul3A_49 : vector<1000x8xf32>
    %exp3A_51 = math.exp %max3A_50 : vector<1000x8xf32>
    %slice3A_52 = vector.extract_strided_slice %get3A_40 {offsets = [0, 112], sizes = [1000, 8], strides = [1, 1]} : vector<1000x128xf32> to vector<1000x8xf32>
    %slice3A_53 = vector.extract_strided_slice %get3A_43 {offsets = [0, 112], sizes = [1000, 8], strides = [1, 1]} : vector<1000x128xf32> to vector<1000x8xf32>
    %add3A_54 = arith.addf %slice3A_52, %slice3A_53 : vector<1000x8xf32>
    %add3A_55 = arith.addf %add3A_54, %exp3A_51 : vector<1000x8xf32>
    %dot_general3A_56 = arith.constant dense<0.000000e+00> : vector<1000x64xf32>
    %dot_general3A_57 = tpu.matmul %add3A_55, %get3A_1, %dot_general3A_56 {dimension_numbers = #tpu.dot_dimension_numbers<[1], [0], [0], [1], [0, 0, 1, 1], [], []>, transpose_lhs_hint = false} : vector<1000x8xf32>, vector<8x64xf32>, vector<1000x64xf32> -> vector<1000x64xf32>
    %dot_general3A_58 = arith.constant dense<0.000000e+00> : vector<1000x64xf32>
    %dot_general3A_59 = tpu.matmul %exp3A_51, %get3A_1, %dot_general3A_58 {dimension_numbers = #tpu.dot_dimension_numbers<[1], [0], [0], [1], [0, 0, 1, 1], [], []>, transpose_lhs_hint = false} : vector<1000x8xf32>, vector<8x64xf32>, vector<1000x64xf32> -> vector<1000x64xf32>
    %slice3A_60 = vector.extract_strided_slice %get3A_40 {offsets = [0, 0], sizes = [1000, 64], strides = [1, 1]} : vector<1000x128xf32> to vector<1000x64xf32>
    %slice3A_61 = vector.extract_strided_slice %get3A_43 {offsets = [0, 0], sizes = [1000, 64], strides = [1, 1]} : vector<1000x128xf32> to vector<1000x64xf32>
    %add3A_62 = arith.addf %slice3A_60, %slice3A_61 : vector<1000x64xf32>
    %slice3A_63 = vector.extract_strided_slice %get3A_37 {offsets = [0, 0], sizes = [1000, 64], strides = [1, 1]} : vector<1000x128xf32> to vector<1000x64xf32>
    %mul3A_64 = arith.mulf %dot_general3A_59, %slice3A_63 : vector<1000x64xf32>
    %add3A_65 = arith.addf %add3A_62, %mul3A_64 : vector<1000x64xf32>
    %add3A_66 = arith.constant 1.000000e-16 : f32
    %add3A_67 = vector.broadcast %add3A_66 : f32 to vector<1000x64xf32>
    %add3A_68 = arith.addf %dot_general3A_57, %add3A_67 : vector<1000x64xf32>
    %div3A_69 = arith.divf %add3A_65, %add3A_68 : vector<1000x64xf32>
    %get3A_70 = arith.constant 0 : index
    %get3A_71 = arith.constant 0 : index
    %get3A_72 = vector.load %arg10[%get3A_70, %get3A_71] : memref<1x64xf32, #tpu.memory_space<vmem>>, vector<1x64xf32>
    %add3A_73 = vector.broadcast %get3A_72 : vector<1x64xf32> to vector<1000x64xf32>
    %add3A_74 = arith.addf %div3A_69, %add3A_73 : vector<1000x64xf32>
    %concatenate3A = tpu.concatenate %add3A_34, %add3A_74 in 1 : vector<1000x64xf32>, vector<1000x64xf32> -> vector<1000x128xf32>
    %get3A_75 = arith.constant 0 : index
    %get3A_76 = arith.constant 0 : index
    %get3A_77 = vector.load %arg1[%get3A_75, %get3A_76] : memref<1000x128xf32, #tpu.memory_space<vmem>>, vector<1000x128xf32>
    %add3A_78 = arith.addf %concatenate3A, %get3A_77 : vector<1000x128xf32>
    %reduce_sum3A = arith.constant dense<0.000000e+00> : vector<1000xf32>
    %reduce_sum3A_79 = vector.multi_reduction <add>, %add3A_78, %reduce_sum3A [1] : vector<1000x128xf32> to vector<1000xf32>
    %broadcast_in_dim3A = vector.shape_cast %reduce_sum3A_79 : vector<1000xf32> to vector<1000x1xf32>
    %div3A_80 = arith.constant 1.280000e+02 : f32
    %div3A_81 = vector.broadcast %div3A_80 : f32 to vector<1000x1xf32>
    %div3A_82 = arith.divf %broadcast_in_dim3A, %div3A_81 : vector<1000x1xf32>
    %sub3A = vector.broadcast %div3A_82 : vector<1000x1xf32> to vector<1000x128xf32>
    %sub3A_83 = arith.subf %add3A_78, %sub3A : vector<1000x128xf32>
    %integer_pow3A = arith.mulf %sub3A_83, %sub3A_83 : vector<1000x128xf32>
    %reduce_sum3A_84 = arith.constant dense<0.000000e+00> : vector<1000xf32>
    %reduce_sum3A_85 = vector.multi_reduction <add>, %integer_pow3A, %reduce_sum3A_84 [1] : vector<1000x128xf32> to vector<1000xf32>
    %broadcast_in_dim3A_86 = vector.shape_cast %reduce_sum3A_85 : vector<1000xf32> to vector<1000x1xf32>
    %div3A_87 = arith.constant 1.280000e+02 : f32
    %div3A_88 = vector.broadcast %div3A_87 : f32 to vector<1000x1xf32>
    %div3A_89 = arith.divf %broadcast_in_dim3A_86, %div3A_88 : vector<1000x1xf32>
    %sub3A_90 = vector.broadcast %div3A_82 : vector<1000x1xf32> to vector<1000x128xf32>
    %sub3A_91 = arith.subf %add3A_78, %sub3A_90 : vector<1000x128xf32>
    %add3A_92 = arith.constant 9.99999974E-6 : f32
    %add3A_93 = vector.broadcast %add3A_92 : f32 to vector<1000x1xf32>
    %add3A_94 = arith.addf %div3A_89, %add3A_93 : vector<1000x1xf32>
    %rsqrt3A = math.rsqrt %add3A_94 : vector<1000x1xf32>
    %mul3A_95 = vector.broadcast %rsqrt3A : vector<1000x1xf32> to vector<1000x128xf32>
    %mul3A_96 = arith.mulf %sub3A_91, %mul3A_95 : vector<1000x128xf32>
    %get3A_97 = arith.constant 0 : index
    %get3A_98 = arith.constant 0 : index
    %get3A_99 = vector.load %arg11[%get3A_97, %get3A_98] : memref<1x128xf32, #tpu.memory_space<vmem>>, vector<1x128xf32>
    %mul3A_100 = vector.broadcast %get3A_99 : vector<1x128xf32> to vector<1000x128xf32>
    %mul3A_101 = arith.mulf %mul3A_96, %mul3A_100 : vector<1000x128xf32>
    %get3A_102 = arith.constant 0 : index
    %get3A_103 = arith.constant 0 : index
    %get3A_104 = vector.load %arg12[%get3A_102, %get3A_103] : memref<1x128xf32, #tpu.memory_space<vmem>>, vector<1x128xf32>
    %add3A_105 = vector.broadcast %get3A_104 : vector<1x128xf32> to vector<1000x128xf32>
    %add3A_106 = arith.addf %mul3A_101, %add3A_105 : vector<1000x128xf32>
    %swap3A = arith.constant 0 : index
    %swap3A_107 = arith.constant 0 : index
    %swap3A_108 = vector.load %arg13[%swap3A, %swap3A_107] : memref<1000x128xf32, #tpu.memory_space<vmem>>, vector<1000x128xf32>
    tpu.vector_store %arg13[%swap3A, %swap3A_107], %add3A_106 {strides = array<i32>} : memref<1000x128xf32, #tpu.memory_space<vmem>>, vector<1000x128xf32>,
    return
  }
  func.func @transform_0(%arg0: i32) -> (i32, i32) {
    %c0_i32 = arith.constant 0 : i32
    %c0_i32_0 = arith.constant 0 : i32
    return %arg0, %c0_i32 : i32, i32
  }
  func.func @transform_1(%arg0: i32) -> (i32, i32) {
    %c0_i32 = arith.constant 0 : i32
    %c0_i32_0 = arith.constant 0 : i32
    return %arg0, %c0_i32 : i32, i32
  }
  func.func @transform_2(%arg0: i32) -> (i32, i32) {
    %c0_i32 = arith.constant 0 : i32
    %c0_i32_0 = arith.constant 0 : i32
    return %arg0, %c0_i32 : i32, i32
  }
  func.func @transform_3(%arg0: i32) -> (i32, i32) {
    %c0_i32 = arith.constant 0 : i32
    %c0_i32_0 = arith.constant 0 : i32
    return %arg0, %c0_i32 : i32, i32
  }
  func.func @transform_4(%arg0: i32) -> (i32, i32) {
    %c0_i32 = arith.constant 0 : i32
    %c0_i32_0 = arith.constant 0 : i32
    return %arg0, %c0_i32 : i32, i32
  }
  func.func @transform_5(%arg0: i32) -> (i32, i32) {
    %c0_i32 = arith.constant 0 : i32
    %c0_i32_0 = arith.constant 0 : i32
    return %arg0, %c0_i32 : i32, i32
  }
  func.func @transform_6(%arg0: i32) -> (i32, i32) {
    %c0_i32 = arith.constant 0 : i32
    %c0_i32_0 = arith.constant 0 : i32
    return %arg0, %c0_i32 : i32, i32
  }
  func.func @transform_7(%arg0: i32) -> (i32, i32) {
    %c0_i32 = arith.constant 0 : i32
    %c0_i32_0 = arith.constant 0 : i32
    %c0_i32_1 = arith.constant 0 : i32
    return %c0_i32, %c0_i32_0 : i32, i32
  }
  func.func @transform_8(%arg0: i32) -> (i32, i32) {
    %c0_i32 = arith.constant 0 : i32
    %c0_i32_0 = arith.constant 0 : i32
    %c0_i32_1 = arith.constant 0 : i32
    return %c0_i32, %c0_i32_0 : i32, i32
  }
  func.func @transform_9(%arg0: i32) -> (i32, i32) {
    %c0_i32 = arith.constant 0 : i32
    %c0_i32_0 = arith.constant 0 : i32
    %c0_i32_1 = arith.constant 0 : i32
    return %c0_i32, %c0_i32_0 : i32, i32
  }
  func.func @transform_10(%arg0: i32) -> (i32, i32) {
    %c0_i32 = arith.constant 0 : i32
    %c0_i32_0 = arith.constant 0 : i32
    %c0_i32_1 = arith.constant 0 : i32
    return %c0_i32, %c0_i32_0 : i32, i32
  }
  func.func @transform_11(%arg0: i32) -> (i32, i32) {
    %c0_i32 = arith.constant 0 : i32
    %c0_i32_0 = arith.constant 0 : i32
    %c0_i32_1 = arith.constant 0 : i32
    return %c0_i32, %c0_i32_0 : i32, i32
  }
  func.func @transform_12(%arg0: i32) -> (i32, i32) {
    %c0_i32 = arith.constant 0 : i32
    %c0_i32_0 = arith.constant 0 : i32
    return %arg0, %c0_i32 : i32, i32
  }
}

</mosaic_0001>

<sc_bundles>
// kernel: kernel.5.cloned.1.call-start
scs
__scs_entry_jumppad:
0x0: {  	(pc) =	sbr.rel $0x88, $3  }
0x1: {  	(tag) =	ssettag $0x0;
	lr =	simm.s32 $0x1  }
0x2: {  	[smem:$0x3F95] =	sst lr;
	_ =	strace $0xD0000000  }
0x3: {  	_ = 	snop  }
0x4: {  	_ = 	snop  }
0x5: {  	_ = 	snop  }
0x6: {  	_ = 	snop  }
0x7: {  	_ = 	snop  }
__scs_overlays_trampoline_lowered:
0x8: {  	[smem:$0x3FA4] =	sst s0  }
0x9: {  	[smem:$0x3FA5] =	sst s1  }
0xa: {  	[smem:$0x3FA6] =	sst s2  }
0xb: {  	[smem:$0x3FA7] =	sst s3  }
0xc: {  	[smem:$0x3FA8] =	sst s4  }
0xd: {  	[smem:$0x3FA9] =	sst s5  }
0xe: {  	[smem:$0x3FAA] =	sst s6  }
0xf: {  	[smem:$0x3FAB] =	sst s7  }
0x10: {  	[smem:$0x3FAC] =	sst s8  }
0x11: {  	[smem:$0x3FAD] =	sst s9;
	s0 =	simm.s32 @!p0 $0x0  }
0x12: {  	s1 =	sld [smem:$0x3F93];
	s0 =	simm.s32 @p0 $0x1  }
0x13: {  	[smem:$0x3FAE] =	sst s0;
	s0 =	simm.s32 @!p1 $0x0  }
0x14: {  	s2 =	sld [smem:$0x3F92];
	s0 =	simm.s32 @p1 $0x1  }
0x15: {  	[smem:$0x3FAF] =	sst s0;
	s0 =	simm.s32 @!p2 $0x0  }
0x16: {  	s3 =	sld [smem:$0x3FDB];
	s0 =	simm.s32 @p2 $0x1  }
0x17: {  	s4 =	simm.s32 $0x1BF5;
	[smem:$0x3FB1] =	sst s0  }
0x18: {  	s0 =	sld [smem:$0x3F94];
	_ =	swait.ge [sflag:s4], $0x0  }
0x19: {  	s7 =	sld [smem:$0x3F95]  }
0x1a: {  	s8 =	sadd.s32 $0xFFFFE003, lr  }
0x1b: {  	s9 =	sadd.s32 $0xFFFFFEF7, lr;
	s5 =	simm.s32 $0xFFFFFFFF;
	p2 =	slt.u32 s8, $0xFFFFF086  }
0x1c: {  	p1 =	slt.u32 s9, $0xF7A;
	s5 =	simm.s32 @!p2 $0x0  }
0x1d: {  	s5 =	simm.s32 @p1 $0x1;
	p0 =	seq.s32 s7, s2  }
0x1e: {  	s7 =	smul.u32 @!p0 $0xF7A, s2;
	p2 =	seq.s32 @!p0 s5, $0x0  }
0x1f: {  	s9 =	smul.u32 $0xF7A, s1;
	s8 =	simm.s32 @!p0 $0x1BF5;
	p2 =	por !p2, p0  }
0x20: {  	[sflag:s8] =	ssyncset.s32 @!p0 $0xFFFFF086;
	s6 =	sadd.s32 @!p0 s3, s7;
	s7 =	simm.s32 @!p0 $0x108  }
0x21: {  	s3 =	sadd.s32 s3, s9;
	s6 =	sadd.s32 @!p0 $0x88, s6;
	s7 =	simm.s32 @p2 $0x1082  }
0x22: {  	[simem:s7], [sflag:s8] =	dma.local @!p0 [hbm:s6], $0xF7A  }
0x23: {  	s9 =	sor.u32 $0xD0000000, s2;
	s6 =	simm.s32 $0x108;
	_ =	swait.ge @!p0 [sflag:s8], $0x0  }
0x24: {  	s3 =	sadd.s32 $0x88, s3;
	s6 =	simm.s32 @!p1 $0x1082;
	[sflag:s4] =	ssyncset.s32 $0xFFFFF086  }
0x25: {  	[simem:s6], [sflag:s4] =	dma.local [hbm:s3], $0xF7A  }
0x26: {  	[smem:$0x3F95] =	sst s1;
	(tag) =	ssettag s2;
	_ =	strace s9  }
0x27: {  	s1 =	sld [smem:$0x3FA5]  }
0x28: {  	s2 =	sld [smem:$0x3FA6]  }
0x29: {  	s4 =	sld [smem:$0x3FA8]  }
0x2a: {  	p0 =	seq.s32 s5, $0x0;
	s5 =	sld [smem:$0x3FA9]  }
0x2b: {  	s6 =	sld [smem:$0x3FAA]  }
0x2c: {  	s7 =	sld [smem:$0x3FAB]  }
0x2d: {  	s3 =	simm.s32 $0x108;
	s8 =	sld [smem:$0x3FAC]  }
0x2e: {  	s3 =	simm.s32 @!p0 $0x1082;
	s9 =	sld [smem:$0x3FAD]  }
0x2f: {  	lr =	sadd.s32 s0, s3;
	s0 =	sld [smem:$0x3FA4]  }
0x30: {  	s3 =	sld [smem:$0x3FA7]  }
0x31: {  	[smem:$0x3FB0] =	sst s10  }
0x32: {  	s10 =	sld [smem:$0x3FAE];
	_ =	sdelay $0x3  }
0x33: {  	p0 =	seq.s32 s10, $0x1;
	s10 =	sld [smem:$0x3FB0];
	_ =	sdelay $0x3  }
0x34: {  	[smem:$0x3FB0] =	sst s10  }
0x35: {  	s10 =	sld [smem:$0x3FAF];
	_ =	sdelay $0x3  }
0x36: {  	p1 =	seq.s32 s10, $0x1;
	s10 =	sld [smem:$0x3FB0];
	_ =	sdelay $0x3  }
0x37: {  	[smem:$0x3FB0] =	sst s10  }
0x38: {  	s10 =	sld [smem:$0x3FB1]  }
0x39: {  	_ = 	snop;
	(pc) =	sbr.ind lr, $3  }
0x3a: {  	_ = 	snop  }
0x3b: {  	_ = 	snop  }
0x3c: {  	p2 =	seq.s32 s10, $0x1;
	s10 =	sld [smem:$0x3FB0]  }
0x3d: {  	_ =	shalt  }
0x3e: {  	_ =	shalt  }
0x3f: {  	_ =	shalt  }
0x40: {  	_ =	shalt  }
0x41: {  	_ =	shalt  }
0x42: {  	_ =	shalt  }
0x43: {  	_ =	shalt  }
0x44: {  	_ =	shalt  }
0x45: {  	_ =	shalt  }
0x46: {  	_ =	shalt  }
0x47: {  	_ =	shalt  }
0x48: {  	_ =	shalt  }
0x49: {  	_ =	shalt  }
0x4a: {  	_ =	shalt  }
0x4b: {  	_ =	shalt  }
0x4c: {  	_ =	shalt  }
0x4d: {  	_ =	shalt  }
0x4e: {  	_ =	shalt  }
0x4f: {  	_ =	shalt  }
0x50: {  	_ =	shalt  }
0x51: {  	_ =	shalt  }
0x52: {  	_ =	shalt  }
0x53: {  	_ =	shalt  }
0x54: {  	_ =	shalt  }
0x55: {  	_ =	shalt  }
0x56: {  	_ =	shalt  }
0x57: {  	_ =	shalt  }
0x58: {  	_ =	shalt  }
0x59: {  	_ =	shalt  }
0x5a: {  	_ =	shalt  }
0x5b: {  	_ =	shalt  }
0x5c: {  	_ =	shalt  }
0x5d: {  	_ =	shalt  }
0x5e: {  	_ =	shalt  }
0x5f: {  	_ =	shalt  }
0x60: {  	_ =	shalt  }
0x61: {  	_ =	shalt  }
0x62: {  	_ =	shalt  }
0x63: {  	_ =	shalt  }
0x64: {  	_ =	shalt  }
0x65: {  	_ =	shalt  }
0x66: {  	_ =	shalt  }
0x67: {  	_ =	shalt  }
0x68: {  	_ =	shalt  }
0x69: {  	_ =	shalt  }
0x6a: {  	_ =	shalt  }
0x6b: {  	_ =	shalt  }
0x6c: {  	_ =	shalt  }
0x6d: {  	_ =	shalt  }
0x6e: {  	_ =	shalt  }
0x6f: {  	_ =	shalt  }
0x70: {  	_ =	shalt  }
0x71: {  	_ =	shalt  }
0x72: {  	_ =	shalt  }
0x73: {  	_ =	shalt  }
0x74: {  	_ =	shalt  }
0x75: {  	_ =	shalt  }
0x76: {  	_ =	shalt  }
0x77: {  	_ =	shalt  }
0x78: {  	_ =	shalt  }
0x79: {  	_ =	shalt  }
0x7a: {  	_ =	shalt  }
0x7b: {  	_ =	shalt  }
0x7c: {  	_ =	shalt  }
0x7d: {  	_ =	shalt  }
0x7e: {  	_ =	shalt  }
0x7f: {  	_ =	shalt  }
0x80: {  	_ =	shalt  }
0x81: {  	_ =	shalt  }
0x82: {  	_ =	shalt  }
0x83: {  	_ =	shalt  }
0x84: {  	_ =	shalt  }
0x85: {  	_ =	shalt  }
0x86: {  	_ =	shalt  }
0x87: {  	_ =	shalt  }
.Lfunc_end0:
.L_simem_size_0:
called_computation_lowered:
.L_overlay_start_0:
0x88: {  	s2 =	sld [smem:$0x3FD9]  }
0x89: {  	s3 =	sld [smem:$0x3FFE];
	_ =	sdelay $0x1  }
0x8a: {  	s1 =	srdreg.scid  }
0x8b: {  	s0 =	sand.u32 $0x1, s1  }
0x8c: {  	s17 =	sshll.u32 s0, $0xA;
	s2 =	sadd.s32 s3, s2  }
0x8d: {  	s2 =	sadd.s32 s2, s17  }
0x8e: {  	[smem:$0x3FBC] =	sst s2  }
0x8f: {  	_ = 	snop  }
0x90: {  	s2 =	sld [smem:$0x3FD0];
	(tm) =	ssettm $0x1  }
0x91: {  	s18 =	sld [smem:$0x3FFB];
	_ =	sdelay $0x3  }
0x92: {  	_ =	strace s18  }
0x93: {  	s3 =	sld [smem:$0x3FFC];
	_ =	sdelay $0x3  }
0x94: {  	_ =	strace s3  }
0x95: {  	s3 =	sld [smem:$0x3FFD];
	_ =	sdelay $0x3  }
0x96: {  	_ =	strace s3  }
0x97: {  	_ =	strace $0x8FFFFFFF  }
0x98: {  	s19 =	sld [smem:$0x3FDB];
	_ =	sdelay $0x1  }
0x99: {  	s4 =	simm.s32 $_scs_section_size  }
0x9a: {  	s5 =	simm.s32 $_size__tile_overlayer_lowered;
	s6 =	simm.s32 $_tile_overlayer_lowered  }
0x9b: {  	s22 =	simm.s32 $0x1BFF;
	s21 =	sshll.u32 s6, $0x1;
	s3 =	sadd.s32 s4, s19  }
0x9c: {  	s7 =	simm.s32 $0x0;
	s20 =	sshll.u32 s5, $0x1;
	s5 =	sadd.s32 s21, s3  }
0x9d: {  	[timem:s7], [sflag:s22] =	dma.local [hbm:s5], s20  }
0x9e: {  	_ =	swait.ge [sflag:s22], s20  }
0x9f: {  	s4 =	ssub.s32 $0x0, s20;
	[sflag:s22] =	ssyncset.done $0x0  }
0xa0: {  	[sflag:s22] =	ssyncadd.s32 s4;
	_ =	sdelay $0x1  }
0xa1: {  	s23 =	simm.s32 $0x1B8B  }
0xa2: {  	_ =	swait.ge [sflag:s23], $0x1  }
0xa3: {  	[sflag:s23] =	ssyncset.done $0x0  }
0xa4: {  	s25 =	simm.s32 $0x1B8E;
	s24 =	sld [smem:$0x3FFE];
	[sflag:s23] =	ssyncadd.s32 $0xFFFFFFFF  }
0xa5: {  	s26 =	simm.s32 $execute0_lowered;
	[smem:$0x3FD2] =	sst s25  }
0xa6: {  	s5 =	sshll.u32 s26, $0x1;
	_ =	strace $0x80000046;
	[dreg:$0x1] =	wrdreg $0xFFFFFFFF  }
0xa7: {  	s28 =	simm.s32 $_size_execute0_lowered;
	s3 =	sadd.s32 s3, s5;
	[dreg:$0x0] =	wrdreg $0x0  }
0xa8: {  	s5 =	sshll.u32 s28, $0x1;
	[dreg:$0x2] =	wrdreg s3  }
0xa9: {  	[dreg:$0x3] =	wrdreg s5  }
0xaa: {  	[dreg:$0x4] =	wrdreg $0xC0  }
0xab: {  	_ =	task [dreg:s7], $0x5FFFF  }
0xac: {  	[dreg:$0x1] =	wrdreg $0xFFFFFFFF  }
0xad: {  	[dreg:$0x0] =	wrdreg $0x60  }
0xae: {  	[dreg:$0x2] =	wrdreg s24  }
0xaf: {  	[dreg:$0x3] =	wrdreg s2  }
0xb0: {  	[dreg:$0x4] =	wrdreg $0x0  }
0xb1: {  	[dreg:$0x5] =	wrdreg $0x9  }
0xb2: {  	_ =	task.clear_ibuf [dreg:s7], $0x6FFFF;
	_ =	strace $0x90000046  }
0xb3: {  	s29 =	simm.s32 $0x9;
	_ =	strace $0x80000048  }
0xb4: {  	_ =	swait.ge [sflag:s29], $0x1  }
0xb5: {  	[sflag:s29] =	ssyncadd.s32 $0xFFFFFFFF  }
0xb6: {  	_ =	strace $0x90000048  }
0xb7: {  	_ =	sfence  }
0xb8: {  	s30 =	sld [smem:$0x0];
	_ =	sdelay $0x2  }
0xb9: {  	s31 =	sshll.u32 s1, $0xD;
	s1 =	sshrl.u32 s1, $0x2  }
0xba: {  	s3 =	sand.u32 $0x4000, s31;
	s1 =	sadd.s32 s1, s30  }
0xbb: {  	s0 =	sor.u32 s3, s0;
	s1 =	sshll.u32 s1, $0x11  }
0xbc: {  	s0 =	sor.u32 s1, s0  }
0xbd: {  	s0 =	sadd.s32 $0x8F2B, s0  }
0xbe: {  	[sflag:s0] =	ssyncadd.remote.s32 $0x1  }
0xbf: {  	_ =	sfence.sel $0xFFFF  }
0xc0: {  	[dreg:$0x0] =	wrdreg $0xFFFFFFFF;
	(pc) =	sbr.abs _section_cstart, $3  }
0xc1: {  	[dreg:$0x1] =	wrdreg $0xFFFFFFFF  }
0xc2: {  	_ =	task.clear_ibuf [dreg:s7], $0x2FFFF;
	_ =	strace $0x9FFFFFFF  }
0xc3: {  	(tm) =	ssettm $0x7FFFFFFF  }
tec
execute0_lowered:
.L_overlay_start_1:
0x0: {  	(tag) =	ssettag $0x1  }
0x1: {  	s0 =	rddreg [dreg:$0x0]  }
0x2: {  	s1 =	rddreg [dreg:$0x1]  }
0x3: {  	s2 =	rddreg [dreg:$0x2];
	s3 =	srdreg.scid;
	s4 =	simm.s32 $0x0  }
0x4: {  	s11 =	stileid.u32;
	s14 =	simm.s32 $0x16580;
	s15 =	simm.s32 $0x5  }
0x5: {  	s16 =	simm.s32 $0x16780;
	s17 =	simm.s32 $0x13C00;
	s18 =	simm.s32 $0x40  }
0x6: {  	s19 =	simm.s32 $0x16980;
	s20 =	simm.s32 $0x17580;
	s21 =	simm.s32 $0x16D80  }
0x7: {  	s28 =	simm.s32 $0x3;
	s29 =	simm.s32 $0x4;
	s3 =	sand.u32 $0x1, s3  }
0x8: {  	[smem:$0x7FF] =	sst s4;
	s9 =	smul.u32 $0x13C00, s11;
	s5 =	sadd.s32 $0x1800, s0  }
0x9: {  	s6 =	sadd.s32 $0xB800, s0;
	s7 =	sadd.s32 $0x15800, s0;
	s23 =	smul.u32 $0x4F000, s11  }
0xa: {  	s22 =	sadd.s32 $0x3CA00, s0;
	s8 =	smul.u32 $0x13C000, s3;
	_ =	strace $0x80000047  }
0xb: {  	v0 =	vimm.s32 $0xFEDCBA98;
	[dreg:$0x4] =	wrdreg s22;
	s24 =	ssub.s32 $0x2, s3;
	s3 =	sshll.u32 s3, $0x4  }
0xc: {  	v1 =	vimm.s32 $0x76543210;
	v0 =	vunpack.c.l.s4.s8 v0;
	s22 =	simm.s32 $0x1B580;
	s10 =	sshrl.u32 s24, $0x1;
	s8 =	sadd.s32 s9, s8  }
0xd: {  	v1 =	vunpack.c.l.s4.s8 v1;
	s3 =	sor.u32 s11, s3;
	s25 =	sshrl.u32 s23, $0x2;
	s8 =	sshrl.u32 s8, $0x3  }
0xe: {  	v2 =	vunpack.c.0.s8.s32 v0;
	s23 =	simm.s32 $0x1;
	s26 =	sadd.s32 s25, s2;
	s0 =	sadd.s32 s8, s0  }
0xf: {  	v3 =	vunpack.c.0.s8.s32 v1;
	s9 =	smul.u32 $0x2800, s3;
	[dreg:$0x5] =	wrdreg s26;
	s30 =	sadd.s32 $0x3F200, s0  }
0x10: {  	v4 =	vlaneseq.u32;
	v0 =	vimm.s32 $0x0;
	v2 =	vand.u32 $0xF, v2;
	s8 =	ssub.s32 s24, s10;
	s0 =	sadd.s32 $0x8E200, s0;
	[dreg:$0x6] =	wrdreg s30  }
0x11: {  	v1 =	vor.u32 $0x2920, v4;
	s25 =	simm.s32 $0x1D580;
	v2 =	vcombine.low v2, v3;
	v3 =	vshrl.u32 v4, $0x3;
	s31 =	smax.u32 s8, $0x1;
	[dreg:$0x7] =	wrdreg s0  }
0x12: {  	s26 =	simm.s32 $0x2;
	s24 =	simm.s32 $0x19580;
	v4 =	vor.u32 $0x2, v3;
	v5 =	vor.u32 $0x4, v3;
	v6 =	vor.u32 $0x6, v3;
	[dreg:$0x8] =	wrdreg s31  }
.LBB2_1:
0x13: {  	s0 =	simm.s32 $0x13C20  }
0x14: {  	[tilespmem:s0+$0xFFFFFFE0] =	vst v0  }
0x15: {  	[tilespmem:s0+$0x10] =	vst v0  }
0x16: {  	s3 =	simm.s32 $0x0;
	[tilespmem:s0+$0x0] =	vst v0  }
.LBB2_2:
0x17: {  	s3 =	sadd.s32 $0x4, s3  }
0x18: {  	[tilespmem:s0+$0xFFFFFFF0] =	vst v0;
	s0 =	sadd.s32 $0x40, s0;
	p0 =	slt.u32 s3, $0x28C  }
.Ltmp0:
0x19: {  	[tilespmem:s0+$0xFFFFFFE0] =	vst v0;
	(pc) =	sbr.rel @p0 .LBB2_2-.Ltmp0, $3  }
0x1a: {  	_ =	sdelay $0x1  }
0x1b: {  	[tilespmem:s0+$0x10] =	vst v0  }
0x1c: {  	[tilespmem:s0+$0x0] =	vst v0  }
.Ltmp1:
0x1d: {  	(pc) =	sbr.rel .LBB2_4-.Ltmp1, $4  }
0x1e: {  	[tilespmem:s0+$0xFFFFFFF0] =	vst v0  }
0x1f: {  	[tilespmem:$0x16500] =	vst v0  }
0x20: {  	[tilespmem:$0x16510] =	vst v0  }
0x21: {  	s3 =	simm.s32 $0x0;
	s0 =	simm.s32 $0x0;
	[tilespmem:$0x16520] =	vst v0  }
.LBB2_8:
0x22: {  	s0 =	sadd.s32 $0x1, s0  }
0x23: {  	p0 =	sne.s32 s0, $0x280  }
.Ltmp2:
0x24: {  	_ = 	snop;
	(pc) =	sbr.rel @!p0 .LBB2_9-.Ltmp2, $1  }
0x25: {  	_ =	sdelay $0x3  }
.LBB2_4:
0x26: {  	p0 =	sgt.s32 s3, $0x270F  }
.Ltmp3:
0x27: {  	_ = 	snop;
	(pc) =	sbr.rel @p0 .LBB2_8-.Ltmp3, $1  }
0x28: {  	_ =	sdelay $0x3  }
0x29: {  	s8 =	sshll.u32 s0, $0x6  }
0x2a: {  	s11 =	simm.s32 $0x0;
	s10 =	sadd.s32 s5, s8  }
0x2b: {  	[tilespmem:s14], [sflag:$0x5] =	stream.linear.gather [hbm4b:s10+s11], $0x200, $0x38;
	[tilespmem:$0x1F580] =	vst v63  }
0x2c: {  	_ =	swait.ge [sflag:s15], $0x200  }
0x2d: {  	[sflag:s15] =	ssyncset.done $0x0  }
0x2e: {  	s8 =	sadd.s32 s6, s8;
	[sflag:s15] =	ssyncadd.s32 $0xFFFFFE00  }
0x2f: {  	[tilespmem:s16], [sflag:$0x5] =	stream.linear.gather [hbm4b:s8+s11], $0x200, $0x38;
	[tilespmem:$0x1F580] =	vst v63  }
0x30: {  	_ =	swait.ge [sflag:s15], $0x200  }
0x31: {  	[sflag:s15] =	ssyncset.done $0x0  }
0x32: {  	s31 =	simm.s32 $0x0;
	[sflag:s15] =	ssyncadd.s32 $0xFFFFFE00  }
0x33: {  	v7 =	vld [tilespmem:s31+$0x16780]  }
0x34: {  	v8 =	vld [tilespmem:s31+$0x16580];
	_ =	sdelay $0x4  }
0x35: {  	vm0 =	vne.s32 v8, v7  }
0x36: {  	v9 =	vsel vm0, $0x1, v0  }
0x37: {  	(xrf0) =	vadd.scan.msk.s32 $0xffff, v9;
	_ =	sdelay $0x2  }
0x38: {  	v63 =	vmov s3  }
0x39: {  	v9 =	vadd.s32 $0xFFFFFFFF, v63  }
0x3a: {  	v9 =	vbroadcast v9, $0x0  }
0x3b: {  	v10, _, _ =	vpop (xrf0)  }
0x3c: {  	v9 =	vadd.s32 v10, v9;
	(v2sf) =	vpush v10, $0xF  }
0x3d: {  	v9 =	vsel vm0, v9, v1;
	_ =	sdelay $0x2  }
0x3e: {  	v7 =	vshll.u32 v7, $0x10  }
0x3f: {  	v7 =	vadd.s32 v8, v7  }
0x40: {  	s10 =	simm.s32 $0x10;
	[tilespmem:v9+s17+$0x0] =	vst.idx.msk $0xffff, v7  }
0x41: {  	s8 =	simm.s32 $0x80;
	v7 =	vld [tilespmem:s10+$0x16780]  }
.LBB2_6:
0x42: {  	p0 =	sne.s32 s8, $0x7C0;
	v8 =	vld [tilespmem:s10+$0x16580];
	_ =	sdelay $0x3  }
0x43: {  	v9 =	vshll.u32 v7, $0x10  }
0x44: {  	vm0 =	vne.s32 v8, v7;
	v7 =	vadd.s32 v8, v9  }
0x45: {  	v8 =	vsel vm0, $0x1, v0  }
0x46: {  	(xrf0) =	vadd.scan.msk.s32 $0xffff, v8;
	s10 =	spop (v2sf)  }
0x47: {  	s3 =	sadd.s32 s3, s10  }
0x48: {  	v8 =	vmov s3  }
0x49: {  	v8 =	vadd.s32 $0xFFFFFFFF, v8  }
0x4a: {  	v8 =	vbroadcast v8, $0x0;
	_ =	sdelay $0x1  }
0x4b: {  	v9, _, _ =	vpop (xrf0)  }
0x4c: {  	v8 =	vadd.s32 v9, v8;
	(v2sf) =	vpush v9, $0xF  }
0x4d: {  	v8 =	vsel vm0, v8, v1;
	_ =	sdelay $0x1  }
.Ltmp4:
0x4e: {  	(pc) =	sbr.rel @p0 .LBB2_6-.Ltmp4, $3  }
0x4f: {  	_ =	sdelay $0x1  }
0x50: {  	s10 =	sshra.s32 s8, $0x2;
	[tilespmem:v8+s17+$0x0] =	vst.idx.msk $0xffff, v7  }
0x51: {  	s8 =	sadd.s32 $0x40, s8;
	v7 =	vld [tilespmem:s10+$0x16780]  }
0x52: {  	v8 =	vld [tilespmem:s10+$0x16580];
	_ =	sdelay $0x4  }
0x53: {  	vm0 =	vne.s32 v8, v7  }
0x54: {  	v9 =	vsel vm0, $0x1, v0  }
0x55: {  	(xrf0) =	vadd.scan.msk.s32 $0xffff, v9;
	_ =	sdelay $0x5  }
0x56: {  	v9, _, _ =	vpop (xrf0)  }
0x57: {  	(v2sf) =	vpush v9, $0xF;
	_ =	sdelay $0x3  }
0x58: {  	s8 =	spop (v2sf)  }
0x59: {  	s3 =	sadd.s32 s3, s8  }
0x5a: {  	v10 =	vmov s3  }
0x5b: {  	v10 =	vadd.s32 $0xFFFFFFFF, v10  }
0x5c: {  	v10 =	vbroadcast v10, $0x0;
	_ =	sdelay $0x1  }
0x5d: {  	v9 =	vadd.s32 v9, v10  }
0x5e: {  	v9 =	vsel vm0, v9, v1  }
.Ltmp5:
0x5f: {  	_ = 	snop;
	(pc) =	sbr.rel .LBB2_8-.Ltmp5, $4  }
0x60: {  	_ = 	snop  }
0x61: {  	v7 =	vshll.u32 v7, $0x10  }
0x62: {  	v7 =	vadd.s32 v8, v7;
	s31 =	spop (v2sf)  }
0x63: {  	[tilespmem:v9+s17+$0x0] =	vst.idx.msk $0xffff, v7;
	s3 =	sadd.s32 s3, s31  }
.LBB2_9:
0x64: {  	s0 =	stileid.u32;
	s30 =	rddreg [dreg:$0x5]  }
0x65: {  	s31 =	rddreg [dreg:$0x4];
	s0 =	sshll.u32 s0, $0x6;
	s8 =	sshrl.u32 s30, $0x3  }
0x66: {  	s3 =	sor.u32 $0x1C05, s0;
	[dreg:$0xa] =	wrdreg s8  }
0x67: {  	[dreg:$0x9] =	wrdreg s3  }
0x68: {  	[spmem:s8], [sflag:s3] =	dma.local [hbm:s31], $0x2780  }
0x69: {  	_ =	swait.ge [sflag:s15], $0x2780  }
0x6a: {  	[sflag:s15] =	ssyncset.done $0x0  }
0x6b: {  	[sflag:s15] =	ssyncadd.s32 $0xFFFFD880  }
0x6c: {  	s0 =	simm.s32 $0x0;
	s3 =	simm.s32 $0x0;
	[bflag:$0x0] =	sbarrier.arrive $0xFFFF  }
.LBB2_10:
0x6d: {  	s8 =	sshll.u32 s3, $0x9  }
0x6e: {  	s8 =	sadd.s32 s9, s8  }
0x6f: {  	s8 =	sshrl.u32 s8, $0x3  }
0x70: {  	s11 =	simm.s32 $0x16580;
	s10 =	sadd.s32 s5, s8  }
0x71: {  	[tilespmem:s11], [sflag:$0x5] =	stream.linear.gather [hbm4b:s10+s0], $0x200, $0x38;
	[tilespmem:$0x1F580] =	vst v63  }
0x72: {  	_ =	swait.ge [sflag:s15], $0x200  }
0x73: {  	[sflag:s15] =	ssyncset.done $0x0  }
0x74: {  	s13 =	simm.s32 $0x16780;
	s8 =	sadd.s32 s6, s8;
	[sflag:s15] =	ssyncadd.s32 $0xFFFFFE00  }
0x75: {  	[tilespmem:s13], [sflag:$0x5] =	stream.linear.gather [hbm4b:s8+s0], $0x200, $0x38;
	[tilespmem:$0x1F580] =	vst v63  }
0x76: {  	_ =	swait.ge [sflag:s15], $0x200  }
0x77: {  	[sflag:s15] =	ssyncset.done $0x0  }
0x78: {  	[sflag:s15] =	ssyncadd.s32 $0xFFFFFE00  }
0x79: {  	v7 =	vld [tilespmem:s11+$0x0]  }
0x7a: {  	v8 =	vld [tilespmem:s13+$0x0];
	_ =	sdelay $0x2  }
0x7b: {  	s30 =	sand.u32 $0x30, s0;
	s31 =	sand.u32 $0x380, s0  }
0x7c: {  	s8 =	sor.u32 s30, s31  }
0x7d: {  	[tilespmem:s8+$0x16980] =	vst v7;
	vm0 =	veq.s32 v7, v8  }
0x7e: {  	[tilespmem:s8+$0x16D80] =	vst v8;
	v7 =	vsel vm0, $0x2710, v8  }
0x7f: {  	[tilespmem:s8+$0x17180] =	vst v7;
	s8 =	simm.s32 $0x16590  }
0x80: {  	s11 =	simm.s32 $0x16790;
	v7 =	vld [tilespmem:s8+$0x0]  }
0x81: {  	s12 =	simm.s32 $0x0;
	s10 =	simm.s32 $0x20;
	s13 =	simm.s32 $0x40;
	v8 =	vld [tilespmem:s11+$0x0]  }
.LBB2_11:
0x82: {  	p0 =	sne.s32 s13, $0x3E0;
	s12 =	sadd.s32 $0x10, s12  }
0x83: {  	s31 =	sand.u32 $0x380, s10;
	s10 =	smov.u32 s13;
	s30 =	sand.u32 $0x30, s12  }
0x84: {  	s30 =	sor.u32 s30, s31  }
0x85: {  	[tilespmem:s30+$0x16980] =	vst v7  }
.Ltmp6:
0x86: {  	vm0 =	veq.s32 v7, v8;
	[tilespmem:s30+$0x16D80] =	vst v8;
	(pc) =	sbr.rel @p0 .LBB2_11-.Ltmp6, $4  }
0x87: {  	v7 =	vsel vm0, $0x2710, v8  }
0x88: {  	s8 =	sadd.s32 $0x10, s8;
	[tilespmem:s30+$0x17180] =	vst v7  }
0x89: {  	s11 =	sadd.s32 $0x10, s11;
	v7 =	vld [tilespmem:s8+$0x0]  }
0x8a: {  	s13 =	sadd.s32 $0x20, s13;
	v8 =	vld [tilespmem:s11+$0x0]  }
0x8b: {  	_ = 	snop  }
0x8c: {  	s8 =	sadd.s32 $0x10, s12  }
0x8d: {  	s10 =	sand.u32 $0x380, s10;
	s8 =	sand.u32 $0x30, s8  }
0x8e: {  	s8 =	sor.u32 s8, s10  }
0x8f: {  	[tilespmem:s8+$0x16980] =	vst v7;
	vm0 =	veq.s32 v7, v8  }
0x90: {  	[tilespmem:s8+$0x16D80] =	vst v8;
	v7 =	vsel vm0, $0x2710, v8  }
0x91: {  	[tilespmem:s8+$0x17180] =	vst v7  }
0x92: {  	[tilespmem:s20], [sflag:$0x1] =	stream.indirect.gather [hbm4b:s1+s18], $0x80, s19, s18, $0xb8;
	[tilespmem:$0x1F580] =	vst v63  }
0x93: {  	s10 =	simm.s32 $0x0  }
0x94: {  	[tilespmem:s22], [sflag:$0x1] =	stream.indirect.gather [hbm4b:s1+s18], $0x80, s21, s18, $0xb8;
	[tilespmem:$0x1F580] =	vst v63  }
.LBB2_13:
0x95: {  	_ =	swait.ge [sflag:s23], $0x2000  }
0x96: {  	[sflag:s23] =	ssyncset.done $0x0  }
0x97: {  	[sflag:s23] =	ssyncadd.s32 $0xFFFFE000  }
0x98: {  	_ =	swait.ge [sflag:s23], $0x2000  }
0x99: {  	p0 =	seq.s32 s10, $0x0;
	[sflag:s23] =	ssyncset.done $0x0  }
0x9a: {  	s8 =	sshll.u32 s10, $0x1;
	s12 =	simm.s32 @!p0 $0x4;
	[sflag:s23] =	ssyncadd.s32 $0xFFFFE000  }
0x9b: {  	s8 =	sor.u32 $0x1, s8;
	_ =	swait.ge @!p0 [sflag:s12], $0x2000  }
0x9c: {  	s11 =	sshll.u32 s8, $0x7;
	[sflag:s12] =	ssyncset.done @!p0 $0x0  }
0x9d: {  	s8 =	sadd.s32 $0x16980, s11;
	[sflag:s12] =	ssyncadd.s32 @!p0 $0xFFFFE000  }
0x9e: {  	[tilespmem:s24], [sflag:$0x2] =	stream.indirect.gather [hbm4b:s1+s18], $0x80, s8, s18, $0xb8;
	[tilespmem:$0x1F580] =	vst v63  }
0x9f: {  	s13 =	simm.s32 $0x1B7C0;
	s31 =	sadd.s32 $0x16D80, s11  }
0xa0: {  	[tilespmem:s25], [sflag:$0x2] =	stream.indirect.gather [hbm4b:s1+s18], $0x80, s31, s18, $0xb8;
	[tilespmem:$0x1F580] =	vst v63  }
0xa1: {  	s12 =	simm.s32 $0x17780;
	v7 =	vld [tilespmem:s13+$0x180]  }
0xa2: {  	v8 =	vld [tilespmem:s12+$0x1C0]  }
0xa3: {  	v10 =	vld [tilespmem:s12+$0xC0]  }
0xa4: {  	v11 =	vld [tilespmem:s12+$0x140]  }
0xa5: {  	v12 =	vld [tilespmem:s13+$0x100]  }
0xa6: {  	v13 =	vld [tilespmem:s13+$0x80]  }
0xa7: {  	v16 =	vld [tilespmem:s13+$0xFFFFFF80];
	v7 =	vperm.xlane v7, v2  }
0xa8: {  	v18 =	vld [tilespmem:s12+$0xFFFFFE40]  }
0xa9: {  	v7 =	vadd.f32 v7, v8;
	v8 =	vld [tilespmem:s13+$0xFFFFFE00]  }
0xaa: {  	v19 =	vld [tilespmem:s13+$0xFFFFFF00]  }
0xab: {  	v20 =	vld [tilespmem:s13+$0x0];
	v17 =	vmul.f32 $2.000000030e-01, v7  }
0xac: {  	v15 =	vld [tilespmem:s12+$0xFFFFFFC0]  }
0xad: {  	v12 =	vperm.xlane v12, v2;
	v7 =	vmax.f32 v7, v17;
	v17 =	vld [tilespmem:s13+$0xFFFFFE80]  }
0xae: {  	v14 =	vld [tilespmem:s12+$0xFFFFFF40];
	v16 =	vperm.xlane v16, v2;
	v8 =	vperm.xlane v8, v2  }
0xaf: {  	v13 =	vperm.xlane v13, v2;
	v11 =	vadd.f32 v12, v11;
	v12 =	vld [tilespmem:s12+$0xFFFFFEC0];
	v7 =	vmul.f32 $1.442695020e+00, v7  }
0xb0: {  	v9 =	vld [tilespmem:s12+$0xFFFFFFA0];
	v19 =	vperm.xlane v19, v2;
	v20 =	vperm.xlane v20, v2;
	v18 =	vadd.f32 v8, v18  }
0xb1: {  	v21 =	vld [tilespmem:s12+$0x40];
	v15 =	vadd.f32 v16, v15;
	v22 =	vmul.f32 $2.000000030e-01, v11;
	(erf) = vpow2.f32 v7  }
0xb2: {  	v24 =	vld [tilespmem:s12+$0x1B0];
	v16 =	vperm.xlane v17, v2;
	v17 =	vmul.f32 $2.000000030e-01, v18  }
0xb3: {  	v13 =	vadd.f32 v13, v10;
	v14 =	vadd.f32 v19, v14;
	v10 =	vld [tilespmem:s12+$0x120];
	v19 =	vmul.f32 $2.000000030e-01, v15  }
0xb4: {  	v11 =	vmax.f32 v11, v22;
	v7 =	vld [tilespmem:s12+$0x110];
	v22 =	vadd.f32 v16, v12;
	v12 =	vmax.f32 v18, v17  }
0xb5: {  	v15 =	vmax.f32 v15, v19;
	v8 =	vld [tilespmem:s12+$0xFFFFFE80];
	v18 =	vmul.f32 $2.000000030e-01, v14;
	v19 =	vmul.f32 $1.442695020e+00, v12  }
0xb6: {  	v20 =	vadd.f32 v20, v21;
	v15 =	vmul.f32 $1.442695020e+00, v15;
	v16 =	vld [tilespmem:s12+$0x90];
	v21 =	vmul.f32 $2.000000030e-01, v22  }
0xb7: {  	v17 =	vld [tilespmem:s12+$0xA0];
	v14 =	vmax.f32 v14, v18;
	v18 =	vmul.f32 $1.442695020e+00, v11;
	(erf) = vpow2.f32 v19  }
0xb8: {  	v12 =	vld [tilespmem:s12+$0x80];
	v14 =	vmul.f32 $1.442695020e+00, v14;
	v11 =	vmax.f32 v22, v21;
	v21 =	vmul.f32 $2.000000030e-01, v20  }
0xb9: {  	v19 =	vld [tilespmem:s12+$0x180];
	(erf) = vpow2.f32 v15;
	v15 =	vmul.f32 $2.000000030e-01, v13  }
0xba: {  	v22 =	vld [tilespmem:s12+$0x190];
	v23 =	vpop (erf);
	v31 =	vmul.f32 $1.442695020e+00, v11;
	(erf) = vpow2.f32 v18  }
0xbb: {  	v11 =	vld [tilespmem:s12+$0xFFFFFF30];
	v20 =	vmax.f32 v20, v21;
	v18 =	vperm.xlane v23, v3;
	(erf) = vpow2.f32 v14  }
0xbc: {  	v21 =	vld [tilespmem:s12+$0x1A0];
	v25 =	vperm.xlane v23, v4;
	v20 =	vmul.f32 $1.442695020e+00, v20  }
0xbd: {  	[tilespmem:s12+$0x1F0] =	vst v23;
	v15 =	vmax.f32 v13, v15;
	v13 =	vld [tilespmem:s12+$0xFFFFFE30];
	v27 =	vperm.xlane v23, v5;
	v23 =	vperm.xlane v23, v6  }
0xbe: {  	v14 =	vld [tilespmem:s12+$0x100];
	v26 =	vmul.f32 $1.442695020e+00, v15;
	(erf) = vpow2.f32 v20  }
0xbf: {  	v15 =	vld [tilespmem:s12+$0x30];
	v18 =	vmul.f32 v18, v19  }
0xc0: {  	v20 =	vmul.f32 v25, v22;
	v22 =	vld [tilespmem:s12+$0xFFFFFFB0];
	(erf) = vpow2.f32 v26  }
0xc1: {  	v26 =	vld [tilespmem:s12+$0xFFFFFF80];
	[tilespmem:s12+$0x180] =	vst v18;
	v32 =	vmul.f32 v27, v21;
	v21 =	vpop (erf)  }
0xc2: {  	v28 =	vmul.f32 v23, v24;
	v24 =	vld [tilespmem:s12+$0xFFFFFF90];
	[tilespmem:s12+$0x190] =	vst v20;
	(erf) = vpow2.f32 v31;
	v23 =	vpop (erf)  }
0xc3: {  	v19 =	vld [tilespmem:s12+$0x20];
	[tilespmem:s12+$0xFFFFFE70] =	vst v21;
	v25 =	vperm.xlane v21, v3;
	v30 =	vperm.xlane v23, v3  }
0xc4: {  	s30 =	simm.s32 $0x17B80;
	s8 =	simm.s32 $0x0;
	v20 =	vld [tilespmem:s12+$0xFFFFFE20];
	[tilespmem:s12+$0x1A0] =	vst v32;
	v29 =	vperm.xlane v23, v6;
	v27 =	vperm.xlane v23, v5;
	v18 =	vpop (erf)  }
.LBB2_14:
0xc5: {  	v31 =	vld [tilespmem:s30+$0xFFFFFFA0];
	s8 =	sadd.s32 $0x8, s8;
	[tilespmem:s12+$0xFFFFFFF0] =	vst v23;
	v32 =	vperm.xlane v23, v4;
	v23 =	vperm.xlane v18, v5;
	s13 =	sadd.s32 $0x400, s13;
	v33 =	vpop (erf)  }
0xc6: {  	v29 =	vmul.f32 v29, v22;
	p0 =	slt.u32 s8, $0x38;
	v26 =	vmul.f32 v30, v26;
	v30 =	vld [tilespmem:s12+$0x0];
	[tilespmem:s12+$0x1B0] =	vst v28  }
0xc7: {  	v28 =	vperm.xlane v21, v5;
	v24 =	vmul.f32 v32, v24;
	v32 =	vld [tilespmem:s12+$0x10];
	v34 =	vpop (erf)  }
0xc8: {  	v36 =	vperm.xlane v21, v4;
	v35 =	vld [tilespmem:s12+$0xFFFFFE10];
	[tilespmem:s12+$0xFFFFFF80] =	vst v26;
	v26 =	vperm.xlane v34, v3  }
0xc9: {  	v38 =	vperm.xlane v33, v3;
	v39 =	vperm.xlane v34, v5;
	[tilespmem:s12+$0xFFFFFF70] =	vst v33;
	v37 =	vld [tilespmem:s12+$0xFFFFFF00];
	v40 =	vpop (erf)  }
0xca: {  	v42 =	vperm.xlane v18, v3;
	v27 =	vmul.f32 v27, v9;
	v41 =	vld [tilespmem:s12+$0xFFFFFE00];
	[tilespmem:s12+$0x170] =	vst v18;
	v9 =	vmov v31  }
0xcb: {  	v22 =	vperm.xlane v33, v4;
	v31 =	vperm.xlane v40, v4;
	[tilespmem:s12+$0xF0] =	vst v40;
	v43 =	vld [tilespmem:s12+$0xB0]  }
0xcc: {  	v45 =	vperm.xlane v33, v5;
	v44 =	vld [tilespmem:s12+$0xFFFFFF20];
	[tilespmem:s12+$0xFFFFFFA0] =	vst v27;
	v27 =	vperm.xlane v40, v5  }
0xcd: {  	v46 =	vld [tilespmem:s30+$0x1C0];
	v35 =	vmul.f32 v36, v35;
	[tilespmem:s12+$0xFFFFFF90] =	vst v24;
	v36 =	vperm.xlane v40, v6;
	v24 =	vpop (erf)  }
0xce: {  	v33 =	vperm.xlane v33, v6;
	v16 =	vmul.f32 v31, v16;
	v47 =	vld [tilespmem:s13+$0x180];
	[tilespmem:s12+$0xFFFFFFB0] =	vst v29  }
0xcf: {  	v17 =	vmul.f32 v27, v17;
	v29 =	vld [tilespmem:s30+$0xC0];
	v25 =	vmul.f32 v25, v41;
	[tilespmem:s12+$0x70] =	vst v34  }
0xd0: {  	v21 =	vperm.xlane v21, v6;
	v31 =	vperm.xlane v34, v4;
	v27 =	vld [tilespmem:s30+$0x140];
	[tilespmem:s12+$0xFFFFFEF0] =	vst v24  }
0xd1: {  	v41 =	vld [tilespmem:s13+$0x100];
	v44 =	vmul.f32 v45, v44;
	[tilespmem:s12+$0xA0] =	vst v17;
	v17 =	vmul.f32 v36, v43  }
0xd2: {  	v37 =	vmul.f32 v38, v37;
	v31 =	vmul.f32 v31, v32;
	v36 =	vld [tilespmem:s13+$0x80];
	[tilespmem:s12+$0x90] =	vst v16  }
0xd3: {  	v26 =	vmul.f32 v26, v30;
	v16 =	vld [tilespmem:s30+$0xFFFFFF40];
	v32 =	vperm.xlane v47, v2;
	[tilespmem:s12+$0xB0] =	vst v17  }
0xd4: {  	v30 =	vperm.xlane v24, v3;
	v17 =	vld [tilespmem:s30+$0xFFFFFFC0];
	[tilespmem:s12+$0x10] =	vst v31;
	v31 =	vperm.xlane v40, v3  }
0xd5: {  	v34 =	vperm.xlane v34, v6;
	v38 =	vld [tilespmem:s30+$0x40];
	v32 =	vadd.f32 v32, v46;
	[tilespmem:s12+$0xFFFFFE00] =	vst v25;
	v25 =	vperm.xlane v24, v5  }
0xd6: {  	v40 =	vld [tilespmem:s13+$0x0];
	v41 =	vperm.xlane v41, v2;
	[tilespmem:s12+$0xFFFFFF00] =	vst v37;
	v12 =	vmul.f32 v31, v12  }
0xd7: {  	v19 =	vmul.f32 v39, v19;
	v31 =	vld [tilespmem:s13+$0xFFFFFF80];
	v36 =	vperm.xlane v36, v2;
	[tilespmem:s12+$0x0] =	vst v26  }
0xd8: {  	v20 =	vmul.f32 v28, v20;
	v37 =	vmul.f32 $2.000000030e-01, v32;
	v26 =	vld [tilespmem:s13+$0xFFFFFF00];
	v27 =	vadd.f32 v41, v27;
	[tilespmem:s12+$0x80] =	vst v12  }
0xd9: {  	v14 =	vmul.f32 v42, v14;
	v15 =	vmul.f32 v34, v15;
	v12 =	vld [tilespmem:s13+$0xFFFFFE80];
	v28 =	vadd.f32 v36, v29;
	[tilespmem:s12+$0xFFFFFF20] =	vst v44  }
0xda: {  	v13 =	vmul.f32 v21, v13;
	v32 =	vmax.f32 v32, v37;
	v29 =	vld [tilespmem:s13+$0xFFFFFE00];
	v34 =	vmul.f32 $2.000000030e-01, v27;
	[tilespmem:s12+$0xFFFFFE20] =	vst v20  }
0xdb: {  	v11 =	vmul.f32 v33, v11;
	v20 =	vld [tilespmem:s30+$0xFFFFFEC0];
	v21 =	vperm.xlane v40, v2;
	[tilespmem:s12+$0x30] =	vst v15  }
0xdc: {  	v33 =	vperm.xlane v18, v6;
	v15 =	vld [tilespmem:s30+$0xFFFFFE40];
	v31 =	vperm.xlane v31, v2;
	v27 =	vmax.f32 v27, v34;
	[tilespmem:s12+$0xFFFFFE10] =	vst v35  }
0xdd: {  	v26 =	vperm.xlane v26, v2;
	v21 =	vadd.f32 v21, v38;
	[tilespmem:s12+$0x100] =	vst v14;
	v14 =	vperm.xlane v18, v4  }
0xde: {  	v10 =	vmul.f32 v23, v10;
	v12 =	vperm.xlane v12, v2;
	v17 =	vadd.f32 v31, v17;
	[tilespmem:s12+$0xFFFFFF30] =	vst v11;
	v11 =	vld [tilespmem:s12+$0x130]  }
0xdf: {  	v8 =	vmul.f32 v30, v8;
	v18 =	vperm.xlane v29, v2;
	v16 =	vadd.f32 v26, v16;
	[tilespmem:s12+$0xFFFFFE30] =	vst v13;
	v13 =	vld [tilespmem:s12+$0xFFFFFEB0]  }
0xe0: {  	v23 =	vmul.f32 $1.442695020e+00, v32;
	v12 =	vadd.f32 v12, v20;
	v20 =	vmul.f32 $2.000000030e-01, v17;
	v26 =	vld [tilespmem:s12+$0xFFFFFE90];
	[tilespmem:s12+$0x20] =	vst v19  }
0xe1: {  	v14 =	vmul.f32 v14, v7;
	v15 =	vadd.f32 v18, v15;
	v18 =	vmul.f32 $2.000000030e-01, v16;
	v19 =	vld [tilespmem:s12+$0xFFFFFEA0];
	[tilespmem:s12+$0x120] =	vst v10  }
0xe2: {  	v10 =	vmul.f32 $2.000000030e-01, v12;
	v20 =	vmax.f32 v17, v20;
	(erf) = vpow2.f32 v23;
	[tilespmem:s12+$0xFFFFFE80] =	vst v8;
	v23 =	vld [tilespmem:s12+$0xFFFFFF10]  }
0xe3: {  	v17 =	vmul.f32 $2.000000030e-01, v15;
	v16 =	vmax.f32 v16, v18;
	v7 =	vld [tilespmem:s30+$0x110];
	[tilespmem:s12+$0x110] =	vst v14;
	v11 =	vmul.f32 v33, v11  }
0xe4: {  	v18 =	vperm.xlane v24, v6;
	v10 =	vmax.f32 v12, v10;
	v8 =	vld [tilespmem:s30+$0xFFFFFE80];
	v14 =	vmul.f32 $1.442695020e+00, v16  }
0xe5: {  	v12 =	vmax.f32 v15, v17;
	v31 =	vmul.f32 $1.442695020e+00, v10;
	v10 =	vld [tilespmem:s30+$0x120];
	v15 =	vperm.xlane v24, v4;
	[tilespmem:s12+$0x130] =	vst v11  }
0xe6: {  	v24 =	vmul.f32 $1.442695020e+00, v12;
	v16 =	vld [tilespmem:s30+$0x90];
	v11 =	vmul.f32 v25, v19  }
0xe7: {  	v19 =	vmul.f32 $1.442695020e+00, v27;
	v17 =	vld [tilespmem:s30+$0xA0];
	v22 =	vmul.f32 v22, v23  }
0xe8: {  	v20 =	vmul.f32 $1.442695020e+00, v20;
	v15 =	vmul.f32 v15, v26;
	v12 =	vld [tilespmem:s30+$0x80];
	[tilespmem:s12+$0xFFFFFEA0] =	vst v11  }
0xe9: {  	v13 =	vmul.f32 v18, v13;
	v11 =	vld [tilespmem:s30+$0xFFFFFF30];
	(erf) = vpow2.f32 v24;
	[tilespmem:s12+$0xFFFFFF10] =	vst v22  }
0xea: {  	v18 =	vmul.f32 $2.000000030e-01, v21;
	v23 =	vld [tilespmem:s30+$0x180];
	(erf) = vpow2.f32 v20;
	[tilespmem:s12+$0xFFFFFE90] =	vst v15  }
0xeb: {  	v15 =	vmul.f32 $2.000000030e-01, v28;
	v20 =	vld [tilespmem:s30+$0x190];
	v22 =	vpop (erf);
	[tilespmem:s12+$0xFFFFFEB0] =	vst v13;
	s12 =	smov.u32 s30  }
0xec: {  	v13 =	vmax.f32 v21, v18;
	[tilespmem:s30+$0x1F0] =	vst v22;
	v18 =	vperm.xlane v22, v3;
	v21 =	vld [tilespmem:s30+$0x1A0];
	(erf) = vpow2.f32 v19  }
0xed: {  	v19 =	vmul.f32 $1.442695020e+00, v13;
	v15 =	vmax.f32 v28, v15;
	v24 =	vld [tilespmem:s30+$0x1B0];
	(erf) = vpow2.f32 v14  }
0xee: {  	v26 =	vperm.xlane v22, v4;
	v25 =	vmul.f32 $1.442695020e+00, v15;
	v13 =	vld [tilespmem:s30+$0xFFFFFE30]  }
0xef: {  	v27 =	vperm.xlane v22, v5;
	v14 =	vld [tilespmem:s30+$0x100];
	(erf) = vpow2.f32 v19  }
0xf0: {  	v15 =	vld [tilespmem:s30+$0x30];
	v19 =	vmul.f32 v26, v20;
	v20 =	vperm.xlane v22, v6  }
.Ltmp7:
0xf1: {  	v22 =	vld [tilespmem:s30+$0xFFFFFFB0];
	v32 =	vmul.f32 v27, v21;
	(erf) = vpow2.f32 v25;
	(pc) =	sbr.rel @p0 .LBB2_14-.Ltmp7, $4  }
0xf2: {  	v33 =	vmul.f32 v18, v23;
	v26 =	vld [tilespmem:s30+$0xFFFFFF80];
	[tilespmem:s30+$0x190] =	vst v19;
	v28 =	vmul.f32 v20, v24;
	v21 =	vpop (erf)  }
0xf3: {  	[tilespmem:s30+$0xFFFFFE70] =	vst v21;
	v25 =	vperm.xlane v21, v3;
	v24 =	vld [tilespmem:s30+$0xFFFFFF90];
	v23 =	vpop (erf)  }
0xf4: {  	v20 =	vld [tilespmem:s30+$0xFFFFFE20];
	v30 =	vperm.xlane v23, v3;
	v29 =	vperm.xlane v23, v6;
	[tilespmem:s30+$0x180] =	vst v33  }
0xf5: {  	v27 =	vperm.xlane v23, v5;
	s30 =	sadd.s32 $0x400, s30;
	v19 =	vld [tilespmem:s12+$0x20];
	[tilespmem:s12+$0x1A0] =	vst v32;
	(erf) = vpow2.f32 v31;
	v18 =	vpop (erf)  }
0xf6: {  	[tilespmem:s12+$0xFFFFFFF0] =	vst v23  }
0xf7: {  	[tilespmem:s12+$0x1B0] =	vst v28;
	v26 =	vmul.f32 v30, v26  }
0xf8: {  	v28 =	vpop (erf);
	v23 =	vperm.xlane v23, v4;
	[tilespmem:s12+$0x170] =	vst v18;
	v22 =	vmul.f32 v29, v22  }
0xf9: {  	[tilespmem:s12+$0xFFFFFF70] =	vst v28  }
0xfa: {  	v23 =	vmul.f32 v23, v24;
	[tilespmem:s12+$0xFFFFFFB0] =	vst v22  }
0xfb: {  	v9 =	vmul.f32 v27, v9;
	v24 =	vld [tilespmem:s12+$0xB0];
	[tilespmem:s12+$0xFFFFFF80] =	vst v26;
	v26 =	vpop (erf)  }
0xfc: {  	[tilespmem:s12+$0xFFFFFF90] =	vst v23;
	v23 =	vld [tilespmem:s12+$0xFFFFFE00];
	v30 =	vpop (erf)  }
0xfd: {  	[tilespmem:s12+$0xFFFFFFA0] =	vst v9;
	v9 =	vld [tilespmem:s12+$0x10];
	v29 =	vperm.xlane v30, v5  }
0xfe: {  	[tilespmem:s12+$0x70] =	vst v26;
	v31 =	vperm.xlane v30, v4  }
0xff: {  	v22 =	vld [tilespmem:s12+$0xFFFFFF00];
	[tilespmem:s12+$0xF0] =	vst v30;
	v32 =	vperm.xlane v30, v6;
	v33 =	vpop (erf);
	v17 =	vmul.f32 v29, v17  }
0x100: {  	v27 =	vld [tilespmem:s12+$0x0];
	v16 =	vmul.f32 v31, v16;
	[tilespmem:s12+$0xFFFFFEF0] =	vst v33;
	v29 =	vperm.xlane v26, v4  }
0x101: {  	v23 =	vmul.f32 v25, v23;
	[tilespmem:s12+$0xA0] =	vst v17;
	v17 =	vmul.f32 v32, v24  }
0x102: {  	v31 =	vld [tilespmem:s12+$0xFFFFFF20];
	v24 =	vperm.xlane v28, v3;
	v9 =	vmul.f32 v29, v9;
	[tilespmem:s12+$0x90] =	vst v16  }
0x103: {  	v16 =	vperm.xlane v26, v3;
	[tilespmem:s12+$0xFFFFFE00] =	vst v23;
	v23 =	vperm.xlane v21, v5  }
0x104: {  	v22 =	vmul.f32 v24, v22;
	[tilespmem:s12+$0x10] =	vst v9;
	v9 =	vperm.xlane v30, v3  }
0x105: {  	[tilespmem:s12+$0xB0] =	vst v17;
	v24 =	vperm.xlane v28, v5;
	v16 =	vmul.f32 v16, v27  }
0x106: {  	v17 =	vld [tilespmem:s12+$0xFFFFFE10];
	v20 =	vmul.f32 v23, v20;
	[tilespmem:s12+$0xFFFFFF00] =	vst v22;
	v9 =	vmul.f32 v9, v12  }
0x107: {  	v12 =	vmul.f32 v24, v31;
	v22 =	vperm.xlane v26, v6;
	[tilespmem:s12+$0x0] =	vst v16  }
0x108: {  	v16 =	vperm.xlane v18, v3;
	[tilespmem:s12+$0x80] =	vst v9;
	v9 =	vperm.xlane v21, v4  }
0x109: {  	[tilespmem:s12+$0xFFFFFF20] =	vst v12;
	v12 =	vmul.f32 v22, v15;
	v15 =	vperm.xlane v28, v6  }
0x10a: {  	[tilespmem:s12+$0xFFFFFE20] =	vst v20;
	v14 =	vmul.f32 v16, v14;
	v16 =	vperm.xlane v21, v6  }
0x10b: {  	v9 =	vmul.f32 v9, v17;
	[tilespmem:s12+$0x30] =	vst v12;
	v12 =	vperm.xlane v26, v5  }
0x10c: {  	v11 =	vmul.f32 v15, v11;
	[tilespmem:s12+$0x100] =	vst v14;
	v14 =	vperm.xlane v18, v5  }
0x10d: {  	v13 =	vmul.f32 v16, v13;
	v15 =	vperm.xlane v33, v3;
	[tilespmem:s12+$0xFFFFFE10] =	vst v9;
	v9 =	vld [tilespmem:s12+$0x130]  }
0x10e: {  	v16 =	vperm.xlane v18, v4;
	v12 =	vmul.f32 v12, v19;
	[tilespmem:s12+$0xFFFFFF30] =	vst v11;
	v11 =	vld [tilespmem:s12+$0xFFFFFEA0]  }
0x10f: {  	v10 =	vmul.f32 v14, v10;
	[tilespmem:s12+$0xFFFFFE30] =	vst v13;
	v8 =	vmul.f32 v15, v8;
	v15 =	vld [tilespmem:s12+$0xFFFFFE90]  }
0x110: {  	v13 =	vld [tilespmem:s12+$0xFFFFFF10];
	v14 =	vperm.xlane v18, v6;
	v7 =	vmul.f32 v16, v7;
	[tilespmem:s12+$0x20] =	vst v12  }
0x111: {  	v17 =	vld [tilespmem:s12+$0xFFFFFEB0];
	v12 =	vperm.xlane v33, v5;
	[tilespmem:s12+$0xFFFFFE80] =	vst v8  }
0x112: {  	[tilespmem:s12+$0x110] =	vst v7;
	v7 =	vperm.xlane v33, v4;
	v8 =	vmul.f32 v14, v9  }
0x113: {  	[tilespmem:s12+$0x120] =	vst v10;
	v10 =	vperm.xlane v28, v4;
	v9 =	vmul.f32 v12, v11  }
0x114: {  	v11 =	vperm.xlane v33, v6;
	v7 =	vmul.f32 v7, v15;
	[tilespmem:s12+$0x130] =	vst v8  }
0x115: {  	v8 =	vmul.f32 v10, v13;
	[tilespmem:s12+$0xFFFFFEA0] =	vst v9  }
0x116: {  	s8 =	sshll.u32 s10, $0x8;
	v9 =	vmul.f32 v11, v17;
	[tilespmem:s12+$0xFFFFFE90] =	vst v7  }
0x117: {  	s8 =	sand.u32 $0x3FFFFF00, s8;
	[tilespmem:s12+$0xFFFFFF10] =	vst v8  }
0x118: {  	s8 =	sadd.s32 $0x17180, s8;
	[tilespmem:s12+$0xFFFFFEB0] =	vst v9  }
0x119: {  	[spmem:s2] =	stream.indirect.scatter.add.f32 [tilespmem:s20], [sflag:$0x3], $0x80, s8, s18, $0xb8;
	[tilespmem:$0x1F580] =	vst v63  }
0x11a: {  	_ =	swait.ge [sflag:s26], $0x2000  }
0x11b: {  	[sflag:s26] =	ssyncset.done $0x0  }
0x11c: {  	[sflag:s26] =	ssyncadd.s32 $0xFFFFE000  }
0x11d: {  	_ =	swait.ge [sflag:s26], $0x2000  }
0x11e: {  	[sflag:s26] =	ssyncset.done $0x0  }
0x11f: {  	[sflag:s26] =	ssyncadd.s32 $0xFFFFE000  }
0x120: {  	p0 =	seq.s32 s10, $0x3;
	_ =	swait.ge [sflag:s28], $0x2000  }
0x121: {  	s13 =	simm.s32 @!p0 $0x40;
	s8 =	sshll.u32 @!p0 s10, $0x8;
	[sflag:s28] =	ssyncset.done $0x0  }
0x122: {  	s30 =	simm.s32 @!p0 $0x17580;
	s12 =	sadd.s32 @!p0 $0x16A80, s8;
	[sflag:s28] =	ssyncadd.s32 $0xFFFFE000  }
0x123: {  	[tilespmem:s30], [sflag:$0x1] =	stream.indirect.gather @!p0 [hbm4b:s1+s13], $0x80, s12, s13, $0xb8;
	[tilespmem:$0x1F580] =	vst v63  }
0x124: {  	s8 =	sadd.s32 @!p0 $0x16E80, s8;
	s12 =	simm.s32 @!p0 $0x1B580  }
0x125: {  	[tilespmem:s12], [sflag:$0x1] =	stream.indirect.gather @!p0 [hbm4b:s1+s13], $0x80, s8, s13, $0xb8;
	[tilespmem:$0x1F580] =	vst v63  }
0x126: {  	s13 =	simm.s32 $0x1D7C0  }
0x127: {  	s12 =	simm.s32 $0x19780;
	v7 =	vld [tilespmem:s13+$0x180]  }
0x128: {  	v8 =	vld [tilespmem:s12+$0x1C0]  }
0x129: {  	v10 =	vld [tilespmem:s12+$0xC0]  }
0x12a: {  	v11 =	vld [tilespmem:s12+$0x140]  }
0x12b: {  	v12 =	vld [tilespmem:s13+$0x100]  }
0x12c: {  	v13 =	vld [tilespmem:s13+$0x80]  }
0x12d: {  	v16 =	vld [tilespmem:s13+$0xFFFFFF80];
	v7 =	vperm.xlane v7, v2  }
0x12e: {  	v18 =	vld [tilespmem:s12+$0xFFFFFE40]  }
0x12f: {  	v7 =	vadd.f32 v7, v8;
	v8 =	vld [tilespmem:s13+$0xFFFFFE00]  }
0x130: {  	v19 =	vld [tilespmem:s13+$0xFFFFFF00]  }
0x131: {  	v20 =	vld [tilespmem:s13+$0x0];
	v17 =	vmul.f32 $2.000000030e-01, v7  }
0x132: {  	v15 =	vld [tilespmem:s12+$0xFFFFFFC0]  }
0x133: {  	v12 =	vperm.xlane v12, v2;
	v7 =	vmax.f32 v7, v17;
	v17 =	vld [tilespmem:s13+$0xFFFFFE80]  }
0x134: {  	v14 =	vld [tilespmem:s12+$0xFFFFFF40];
	v16 =	vperm.xlane v16, v2;
	v8 =	vperm.xlane v8, v2  }
0x135: {  	v13 =	vperm.xlane v13, v2;
	v11 =	vadd.f32 v12, v11;
	v12 =	vld [tilespmem:s12+$0xFFFFFEC0];
	v7 =	vmul.f32 $1.442695020e+00, v7  }
0x136: {  	v9 =	vld [tilespmem:s12+$0xFFFFFFA0];
	v19 =	vperm.xlane v19, v2;
	v20 =	vperm.xlane v20, v2;
	v18 =	vadd.f32 v8, v18  }
0x137: {  	v21 =	vld [tilespmem:s12+$0x40];
	v15 =	vadd.f32 v16, v15;
	v22 =	vmul.f32 $2.000000030e-01, v11;
	(erf) = vpow2.f32 v7  }
0x138: {  	v24 =	vld [tilespmem:s12+$0x1B0];
	v16 =	vperm.xlane v17, v2;
	v17 =	vmul.f32 $2.000000030e-01, v18  }
0x139: {  	v13 =	vadd.f32 v13, v10;
	v14 =	vadd.f32 v19, v14;
	v10 =	vld [tilespmem:s12+$0x120];
	v19 =	vmul.f32 $2.000000030e-01, v15  }
0x13a: {  	v11 =	vmax.f32 v11, v22;
	v7 =	vld [tilespmem:s12+$0x110];
	v22 =	vadd.f32 v16, v12;
	v12 =	vmax.f32 v18, v17  }
0x13b: {  	v15 =	vmax.f32 v15, v19;
	v8 =	vld [tilespmem:s12+$0xFFFFFE80];
	v18 =	vmul.f32 $2.000000030e-01, v14;
	v19 =	vmul.f32 $1.442695020e+00, v12  }
0x13c: {  	v20 =	vadd.f32 v20, v21;
	v15 =	vmul.f32 $1.442695020e+00, v15;
	v16 =	vld [tilespmem:s12+$0x90];
	v21 =	vmul.f32 $2.000000030e-01, v22  }
0x13d: {  	v17 =	vld [tilespmem:s12+$0xA0];
	v14 =	vmax.f32 v14, v18;
	v18 =	vmul.f32 $1.442695020e+00, v11;
	(erf) = vpow2.f32 v19  }
0x13e: {  	v12 =	vld [tilespmem:s12+$0x80];
	v14 =	vmul.f32 $1.442695020e+00, v14;
	v11 =	vmax.f32 v22, v21;
	v21 =	vmul.f32 $2.000000030e-01, v20  }
0x13f: {  	v19 =	vld [tilespmem:s12+$0x180];
	(erf) = vpow2.f32 v15;
	v15 =	vmul.f32 $2.000000030e-01, v13  }
0x140: {  	v22 =	vld [tilespmem:s12+$0x190];
	v23 =	vpop (erf);
	v31 =	vmul.f32 $1.442695020e+00, v11;
	(erf) = vpow2.f32 v18  }
0x141: {  	v11 =	vld [tilespmem:s12+$0xFFFFFF30];
	v20 =	vmax.f32 v20, v21;
	v18 =	vperm.xlane v23, v3;
	(erf) = vpow2.f32 v14  }
0x142: {  	v21 =	vld [tilespmem:s12+$0x1A0];
	v25 =	vperm.xlane v23, v4;
	v20 =	vmul.f32 $1.442695020e+00, v20  }
0x143: {  	[tilespmem:s12+$0x1F0] =	vst v23;
	v15 =	vmax.f32 v13, v15;
	v13 =	vld [tilespmem:s12+$0xFFFFFE30];
	v27 =	vperm.xlane v23, v5;
	v23 =	vperm.xlane v23, v6  }
0x144: {  	v14 =	vld [tilespmem:s12+$0x100];
	v26 =	vmul.f32 $1.442695020e+00, v15;
	(erf) = vpow2.f32 v20  }
0x145: {  	v15 =	vld [tilespmem:s12+$0x30];
	v18 =	vmul.f32 v18, v19  }
0x146: {  	v20 =	vmul.f32 v25, v22;
	v22 =	vld [tilespmem:s12+$0xFFFFFFB0];
	(erf) = vpow2.f32 v26  }
0x147: {  	v26 =	vld [tilespmem:s12+$0xFFFFFF80];
	[tilespmem:s12+$0x180] =	vst v18;
	v63 =	vmul.f32 v27, v21;
	v21 =	vpop (erf)  }
0x148: {  	v28 =	vmul.f32 v23, v24;
	v24 =	vld [tilespmem:s12+$0xFFFFFF90];
	[tilespmem:s12+$0x190] =	vst v20;
	(erf) = vpow2.f32 v31;
	v23 =	vpop (erf)  }
0x149: {  	v19 =	vld [tilespmem:s12+$0x20];
	[tilespmem:s12+$0xFFFFFE70] =	vst v21;
	v25 =	vperm.xlane v21, v3;
	v30 =	vperm.xlane v23, v3  }
0x14a: {  	s30 =	simm.s32 $0x19B80;
	s8 =	simm.s32 $0x0;
	v20 =	vld [tilespmem:s12+$0xFFFFFE20];
	[tilespmem:s12+$0x1A0] =	vst v63;
	v29 =	vperm.xlane v23, v6;
	v27 =	vperm.xlane v23, v5;
	v18 =	vpop (erf)  }
.LBB2_16:
0x14b: {  	v31 =	vld [tilespmem:s30+$0xFFFFFFA0];
	s8 =	sadd.s32 $0x8, s8;
	[tilespmem:s12+$0xFFFFFFF0] =	vst v23;
	v32 =	vperm.xlane v23, v4;
	v23 =	vperm.xlane v18, v5;
	s13 =	sadd.s32 $0x400, s13;
	v33 =	vpop (erf)  }
0x14c: {  	v29 =	vmul.f32 v29, v22;
	p0 =	slt.u32 s8, $0x38;
	v26 =	vmul.f32 v30, v26;
	v30 =	vld [tilespmem:s12+$0x0];
	[tilespmem:s12+$0x1B0] =	vst v28  }
0x14d: {  	v28 =	vperm.xlane v21, v5;
	v24 =	vmul.f32 v32, v24;
	v32 =	vld [tilespmem:s12+$0x10];
	v34 =	vpop (erf)  }
0x14e: {  	v36 =	vperm.xlane v21, v4;
	v35 =	vld [tilespmem:s12+$0xFFFFFE10];
	[tilespmem:s12+$0xFFFFFF80] =	vst v26;
	v26 =	vperm.xlane v34, v3  }
0x14f: {  	v38 =	vperm.xlane v33, v3;
	v39 =	vperm.xlane v34, v5;
	[tilespmem:s12+$0xFFFFFF70] =	vst v33;
	v37 =	vld [tilespmem:s12+$0xFFFFFF00];
	v40 =	vpop (erf)  }
0x150: {  	v42 =	vperm.xlane v18, v3;
	v27 =	vmul.f32 v27, v9;
	v41 =	vld [tilespmem:s12+$0xFFFFFE00];
	[tilespmem:s12+$0x170] =	vst v18;
	v9 =	vmov v31  }
0x151: {  	v22 =	vperm.xlane v33, v4;
	v31 =	vperm.xlane v40, v4;
	[tilespmem:s12+$0xF0] =	vst v40;
	v43 =	vld [tilespmem:s12+$0xB0]  }
0x152: {  	v45 =	vperm.xlane v33, v5;
	v44 =	vld [tilespmem:s12+$0xFFFFFF20];
	[tilespmem:s12+$0xFFFFFFA0] =	vst v27;
	v27 =	vperm.xlane v40, v5  }
0x153: {  	v46 =	vld [tilespmem:s30+$0x1C0];
	v35 =	vmul.f32 v36, v35;
	[tilespmem:s12+$0xFFFFFF90] =	vst v24;
	v36 =	vperm.xlane v40, v6;
	v24 =	vpop (erf)  }
0x154: {  	v33 =	vperm.xlane v33, v6;
	v16 =	vmul.f32 v31, v16;
	v47 =	vld [tilespmem:s13+$0x180];
	[tilespmem:s12+$0xFFFFFFB0] =	vst v29  }
0x155: {  	v17 =	vmul.f32 v27, v17;
	v29 =	vld [tilespmem:s30+$0xC0];
	v25 =	vmul.f32 v25, v41;
	[tilespmem:s12+$0x70] =	vst v34  }
0x156: {  	v21 =	vperm.xlane v21, v6;
	v31 =	vperm.xlane v34, v4;
	v27 =	vld [tilespmem:s30+$0x140];
	[tilespmem:s12+$0xFFFFFEF0] =	vst v24  }
0x157: {  	v41 =	vld [tilespmem:s13+$0x100];
	v44 =	vmul.f32 v45, v44;
	[tilespmem:s12+$0xA0] =	vst v17;
	v17 =	vmul.f32 v36, v43  }
0x158: {  	v37 =	vmul.f32 v38, v37;
	v31 =	vmul.f32 v31, v32;
	v36 =	vld [tilespmem:s13+$0x80];
	[tilespmem:s12+$0x90] =	vst v16  }
0x159: {  	v26 =	vmul.f32 v26, v30;
	v16 =	vld [tilespmem:s30+$0xFFFFFF40];
	v32 =	vperm.xlane v47, v2;
	[tilespmem:s12+$0xB0] =	vst v17  }
0x15a: {  	v30 =	vperm.xlane v24, v3;
	v17 =	vld [tilespmem:s30+$0xFFFFFFC0];
	[tilespmem:s12+$0x10] =	vst v31;
	v31 =	vperm.xlane v40, v3  }
0x15b: {  	v34 =	vperm.xlane v34, v6;
	v38 =	vld [tilespmem:s30+$0x40];
	v32 =	vadd.f32 v32, v46;
	[tilespmem:s12+$0xFFFFFE00] =	vst v25;
	v25 =	vperm.xlane v24, v5  }
0x15c: {  	v40 =	vld [tilespmem:s13+$0x0];
	v41 =	vperm.xlane v41, v2;
	[tilespmem:s12+$0xFFFFFF00] =	vst v37;
	v12 =	vmul.f32 v31, v12  }
0x15d: {  	v19 =	vmul.f32 v39, v19;
	v31 =	vld [tilespmem:s13+$0xFFFFFF80];
	v36 =	vperm.xlane v36, v2;
	[tilespmem:s12+$0x0] =	vst v26  }
0x15e: {  	v20 =	vmul.f32 v28, v20;
	v37 =	vmul.f32 $2.000000030e-01, v32;
	v26 =	vld [tilespmem:s13+$0xFFFFFF00];
	v27 =	vadd.f32 v41, v27;
	[tilespmem:s12+$0x80] =	vst v12  }
0x15f: {  	v14 =	vmul.f32 v42, v14;
	v15 =	vmul.f32 v34, v15;
	v12 =	vld [tilespmem:s13+$0xFFFFFE80];
	v28 =	vadd.f32 v36, v29;
	[tilespmem:s12+$0xFFFFFF20] =	vst v44  }
0x160: {  	v13 =	vmul.f32 v21, v13;
	v32 =	vmax.f32 v32, v37;
	v29 =	vld [tilespmem:s13+$0xFFFFFE00];
	v34 =	vmul.f32 $2.000000030e-01, v27;
	[tilespmem:s12+$0xFFFFFE20] =	vst v20  }
0x161: {  	v11 =	vmul.f32 v33, v11;
	v20 =	vld [tilespmem:s30+$0xFFFFFEC0];
	v21 =	vperm.xlane v40, v2;
	[tilespmem:s12+$0x30] =	vst v15  }
0x162: {  	v33 =	vperm.xlane v18, v6;
	v15 =	vld [tilespmem:s30+$0xFFFFFE40];
	v31 =	vperm.xlane v31, v2;
	v27 =	vmax.f32 v27, v34;
	[tilespmem:s12+$0xFFFFFE10] =	vst v35  }
0x163: {  	v26 =	vperm.xlane v26, v2;
	v21 =	vadd.f32 v21, v38;
	[tilespmem:s12+$0x100] =	vst v14;
	v14 =	vperm.xlane v18, v4  }
0x164: {  	v10 =	vmul.f32 v23, v10;
	v12 =	vperm.xlane v12, v2;
	v17 =	vadd.f32 v31, v17;
	[tilespmem:s12+$0xFFFFFF30] =	vst v11;
	v11 =	vld [tilespmem:s12+$0x130]  }
0x165: {  	v8 =	vmul.f32 v30, v8;
	v18 =	vperm.xlane v29, v2;
	v16 =	vadd.f32 v26, v16;
	[tilespmem:s12+$0xFFFFFE30] =	vst v13;
	v13 =	vld [tilespmem:s12+$0xFFFFFEB0]  }
0x166: {  	v23 =	vmul.f32 $1.442695020e+00, v32;
	v12 =	vadd.f32 v12, v20;
	v20 =	vmul.f32 $2.000000030e-01, v17;
	v26 =	vld [tilespmem:s12+$0xFFFFFE90];
	[tilespmem:s12+$0x20] =	vst v19  }
0x167: {  	v14 =	vmul.f32 v14, v7;
	v15 =	vadd.f32 v18, v15;
	v18 =	vmul.f32 $2.000000030e-01, v16;
	v19 =	vld [tilespmem:s12+$0xFFFFFEA0];
	[tilespmem:s12+$0x120] =	vst v10  }
0x168: {  	v10 =	vmul.f32 $2.000000030e-01, v12;
	v20 =	vmax.f32 v17, v20;
	(erf) = vpow2.f32 v23;
	[tilespmem:s12+$0xFFFFFE80] =	vst v8;
	v23 =	vld [tilespmem:s12+$0xFFFFFF10]  }
0x169: {  	v17 =	vmul.f32 $2.000000030e-01, v15;
	v16 =	vmax.f32 v16, v18;
	v7 =	vld [tilespmem:s30+$0x110];
	[tilespmem:s12+$0x110] =	vst v14;
	v11 =	vmul.f32 v33, v11  }
0x16a: {  	v18 =	vperm.xlane v24, v6;
	v10 =	vmax.f32 v12, v10;
	v8 =	vld [tilespmem:s30+$0xFFFFFE80];
	v14 =	vmul.f32 $1.442695020e+00, v16  }
0x16b: {  	v12 =	vmax.f32 v15, v17;
	v31 =	vmul.f32 $1.442695020e+00, v10;
	v10 =	vld [tilespmem:s30+$0x120];
	v15 =	vperm.xlane v24, v4;
	[tilespmem:s12+$0x130] =	vst v11  }
0x16c: {  	v24 =	vmul.f32 $1.442695020e+00, v12;
	v16 =	vld [tilespmem:s30+$0x90];
	v11 =	vmul.f32 v25, v19  }
0x16d: {  	v19 =	vmul.f32 $1.442695020e+00, v27;
	v17 =	vld [tilespmem:s30+$0xA0];
	v22 =	vmul.f32 v22, v23  }
0x16e: {  	v20 =	vmul.f32 $1.442695020e+00, v20;
	v15 =	vmul.f32 v15, v26;
	v12 =	vld [tilespmem:s30+$0x80];
	[tilespmem:s12+$0xFFFFFEA0] =	vst v11  }
0x16f: {  	v13 =	vmul.f32 v18, v13;
	v11 =	vld [tilespmem:s30+$0xFFFFFF30];
	(erf) = vpow2.f32 v24;
	[tilespmem:s12+$0xFFFFFF10] =	vst v22  }
0x170: {  	v18 =	vmul.f32 $2.000000030e-01, v21;
	v23 =	vld [tilespmem:s30+$0x180];
	(erf) = vpow2.f32 v20;
	[tilespmem:s12+$0xFFFFFE90] =	vst v15  }
0x171: {  	v15 =	vmul.f32 $2.000000030e-01, v28;
	v20 =	vld [tilespmem:s30+$0x190];
	v22 =	vpop (erf);
	[tilespmem:s12+$0xFFFFFEB0] =	vst v13;
	s12 =	smov.u32 s30  }
0x172: {  	v13 =	vmax.f32 v21, v18;
	[tilespmem:s30+$0x1F0] =	vst v22;
	v18 =	vperm.xlane v22, v3;
	v21 =	vld [tilespmem:s30+$0x1A0];
	(erf) = vpow2.f32 v19  }
0x173: {  	v19 =	vmul.f32 $1.442695020e+00, v13;
	v15 =	vmax.f32 v28, v15;
	v24 =	vld [tilespmem:s30+$0x1B0];
	(erf) = vpow2.f32 v14  }
0x174: {  	v26 =	vperm.xlane v22, v4;
	v25 =	vmul.f32 $1.442695020e+00, v15;
	v13 =	vld [tilespmem:s30+$0xFFFFFE30]  }
0x175: {  	v27 =	vperm.xlane v22, v5;
	v14 =	vld [tilespmem:s30+$0x100];
	(erf) = vpow2.f32 v19  }
0x176: {  	v15 =	vld [tilespmem:s30+$0x30];
	v19 =	vmul.f32 v26, v20;
	v20 =	vperm.xlane v22, v6  }
.Ltmp8:
0x177: {  	v22 =	vld [tilespmem:s30+$0xFFFFFFB0];
	v32 =	vmul.f32 v27, v21;
	(erf) = vpow2.f32 v25;
	(pc) =	sbr.rel @p0 .LBB2_16-.Ltmp8, $4  }
0x178: {  	v33 =	vmul.f32 v18, v23;
	v26 =	vld [tilespmem:s30+$0xFFFFFF80];
	[tilespmem:s30+$0x190] =	vst v19;
	v28 =	vmul.f32 v20, v24;
	v21 =	vpop (erf)  }
0x179: {  	[tilespmem:s30+$0xFFFFFE70] =	vst v21;
	v25 =	vperm.xlane v21, v3;
	v24 =	vld [tilespmem:s30+$0xFFFFFF90];
	v23 =	vpop (erf)  }
0x17a: {  	v20 =	vld [tilespmem:s30+$0xFFFFFE20];
	v30 =	vperm.xlane v23, v3;
	v29 =	vperm.xlane v23, v6;
	[tilespmem:s30+$0x180] =	vst v33  }
0x17b: {  	v27 =	vperm.xlane v23, v5;
	s30 =	sadd.s32 $0x400, s30;
	v19 =	vld [tilespmem:s12+$0x20];
	[tilespmem:s12+$0x1A0] =	vst v32;
	(erf) = vpow2.f32 v31;
	v18 =	vpop (erf)  }
0x17c: {  	[tilespmem:s12+$0xFFFFFFF0] =	vst v23  }
0x17d: {  	[tilespmem:s12+$0x1B0] =	vst v28  }
0x17e: {  	v28 =	vpop (erf);
	[tilespmem:s12+$0x170] =	vst v18;
	v22 =	vmul.f32 v29, v22  }
0x17f: {  	v26 =	vmul.f32 v30, v26;
	[tilespmem:s12+$0xFFFFFF70] =	vst v28  }
0x180: {  	v54 =	vperm.xlane v23, v4;
	v9 =	vmul.f32 v27, v9;
	[tilespmem:s12+$0xFFFFFFB0] =	vst v22  }
0x181: {  	v44 =	vperm.xlane v18, v3;
	[tilespmem:s12+$0xFFFFFF80] =	vst v26  }
0x182: {  	v48 =	vperm.xlane v21, v6;
	v55 =	vpop (erf);
	v23 =	vmul.f32 v54, v24;
	[tilespmem:s12+$0xFFFFFFA0] =	vst v9  }
0x183: {  	v50 =	vperm.xlane v18, v5;
	v14 =	vmul.f32 v44, v14;
	[tilespmem:s12+$0x70] =	vst v55  }
0x184: {  	v13 =	vmul.f32 v48, v13;
	[tilespmem:s12+$0xFFFFFF90] =	vst v23  }
0x185: {  	v59 =	vld [tilespmem:s12+$0x10];
	v41 =	vperm.xlane v21, v5;
	v10 =	vmul.f32 v50, v10;
	[tilespmem:s12+$0x100] =	vst v14  }
0x186: {  	v61 =	vld [tilespmem:s12+$0xFFFFFE00];
	v47 =	vperm.xlane v28, v6;
	[tilespmem:s12+$0xFFFFFE30] =	vst v13  }
0x187: {  	v62 =	vld [tilespmem:s12+$0xFFFFFF00];
	v54 =	vperm.xlane v18, v4;
	v20 =	vmul.f32 v41, v20;
	v56 =	vpop (erf);
	[tilespmem:s12+$0x120] =	vst v10  }
0x188: {  	v36 =	vld [tilespmem:s12+$0xFFFFFF20];
	v63 =	vperm.xlane v55, v4;
	v11 =	vmul.f32 v47, v11;
	[tilespmem:s12+$0xF0] =	vst v56  }
0x189: {  	v7 =	vmul.f32 v54, v7;
	[tilespmem:s12+$0xFFFFFE20] =	vst v20  }
0x18a: {  	v35 =	vperm.xlane v28, v3;
	v9 =	vmul.f32 v63, v59;
	[tilespmem:s12+$0xFFFFFF30] =	vst v11  }
0x18b: {  	v40 =	vperm.xlane v28, v5;
	v23 =	vmul.f32 v25, v61;
	[tilespmem:s12+$0x110] =	vst v7  }
0x18c: {  	v43 =	vperm.xlane v55, v6;
	v22 =	vmul.f32 v35, v62;
	[tilespmem:s12+$0x10] =	vst v9  }
0x18d: {  	v58 =	vld [tilespmem:s12+$0xB0];
	v42 =	vmul.f32 v40, v36;
	[tilespmem:s12+$0xFFFFFE00] =	vst v23  }
0x18e: {  	v60 =	vperm.xlane v56, v5;
	v46 =	vmul.f32 v43, v15;
	[tilespmem:s12+$0xFFFFFF00] =	vst v22  }
0x18f: {  	v31 =	vperm.xlane v56, v4;
	[tilespmem:s12+$0xFFFFFF20] =	vst v42  }
0x190: {  	v57 =	vld [tilespmem:s12+$0x0];
	v32 =	vperm.xlane v56, v6;
	v17 =	vmul.f32 v60, v17;
	[tilespmem:s12+$0x30] =	vst v46;
	v33 =	vpop (erf)  }
0x191: {  	v38 =	vld [tilespmem:s12+$0xFFFFFE10];
	v39 =	vperm.xlane v56, v3;
	v16 =	vmul.f32 v31, v16;
	[tilespmem:s12+$0xFFFFFEF0] =	vst v33  }
0x192: {  	v49 =	vperm.xlane v55, v5;
	v34 =	vmul.f32 v32, v58;
	[tilespmem:s12+$0xA0] =	vst v17  }
0x193: {  	v53 =	vld [tilespmem:s12+$0xFFFFFEA0];
	v37 =	vperm.xlane v55, v3;
	v9 =	vmul.f32 v39, v12;
	[tilespmem:s12+$0x90] =	vst v16  }
0x194: {  	v45 =	vperm.xlane v21, v4;
	v59 =	vld [tilespmem:s12+$0xFFFFFEB0];
	v12 =	vmul.f32 v49, v19;
	[tilespmem:s12+$0xB0] =	vst v34  }
0x195: {  	v51 =	vld [tilespmem:s12+$0x130];
	v16 =	vmul.f32 v37, v57;
	[tilespmem:s12+$0x80] =	vst v9;
	v52 =	vperm.xlane v33, v3  }
0x196: {  	v9 =	vmul.f32 v45, v38;
	v57 =	vld [tilespmem:s12+$0xFFFFFE90];
	[tilespmem:s12+$0x20] =	vst v12;
	v58 =	vperm.xlane v33, v5  }
0x197: {  	v55 =	vld [tilespmem:s12+$0xFFFFFF10];
	v62 =	vperm.xlane v33, v6;
	[tilespmem:s12+$0x0] =	vst v16;
	v8 =	vmul.f32 v52, v8  }
0x198: {  	v56 =	vperm.xlane v18, v6;
	[tilespmem:s12+$0xFFFFFE10] =	vst v9;
	v61 =	vmul.f32 v58, v53  }
0x199: {  	s10 =	sadd.s32 $0x1, s10;
	v7 =	vperm.xlane v33, v4;
	v63 =	vmul.f32 v62, v59;
	[tilespmem:s12+$0xFFFFFE80] =	vst v8  }
0x19a: {  	p0 =	sne.s32 s10, $0x4;
	v60 =	vperm.xlane v28, v4;
	v8 =	vmul.f32 v56, v51;
	[tilespmem:s12+$0xFFFFFEA0] =	vst v61  }
.Ltmp9:
0x19b: {  	[tilespmem:s12+$0xFFFFFEB0] =	vst v63;
	v7 =	vmul.f32 v7, v57;
	(pc) =	sbr.rel @p0 .LBB2_13-.Ltmp9, $4  }
0x19c: {  	[tilespmem:s12+$0x130] =	vst v8;
	v8 =	vmul.f32 v60, v55  }
0x19d: {  	s8 =	sand.u32 $0x3FFFFF80, s11;
	[tilespmem:s12+$0xFFFFFE90] =	vst v7  }
0x19e: {  	s8 =	sadd.s32 $0x17180, s8;
	[tilespmem:s12+$0xFFFFFF10] =	vst v8  }
0x19f: {  	[spmem:s2] =	stream.indirect.scatter.add.f32 [tilespmem:s24], [sflag:$0x4], $0x80, s8, s18, $0xb8;
	[tilespmem:$0x1F580] =	vst v63  }
0x1a0: {  	s3 =	sadd.s32 $0x1, s3  }
0x1a1: {  	p0 =	sne.s32 s3, $0x14  }
.Ltmp10:
0x1a2: {  	_ = 	snop;
	(pc) =	sbr.rel @p0 .LBB2_10-.Ltmp10, $4  }
0x1a3: {  	_ = 	snop  }
0x1a4: {  	_ =	swait.ge [sflag:s29], $0x2000  }
0x1a5: {  	[sflag:s29] =	ssyncset.done $0x0  }
0x1a6: {  	[sflag:s29] =	ssyncadd.s32 $0xFFFFE000  }
0x1a7: {  	[bflag:$0x0] =	sbarrier.arrive $0xFFFF  }
0x1a8: {  	s0 =	rddreg [dreg:$0x6]  }
0x1a9: {  	s3 =	rddreg [dreg:$0x9]  }
0x1aa: {  	s8 =	rddreg [dreg:$0xa]  }
0x1ab: {  	[hbm:s0], [sflag:s3] =	dma.local [spmem:s8], $0x2780  }
0x1ac: {  	_ =	swait.ge [sflag:s15], $0x2780  }
0x1ad: {  	[sflag:s15] =	ssyncset.done $0x0  }
0x1ae: {  	s31 =	rddreg [dreg:$0x4];
	[sflag:s15] =	ssyncadd.s32 $0xFFFFD880  }
0x1af: {  	[spmem:s8], [sflag:s3] =	dma.local [hbm:s31], $0x2780  }
0x1b0: {  	_ =	swait.ge [sflag:s15], $0x2780  }
0x1b1: {  	[sflag:s15] =	ssyncset.done $0x0  }
0x1b2: {  	[sflag:s15] =	ssyncadd.s32 $0xFFFFD880  }
0x1b3: {  	s0 =	simm.s32 $0x0;
	s3 =	simm.s32 $0x0;
	[bflag:$0x0] =	sbarrier.arrive $0xFFFF  }
.LBB2_20:
0x1b4: {  	s8 =	sshll.u32 s3, $0x9  }
0x1b5: {  	s8 =	sadd.s32 s9, s8  }
0x1b6: {  	s10 =	sshrl.u32 s8, $0x3  }
0x1b7: {  	s8 =	simm.s32 $0x16580;
	s11 =	sadd.s32 s5, s10  }
0x1b8: {  	[tilespmem:s8], [sflag:$0x5] =	stream.linear.gather [hbm4b:s11+s0], $0x200, $0x38;
	[tilespmem:$0x1F580] =	vst v63  }
0x1b9: {  	_ =	swait.ge [sflag:s15], $0x200  }
0x1ba: {  	[sflag:s15] =	ssyncset.done $0x0  }
0x1bb: {  	s13 =	simm.s32 $0x16780;
	s10 =	sadd.s32 s6, s10;
	[sflag:s15] =	ssyncadd.s32 $0xFFFFFE00  }
0x1bc: {  	[tilespmem:s13], [sflag:$0x5] =	stream.linear.gather [hbm4b:s10+s0], $0x200, $0x38;
	[tilespmem:$0x1F580] =	vst v63  }
0x1bd: {  	_ =	swait.ge [sflag:s15], $0x200  }
0x1be: {  	[sflag:s15] =	ssyncset.done $0x0  }
0x1bf: {  	[sflag:s15] =	ssyncadd.s32 $0xFFFFFE00  }
0x1c0: {  	v7 =	vld [tilespmem:s13+$0x0];
	_ =	sdelay $0x7  }
0x1c1: {  	v8 =	vld.idx.msk [tilespmem:v7+s17+$0x0], $0xffff  }
0x1c2: {  	v9 =	vld [tilespmem:s8+$0x0];
	_ =	sdelay $0x3  }
0x1c3: {  	s30 =	sand.u32 $0x30, s0;
	s31 =	sand.u32 $0x380, s0;
	v10 =	vand.u32 $0xFFFF, v8;
	v8 =	vshrl.u32 v8, $0x10  }
0x1c4: {  	s10 =	sor.u32 s30, s31;
	vm0 =	vne.s32 v9, v7;
	vm1 =	vne.s32 v10, v8  }
0x1c5: {  	[tilespmem:s10+$0x16D80] =	vst v8;
	vm0 =	vmand vm0, vm1  }
0x1c6: {  	[tilespmem:s10+$0x16980] =	vst v10;
	v7 =	vnsel vm0, $0x2710, v8  }
0x1c7: {  	s12 =	simm.s32 $0x16790;
	[tilespmem:s10+$0x17180] =	vst v7  }
0x1c8: {  	s11 =	simm.s32 $0x0;
	s13 =	simm.s32 $0x40;
	s10 =	simm.s32 $0x20;
	v7 =	vld [tilespmem:s12+$0x0]  }
.LBB2_21:
0x1c9: {  	p0 =	sne.s32 s13, $0x3E0;
	_ =	sdelay $0x6  }
0x1ca: {  	v8 =	vld.idx.msk [tilespmem:v7+s17+$0x0], $0xffff  }
0x1cb: {  	s8 =	sadd.s32 $0x10, s8  }
0x1cc: {  	v9 =	vld [tilespmem:s8+$0x0];
	_ =	sdelay $0x1  }
0x1cd: {  	s11 =	sadd.s32 $0x10, s11  }
0x1ce: {  	s31 =	sand.u32 $0x380, s10;
	s10 =	smov.u32 s13;
	s30 =	sand.u32 $0x30, s11  }
0x1cf: {  	s30 =	sor.u32 s30, s31;
	v10 =	vand.u32 $0xFFFF, v8;
	v8 =	vshrl.u32 v8, $0x10  }
.Ltmp11:
0x1d0: {  	vm1 =	vne.s32 v10, v8;
	vm0 =	vne.s32 v9, v7;
	[tilespmem:s30+$0x16D80] =	vst v8;
	(pc) =	sbr.rel @p0 .LBB2_21-.Ltmp11, $4  }
0x1d1: {  	vm0 =	vmand vm0, vm1;
	[tilespmem:s30+$0x16980] =	vst v10  }
0x1d2: {  	v7 =	vnsel vm0, $0x2710, v8  }
0x1d3: {  	s12 =	sadd.s32 $0x10, s12;
	[tilespmem:s30+$0x17180] =	vst v7  }
0x1d4: {  	s13 =	sadd.s32 $0x20, s13;
	v7 =	vld [tilespmem:s12+$0x0]  }
0x1d5: {  	_ =	sdelay $0x7  }
0x1d6: {  	s8 =	sadd.s32 $0x10, s8;
	v8 =	vld.idx.msk [tilespmem:v7+s17+$0x0], $0xffff  }
0x1d7: {  	v9 =	vld [tilespmem:s8+$0x0];
	_ =	sdelay $0x2  }
0x1d8: {  	s31 =	sadd.s32 $0x10, s11  }
0x1d9: {  	s10 =	sand.u32 $0x380, s10;
	s8 =	sand.u32 $0x30, s31;
	v10 =	vand.u32 $0xFFFF, v8;
	v8 =	vshrl.u32 v8, $0x10  }
0x1da: {  	s8 =	sor.u32 s8, s10;
	vm0 =	vne.s32 v9, v7;
	vm1 =	vne.s32 v10, v8  }
0x1db: {  	[tilespmem:s8+$0x16D80] =	vst v8;
	vm0 =	vmand vm0, vm1  }
0x1dc: {  	[tilespmem:s8+$0x16980] =	vst v10;
	v7 =	vnsel vm0, $0x2710, v8  }
0x1dd: {  	[tilespmem:s8+$0x17180] =	vst v7  }
0x1de: {  	[tilespmem:s20], [sflag:$0x1] =	stream.indirect.gather [hbm4b:s7+s18], $0x80, s19, s18, $0xb8;
	[tilespmem:$0x1F580] =	vst v63  }
0x1df: {  	s10 =	simm.s32 $0x0  }
0x1e0: {  	[tilespmem:s22], [sflag:$0x1] =	stream.indirect.gather [hbm4b:s7+s18], $0x80, s21, s18, $0xb8;
	[tilespmem:$0x1F580] =	vst v63  }
.LBB2_23:
0x1e1: {  	_ =	swait.ge [sflag:s23], $0x2000  }
0x1e2: {  	[sflag:s23] =	ssyncset.done $0x0  }
0x1e3: {  	[sflag:s23] =	ssyncadd.s32 $0xFFFFE000  }
0x1e4: {  	_ =	swait.ge [sflag:s23], $0x2000  }
0x1e5: {  	p0 =	seq.s32 s10, $0x0;
	[sflag:s23] =	ssyncset.done $0x0  }
0x1e6: {  	s8 =	sshll.u32 s10, $0x1;
	s12 =	simm.s32 @!p0 $0x4;
	[sflag:s23] =	ssyncadd.s32 $0xFFFFE000  }
0x1e7: {  	s8 =	sor.u32 $0x1, s8;
	_ =	swait.ge @!p0 [sflag:s12], $0x2000  }
0x1e8: {  	s11 =	sshll.u32 s8, $0x7;
	[sflag:s12] =	ssyncset.done @!p0 $0x0  }
0x1e9: {  	s8 =	sadd.s32 $0x16980, s11;
	[sflag:s12] =	ssyncadd.s32 @!p0 $0xFFFFE000  }
0x1ea: {  	[tilespmem:s24], [sflag:$0x2] =	stream.indirect.gather [hbm4b:s7+s18], $0x80, s8, s18, $0xb8;
	[tilespmem:$0x1F580] =	vst v63  }
0x1eb: {  	s13 =	simm.s32 $0x1B7C0;
	s31 =	sadd.s32 $0x16D80, s11  }
0x1ec: {  	[tilespmem:s25], [sflag:$0x2] =	stream.indirect.gather [hbm4b:s7+s18], $0x80, s31, s18, $0xb8;
	[tilespmem:$0x1F580] =	vst v63  }
0x1ed: {  	s12 =	simm.s32 $0x17780;
	v7 =	vld [tilespmem:s13+$0x180]  }
0x1ee: {  	v8 =	vld [tilespmem:s12+$0x1C0]  }
0x1ef: {  	v10 =	vld [tilespmem:s12+$0xC0]  }
0x1f0: {  	v11 =	vld [tilespmem:s12+$0x140]  }
0x1f1: {  	v12 =	vld [tilespmem:s13+$0x100]  }
0x1f2: {  	v13 =	vld [tilespmem:s13+$0x80]  }
0x1f3: {  	v16 =	vld [tilespmem:s13+$0xFFFFFF80];
	v7 =	vperm.xlane v7, v2  }
0x1f4: {  	v18 =	vld [tilespmem:s12+$0xFFFFFE40]  }
0x1f5: {  	v7 =	vadd.f32 v7, v8;
	v8 =	vld [tilespmem:s13+$0xFFFFFE00]  }
0x1f6: {  	v19 =	vld [tilespmem:s13+$0xFFFFFF00]  }
0x1f7: {  	v20 =	vld [tilespmem:s13+$0x0];
	v17 =	vmul.f32 $2.000000030e-01, v7  }
0x1f8: {  	v15 =	vld [tilespmem:s12+$0xFFFFFFC0]  }
0x1f9: {  	v12 =	vperm.xlane v12, v2;
	v7 =	vmax.f32 v7, v17;
	v17 =	vld [tilespmem:s13+$0xFFFFFE80]  }
0x1fa: {  	v14 =	vld [tilespmem:s12+$0xFFFFFF40];
	v16 =	vperm.xlane v16, v2;
	v8 =	vperm.xlane v8, v2  }
0x1fb: {  	v13 =	vperm.xlane v13, v2;
	v11 =	vadd.f32 v12, v11;
	v12 =	vld [tilespmem:s12+$0xFFFFFEC0];
	v7 =	vmul.f32 $1.442695020e+00, v7  }
0x1fc: {  	v9 =	vld [tilespmem:s12+$0xFFFFFFA0];
	v19 =	vperm.xlane v19, v2;
	v20 =	vperm.xlane v20, v2;
	v18 =	vadd.f32 v8, v18  }
0x1fd: {  	v21 =	vld [tilespmem:s12+$0x40];
	v15 =	vadd.f32 v16, v15;
	v22 =	vmul.f32 $2.000000030e-01, v11;
	(erf) = vpow2.f32 v7  }
0x1fe: {  	v24 =	vld [tilespmem:s12+$0x1B0];
	v16 =	vperm.xlane v17, v2;
	v17 =	vmul.f32 $2.000000030e-01, v18  }
0x1ff: {  	v13 =	vadd.f32 v13, v10;
	v14 =	vadd.f32 v19, v14;
	v10 =	vld [tilespmem:s12+$0x120];
	v19 =	vmul.f32 $2.000000030e-01, v15  }
0x200: {  	v11 =	vmax.f32 v11, v22;
	v7 =	vld [tilespmem:s12+$0x110];
	v22 =	vadd.f32 v16, v12;
	v12 =	vmax.f32 v18, v17  }
0x201: {  	v15 =	vmax.f32 v15, v19;
	v8 =	vld [tilespmem:s12+$0xFFFFFE80];
	v18 =	vmul.f32 $2.000000030e-01, v14;
	v19 =	vmul.f32 $1.442695020e+00, v12  }
0x202: {  	v20 =	vadd.f32 v20, v21;
	v15 =	vmul.f32 $1.442695020e+00, v15;
	v16 =	vld [tilespmem:s12+$0x90];
	v21 =	vmul.f32 $2.000000030e-01, v22  }
0x203: {  	v17 =	vld [tilespmem:s12+$0xA0];
	v14 =	vmax.f32 v14, v18;
	v18 =	vmul.f32 $1.442695020e+00, v11;
	(erf) = vpow2.f32 v19  }
0x204: {  	v12 =	vld [tilespmem:s12+$0x80];
	v14 =	vmul.f32 $1.442695020e+00, v14;
	v11 =	vmax.f32 v22, v21;
	v21 =	vmul.f32 $2.000000030e-01, v20  }
0x205: {  	v19 =	vld [tilespmem:s12+$0x180];
	(erf) = vpow2.f32 v15;
	v15 =	vmul.f32 $2.000000030e-01, v13  }
0x206: {  	v22 =	vld [tilespmem:s12+$0x190];
	v23 =	vpop (erf);
	v31 =	vmul.f32 $1.442695020e+00, v11;
	(erf) = vpow2.f32 v18  }
0x207: {  	v11 =	vld [tilespmem:s12+$0xFFFFFF30];
	v20 =	vmax.f32 v20, v21;
	v18 =	vperm.xlane v23, v3;
	(erf) = vpow2.f32 v14  }
0x208: {  	v21 =	vld [tilespmem:s12+$0x1A0];
	v25 =	vperm.xlane v23, v4;
	v20 =	vmul.f32 $1.442695020e+00, v20  }
0x209: {  	[tilespmem:s12+$0x1F0] =	vst v23;
	v15 =	vmax.f32 v13, v15;
	v13 =	vld [tilespmem:s12+$0xFFFFFE30];
	v27 =	vperm.xlane v23, v5;
	v23 =	vperm.xlane v23, v6  }
0x20a: {  	v14 =	vld [tilespmem:s12+$0x100];
	v26 =	vmul.f32 $1.442695020e+00, v15;
	(erf) = vpow2.f32 v20  }
0x20b: {  	v15 =	vld [tilespmem:s12+$0x30];
	v18 =	vmul.f32 v18, v19  }
0x20c: {  	v20 =	vmul.f32 v25, v22;
	v22 =	vld [tilespmem:s12+$0xFFFFFFB0];
	(erf) = vpow2.f32 v26  }
0x20d: {  	v26 =	vld [tilespmem:s12+$0xFFFFFF80];
	[tilespmem:s12+$0x180] =	vst v18;
	v32 =	vmul.f32 v27, v21;
	v21 =	vpop (erf)  }
0x20e: {  	v28 =	vmul.f32 v23, v24;
	v24 =	vld [tilespmem:s12+$0xFFFFFF90];
	[tilespmem:s12+$0x190] =	vst v20;
	(erf) = vpow2.f32 v31;
	v23 =	vpop (erf)  }
0x20f: {  	v19 =	vld [tilespmem:s12+$0x20];
	[tilespmem:s12+$0xFFFFFE70] =	vst v21;
	v25 =	vperm.xlane v21, v3;
	v30 =	vperm.xlane v23, v3  }
0x210: {  	s30 =	simm.s32 $0x17B80;
	s8 =	simm.s32 $0x0;
	v20 =	vld [tilespmem:s12+$0xFFFFFE20];
	[tilespmem:s12+$0x1A0] =	vst v32;
	v29 =	vperm.xlane v23, v6;
	v27 =	vperm.xlane v23, v5;
	v18 =	vpop (erf)  }
.LBB2_24:
0x211: {  	v31 =	vld [tilespmem:s30+$0xFFFFFFA0];
	s8 =	sadd.s32 $0x8, s8;
	[tilespmem:s12+$0xFFFFFFF0] =	vst v23;
	v32 =	vperm.xlane v23, v4;
	v23 =	vperm.xlane v18, v5;
	s13 =	sadd.s32 $0x400, s13;
	v33 =	vpop (erf)  }
0x212: {  	v29 =	vmul.f32 v29, v22;
	p0 =	slt.u32 s8, $0x38;
	v26 =	vmul.f32 v30, v26;
	v30 =	vld [tilespmem:s12+$0x0];
	[tilespmem:s12+$0x1B0] =	vst v28  }
0x213: {  	v28 =	vperm.xlane v21, v5;
	v24 =	vmul.f32 v32, v24;
	v32 =	vld [tilespmem:s12+$0x10];
	v34 =	vpop (erf)  }
0x214: {  	v36 =	vperm.xlane v21, v4;
	v35 =	vld [tilespmem:s12+$0xFFFFFE10];
	[tilespmem:s12+$0xFFFFFF80] =	vst v26;
	v26 =	vperm.xlane v34, v3  }
0x215: {  	v38 =	vperm.xlane v33, v3;
	v39 =	vperm.xlane v34, v5;
	[tilespmem:s12+$0xFFFFFF70] =	vst v33;
	v37 =	vld [tilespmem:s12+$0xFFFFFF00];
	v40 =	vpop (erf)  }
0x216: {  	v42 =	vperm.xlane v18, v3;
	v27 =	vmul.f32 v27, v9;
	v41 =	vld [tilespmem:s12+$0xFFFFFE00];
	[tilespmem:s12+$0x170] =	vst v18;
	v9 =	vmov v31  }
0x217: {  	v22 =	vperm.xlane v33, v4;
	v31 =	vperm.xlane v40, v4;
	[tilespmem:s12+$0xF0] =	vst v40;
	v43 =	vld [tilespmem:s12+$0xB0]  }
0x218: {  	v45 =	vperm.xlane v33, v5;
	v44 =	vld [tilespmem:s12+$0xFFFFFF20];
	[tilespmem:s12+$0xFFFFFFA0] =	vst v27;
	v27 =	vperm.xlane v40, v5  }
0x219: {  	v46 =	vld [tilespmem:s30+$0x1C0];
	v35 =	vmul.f32 v36, v35;
	[tilespmem:s12+$0xFFFFFF90] =	vst v24;
	v36 =	vperm.xlane v40, v6;
	v24 =	vpop (erf)  }
0x21a: {  	v33 =	vperm.xlane v33, v6;
	v16 =	vmul.f32 v31, v16;
	v47 =	vld [tilespmem:s13+$0x180];
	[tilespmem:s12+$0xFFFFFFB0] =	vst v29  }
0x21b: {  	v17 =	vmul.f32 v27, v17;
	v29 =	vld [tilespmem:s30+$0xC0];
	v25 =	vmul.f32 v25, v41;
	[tilespmem:s12+$0x70] =	vst v34  }
0x21c: {  	v21 =	vperm.xlane v21, v6;
	v31 =	vperm.xlane v34, v4;
	v27 =	vld [tilespmem:s30+$0x140];
	[tilespmem:s12+$0xFFFFFEF0] =	vst v24  }
0x21d: {  	v41 =	vld [tilespmem:s13+$0x100];
	v44 =	vmul.f32 v45, v44;
	[tilespmem:s12+$0xA0] =	vst v17;
	v17 =	vmul.f32 v36, v43  }
0x21e: {  	v37 =	vmul.f32 v38, v37;
	v31 =	vmul.f32 v31, v32;
	v36 =	vld [tilespmem:s13+$0x80];
	[tilespmem:s12+$0x90] =	vst v16  }
0x21f: {  	v26 =	vmul.f32 v26, v30;
	v16 =	vld [tilespmem:s30+$0xFFFFFF40];
	v32 =	vperm.xlane v47, v2;
	[tilespmem:s12+$0xB0] =	vst v17  }
0x220: {  	v30 =	vperm.xlane v24, v3;
	v17 =	vld [tilespmem:s30+$0xFFFFFFC0];
	[tilespmem:s12+$0x10] =	vst v31;
	v31 =	vperm.xlane v40, v3  }
0x221: {  	v34 =	vperm.xlane v34, v6;
	v38 =	vld [tilespmem:s30+$0x40];
	v32 =	vadd.f32 v32, v46;
	[tilespmem:s12+$0xFFFFFE00] =	vst v25;
	v25 =	vperm.xlane v24, v5  }
0x222: {  	v40 =	vld [tilespmem:s13+$0x0];
	v41 =	vperm.xlane v41, v2;
	[tilespmem:s12+$0xFFFFFF00] =	vst v37;
	v12 =	vmul.f32 v31, v12  }
0x223: {  	v19 =	vmul.f32 v39, v19;
	v31 =	vld [tilespmem:s13+$0xFFFFFF80];
	v36 =	vperm.xlane v36, v2;
	[tilespmem:s12+$0x0] =	vst v26  }
0x224: {  	v20 =	vmul.f32 v28, v20;
	v37 =	vmul.f32 $2.000000030e-01, v32;
	v26 =	vld [tilespmem:s13+$0xFFFFFF00];
	v27 =	vadd.f32 v41, v27;
	[tilespmem:s12+$0x80] =	vst v12  }
0x225: {  	v14 =	vmul.f32 v42, v14;
	v15 =	vmul.f32 v34, v15;
	v12 =	vld [tilespmem:s13+$0xFFFFFE80];
	v28 =	vadd.f32 v36, v29;
	[tilespmem:s12+$0xFFFFFF20] =	vst v44  }
0x226: {  	v13 =	vmul.f32 v21, v13;
	v32 =	vmax.f32 v32, v37;
	v29 =	vld [tilespmem:s13+$0xFFFFFE00];
	v34 =	vmul.f32 $2.000000030e-01, v27;
	[tilespmem:s12+$0xFFFFFE20] =	vst v20  }
0x227: {  	v11 =	vmul.f32 v33, v11;
	v20 =	vld [tilespmem:s30+$0xFFFFFEC0];
	v21 =	vperm.xlane v40, v2;
	[tilespmem:s12+$0x30] =	vst v15  }
0x228: {  	v33 =	vperm.xlane v18, v6;
	v15 =	vld [tilespmem:s30+$0xFFFFFE40];
	v31 =	vperm.xlane v31, v2;
	v27 =	vmax.f32 v27, v34;
	[tilespmem:s12+$0xFFFFFE10] =	vst v35  }
0x229: {  	v26 =	vperm.xlane v26, v2;
	v21 =	vadd.f32 v21, v38;
	[tilespmem:s12+$0x100] =	vst v14;
	v14 =	vperm.xlane v18, v4  }
0x22a: {  	v10 =	vmul.f32 v23, v10;
	v12 =	vperm.xlane v12, v2;
	v17 =	vadd.f32 v31, v17;
	[tilespmem:s12+$0xFFFFFF30] =	vst v11;
	v11 =	vld [tilespmem:s12+$0x130]  }
0x22b: {  	v8 =	vmul.f32 v30, v8;
	v18 =	vperm.xlane v29, v2;
	v16 =	vadd.f32 v26, v16;
	[tilespmem:s12+$0xFFFFFE30] =	vst v13;
	v13 =	vld [tilespmem:s12+$0xFFFFFEB0]  }
0x22c: {  	v23 =	vmul.f32 $1.442695020e+00, v32;
	v12 =	vadd.f32 v12, v20;
	v20 =	vmul.f32 $2.000000030e-01, v17;
	v26 =	vld [tilespmem:s12+$0xFFFFFE90];
	[tilespmem:s12+$0x20] =	vst v19  }
0x22d: {  	v14 =	vmul.f32 v14, v7;
	v15 =	vadd.f32 v18, v15;
	v18 =	vmul.f32 $2.000000030e-01, v16;
	v19 =	vld [tilespmem:s12+$0xFFFFFEA0];
	[tilespmem:s12+$0x120] =	vst v10  }
0x22e: {  	v10 =	vmul.f32 $2.000000030e-01, v12;
	v20 =	vmax.f32 v17, v20;
	(erf) = vpow2.f32 v23;
	[tilespmem:s12+$0xFFFFFE80] =	vst v8;
	v23 =	vld [tilespmem:s12+$0xFFFFFF10]  }
0x22f: {  	v17 =	vmul.f32 $2.000000030e-01, v15;
	v16 =	vmax.f32 v16, v18;
	v7 =	vld [tilespmem:s30+$0x110];
	[tilespmem:s12+$0x110] =	vst v14;
	v11 =	vmul.f32 v33, v11  }
0x230: {  	v18 =	vperm.xlane v24, v6;
	v10 =	vmax.f32 v12, v10;
	v8 =	vld [tilespmem:s30+$0xFFFFFE80];
	v14 =	vmul.f32 $1.442695020e+00, v16  }
0x231: {  	v12 =	vmax.f32 v15, v17;
	v31 =	vmul.f32 $1.442695020e+00, v10;
	v10 =	vld [tilespmem:s30+$0x120];
	v15 =	vperm.xlane v24, v4;
	[tilespmem:s12+$0x130] =	vst v11  }
0x232: {  	v24 =	vmul.f32 $1.442695020e+00, v12;
	v16 =	vld [tilespmem:s30+$0x90];
	v11 =	vmul.f32 v25, v19  }
0x233: {  	v19 =	vmul.f32 $1.442695020e+00, v27;
	v17 =	vld [tilespmem:s30+$0xA0];
	v22 =	vmul.f32 v22, v23  }
0x234: {  	v20 =	vmul.f32 $1.442695020e+00, v20;
	v15 =	vmul.f32 v15, v26;
	v12 =	vld [tilespmem:s30+$0x80];
	[tilespmem:s12+$0xFFFFFEA0] =	vst v11  }
0x235: {  	v13 =	vmul.f32 v18, v13;
	v11 =	vld [tilespmem:s30+$0xFFFFFF30];
	(erf) = vpow2.f32 v24;
	[tilespmem:s12+$0xFFFFFF10] =	vst v22  }
0x236: {  	v18 =	vmul.f32 $2.000000030e-01, v21;
	v23 =	vld [tilespmem:s30+$0x180];
	(erf) = vpow2.f32 v20;
	[tilespmem:s12+$0xFFFFFE90] =	vst v15  }
0x237: {  	v15 =	vmul.f32 $2.000000030e-01, v28;
	v20 =	vld [tilespmem:s30+$0x190];
	v22 =	vpop (erf);
	[tilespmem:s12+$0xFFFFFEB0] =	vst v13;
	s12 =	smov.u32 s30  }
0x238: {  	v13 =	vmax.f32 v21, v18;
	[tilespmem:s30+$0x1F0] =	vst v22;
	v18 =	vperm.xlane v22, v3;
	v21 =	vld [tilespmem:s30+$0x1A0];
	(erf) = vpow2.f32 v19  }
0x239: {  	v19 =	vmul.f32 $1.442695020e+00, v13;
	v15 =	vmax.f32 v28, v15;
	v24 =	vld [tilespmem:s30+$0x1B0];
	(erf) = vpow2.f32 v14  }
0x23a: {  	v26 =	vperm.xlane v22, v4;
	v25 =	vmul.f32 $1.442695020e+00, v15;
	v13 =	vld [tilespmem:s30+$0xFFFFFE30]  }
0x23b: {  	v27 =	vperm.xlane v22, v5;
	v14 =	vld [tilespmem:s30+$0x100];
	(erf) = vpow2.f32 v19  }
0x23c: {  	v15 =	vld [tilespmem:s30+$0x30];
	v19 =	vmul.f32 v26, v20;
	v20 =	vperm.xlane v22, v6  }
.Ltmp12:
0x23d: {  	v22 =	vld [tilespmem:s30+$0xFFFFFFB0];
	v32 =	vmul.f32 v27, v21;
	(erf) = vpow2.f32 v25;
	(pc) =	sbr.rel @p0 .LBB2_24-.Ltmp12, $4  }
0x23e: {  	v33 =	vmul.f32 v18, v23;
	v26 =	vld [tilespmem:s30+$0xFFFFFF80];
	[tilespmem:s30+$0x190] =	vst v19;
	v28 =	vmul.f32 v20, v24;
	v21 =	vpop (erf)  }
0x23f: {  	[tilespmem:s30+$0xFFFFFE70] =	vst v21;
	v25 =	vperm.xlane v21, v3;
	v24 =	vld [tilespmem:s30+$0xFFFFFF90];
	v23 =	vpop (erf)  }
0x240: {  	v20 =	vld [tilespmem:s30+$0xFFFFFE20];
	v30 =	vperm.xlane v23, v3;
	v29 =	vperm.xlane v23, v6;
	[tilespmem:s30+$0x180] =	vst v33  }
0x241: {  	v27 =	vperm.xlane v23, v5;
	s30 =	sadd.s32 $0x400, s30;
	v19 =	vld [tilespmem:s12+$0x20];
	[tilespmem:s12+$0x1A0] =	vst v32;
	(erf) = vpow2.f32 v31;
	v18 =	vpop (erf)  }
0x242: {  	[tilespmem:s12+$0xFFFFFFF0] =	vst v23  }
0x243: {  	[tilespmem:s12+$0x1B0] =	vst v28;
	v26 =	vmul.f32 v30, v26  }
0x244: {  	v28 =	vpop (erf);
	v23 =	vperm.xlane v23, v4;
	[tilespmem:s12+$0x170] =	vst v18;
	v22 =	vmul.f32 v29, v22  }
0x245: {  	[tilespmem:s12+$0xFFFFFF70] =	vst v28  }
0x246: {  	v23 =	vmul.f32 v23, v24;
	[tilespmem:s12+$0xFFFFFFB0] =	vst v22  }
0x247: {  	v9 =	vmul.f32 v27, v9;
	v24 =	vld [tilespmem:s12+$0xB0];
	[tilespmem:s12+$0xFFFFFF80] =	vst v26;
	v26 =	vpop (erf)  }
0x248: {  	[tilespmem:s12+$0xFFFFFF90] =	vst v23;
	v23 =	vld [tilespmem:s12+$0xFFFFFE00];
	v30 =	vpop (erf)  }
0x249: {  	[tilespmem:s12+$0xFFFFFFA0] =	vst v9;
	v9 =	vld [tilespmem:s12+$0x10];
	v29 =	vperm.xlane v30, v5  }
0x24a: {  	[tilespmem:s12+$0x70] =	vst v26;
	v31 =	vperm.xlane v30, v4  }
0x24b: {  	v22 =	vld [tilespmem:s12+$0xFFFFFF00];
	[tilespmem:s12+$0xF0] =	vst v30;
	v32 =	vperm.xlane v30, v6;
	v33 =	vpop (erf);
	v17 =	vmul.f32 v29, v17  }
0x24c: {  	v27 =	vld [tilespmem:s12+$0x0];
	v16 =	vmul.f32 v31, v16;
	[tilespmem:s12+$0xFFFFFEF0] =	vst v33;
	v29 =	vperm.xlane v26, v4  }
0x24d: {  	v23 =	vmul.f32 v25, v23;
	[tilespmem:s12+$0xA0] =	vst v17;
	v17 =	vmul.f32 v32, v24  }
0x24e: {  	v31 =	vld [tilespmem:s12+$0xFFFFFF20];
	v24 =	vperm.xlane v28, v3;
	v9 =	vmul.f32 v29, v9;
	[tilespmem:s12+$0x90] =	vst v16  }
0x24f: {  	v16 =	vperm.xlane v26, v3;
	[tilespmem:s12+$0xFFFFFE00] =	vst v23;
	v23 =	vperm.xlane v21, v5  }
0x250: {  	v22 =	vmul.f32 v24, v22;
	[tilespmem:s12+$0x10] =	vst v9;
	v9 =	vperm.xlane v30, v3  }
0x251: {  	[tilespmem:s12+$0xB0] =	vst v17;
	v24 =	vperm.xlane v28, v5;
	v16 =	vmul.f32 v16, v27  }
0x252: {  	v17 =	vld [tilespmem:s12+$0xFFFFFE10];
	v20 =	vmul.f32 v23, v20;
	[tilespmem:s12+$0xFFFFFF00] =	vst v22;
	v9 =	vmul.f32 v9, v12  }
0x253: {  	v12 =	vmul.f32 v24, v31;
	v22 =	vperm.xlane v26, v6;
	[tilespmem:s12+$0x0] =	vst v16  }
0x254: {  	v16 =	vperm.xlane v18, v3;
	[tilespmem:s12+$0x80] =	vst v9;
	v9 =	vperm.xlane v21, v4  }
0x255: {  	[tilespmem:s12+$0xFFFFFF20] =	vst v12;
	v12 =	vmul.f32 v22, v15;
	v15 =	vperm.xlane v28, v6  }
0x256: {  	[tilespmem:s12+$0xFFFFFE20] =	vst v20;
	v14 =	vmul.f32 v16, v14;
	v16 =	vperm.xlane v21, v6  }
0x257: {  	v9 =	vmul.f32 v9, v17;
	[tilespmem:s12+$0x30] =	vst v12;
	v12 =	vperm.xlane v26, v5  }
0x258: {  	v11 =	vmul.f32 v15, v11;
	[tilespmem:s12+$0x100] =	vst v14;
	v14 =	vperm.xlane v18, v5  }
0x259: {  	v13 =	vmul.f32 v16, v13;
	v15 =	vperm.xlane v33, v3;
	[tilespmem:s12+$0xFFFFFE10] =	vst v9;
	v9 =	vld [tilespmem:s12+$0x130]  }
0x25a: {  	v16 =	vperm.xlane v18, v4;
	v12 =	vmul.f32 v12, v19;
	[tilespmem:s12+$0xFFFFFF30] =	vst v11;
	v11 =	vld [tilespmem:s12+$0xFFFFFEA0]  }
0x25b: {  	v10 =	vmul.f32 v14, v10;
	[tilespmem:s12+$0xFFFFFE30] =	vst v13;
	v8 =	vmul.f32 v15, v8;
	v15 =	vld [tilespmem:s12+$0xFFFFFE90]  }
0x25c: {  	v13 =	vld [tilespmem:s12+$0xFFFFFF10];
	v14 =	vperm.xlane v18, v6;
	v7 =	vmul.f32 v16, v7;
	[tilespmem:s12+$0x20] =	vst v12  }
0x25d: {  	v17 =	vld [tilespmem:s12+$0xFFFFFEB0];
	v12 =	vperm.xlane v33, v5;
	[tilespmem:s12+$0xFFFFFE80] =	vst v8  }
0x25e: {  	[tilespmem:s12+$0x110] =	vst v7;
	v7 =	vperm.xlane v33, v4;
	v8 =	vmul.f32 v14, v9  }
0x25f: {  	[tilespmem:s12+$0x120] =	vst v10;
	v10 =	vperm.xlane v28, v4;
	v9 =	vmul.f32 v12, v11  }
0x260: {  	v11 =	vperm.xlane v33, v6;
	v7 =	vmul.f32 v7, v15;
	[tilespmem:s12+$0x130] =	vst v8  }
0x261: {  	v8 =	vmul.f32 v10, v13;
	[tilespmem:s12+$0xFFFFFEA0] =	vst v9  }
0x262: {  	s8 =	sshll.u32 s10, $0x8;
	v9 =	vmul.f32 v11, v17;
	[tilespmem:s12+$0xFFFFFE90] =	vst v7  }
0x263: {  	s8 =	sand.u32 $0x3FFFFF00, s8;
	[tilespmem:s12+$0xFFFFFF10] =	vst v8  }
0x264: {  	s8 =	sadd.s32 $0x17180, s8;
	[tilespmem:s12+$0xFFFFFEB0] =	vst v9  }
0x265: {  	[spmem:s2] =	stream.indirect.scatter.add.f32 [tilespmem:s20], [sflag:$0x3], $0x80, s8, s18, $0xb8;
	[tilespmem:$0x1F580] =	vst v63  }
0x266: {  	_ =	swait.ge [sflag:s26], $0x2000  }
0x267: {  	[sflag:s26] =	ssyncset.done $0x0  }
0x268: {  	[sflag:s26] =	ssyncadd.s32 $0xFFFFE000  }
0x269: {  	_ =	swait.ge [sflag:s26], $0x2000  }
0x26a: {  	[sflag:s26] =	ssyncset.done $0x0  }
0x26b: {  	[sflag:s26] =	ssyncadd.s32 $0xFFFFE000  }
0x26c: {  	p0 =	seq.s32 s10, $0x3;
	_ =	swait.ge [sflag:s28], $0x2000  }
0x26d: {  	s13 =	simm.s32 @!p0 $0x40;
	s8 =	sshll.u32 @!p0 s10, $0x8;
	[sflag:s28] =	ssyncset.done $0x0  }
0x26e: {  	s30 =	simm.s32 @!p0 $0x17580;
	s12 =	sadd.s32 @!p0 $0x16A80, s8;
	[sflag:s28] =	ssyncadd.s32 $0xFFFFE000  }
0x26f: {  	[tilespmem:s30], [sflag:$0x1] =	stream.indirect.gather @!p0 [hbm4b:s7+s13], $0x80, s12, s13, $0xb8;
	[tilespmem:$0x1F580] =	vst v63  }
0x270: {  	s8 =	sadd.s32 @!p0 $0x16E80, s8;
	s12 =	simm.s32 @!p0 $0x1B580  }
0x271: {  	[tilespmem:s12], [sflag:$0x1] =	stream.indirect.gather @!p0 [hbm4b:s7+s13], $0x80, s8, s13, $0xb8;
	[tilespmem:$0x1F580] =	vst v63  }
0x272: {  	s13 =	simm.s32 $0x1D7C0  }
0x273: {  	s12 =	simm.s32 $0x19780;
	v7 =	vld [tilespmem:s13+$0x180]  }
0x274: {  	v8 =	vld [tilespmem:s12+$0x1C0]  }
0x275: {  	v10 =	vld [tilespmem:s12+$0xC0]  }
0x276: {  	v11 =	vld [tilespmem:s12+$0x140]  }
0x277: {  	v12 =	vld [tilespmem:s13+$0x100]  }
0x278: {  	v13 =	vld [tilespmem:s13+$0x80]  }
0x279: {  	v16 =	vld [tilespmem:s13+$0xFFFFFF80];
	v7 =	vperm.xlane v7, v2  }
0x27a: {  	v18 =	vld [tilespmem:s12+$0xFFFFFE40]  }
0x27b: {  	v7 =	vadd.f32 v7, v8;
	v8 =	vld [tilespmem:s13+$0xFFFFFE00]  }
0x27c: {  	v19 =	vld [tilespmem:s13+$0xFFFFFF00]  }
0x27d: {  	v20 =	vld [tilespmem:s13+$0x0];
	v17 =	vmul.f32 $2.000000030e-01, v7  }
0x27e: {  	v15 =	vld [tilespmem:s12+$0xFFFFFFC0]  }
0x27f: {  	v12 =	vperm.xlane v12, v2;
	v7 =	vmax.f32 v7, v17;
	v17 =	vld [tilespmem:s13+$0xFFFFFE80]  }
0x280: {  	v14 =	vld [tilespmem:s12+$0xFFFFFF40];
	v16 =	vperm.xlane v16, v2;
	v8 =	vperm.xlane v8, v2  }
0x281: {  	v13 =	vperm.xlane v13, v2;
	v11 =	vadd.f32 v12, v11;
	v12 =	vld [tilespmem:s12+$0xFFFFFEC0];
	v7 =	vmul.f32 $1.442695020e+00, v7  }
0x282: {  	v9 =	vld [tilespmem:s12+$0xFFFFFFA0];
	v19 =	vperm.xlane v19, v2;
	v20 =	vperm.xlane v20, v2;
	v18 =	vadd.f32 v8, v18  }
0x283: {  	v21 =	vld [tilespmem:s12+$0x40];
	v15 =	vadd.f32 v16, v15;
	v22 =	vmul.f32 $2.000000030e-01, v11;
	(erf) = vpow2.f32 v7  }
0x284: {  	v24 =	vld [tilespmem:s12+$0x1B0];
	v16 =	vperm.xlane v17, v2;
	v17 =	vmul.f32 $2.000000030e-01, v18  }
0x285: {  	v13 =	vadd.f32 v13, v10;
	v14 =	vadd.f32 v19, v14;
	v10 =	vld [tilespmem:s12+$0x120];
	v19 =	vmul.f32 $2.000000030e-01, v15  }
0x286: {  	v11 =	vmax.f32 v11, v22;
	v7 =	vld [tilespmem:s12+$0x110];
	v22 =	vadd.f32 v16, v12;
	v12 =	vmax.f32 v18, v17  }
0x287: {  	v15 =	vmax.f32 v15, v19;
	v8 =	vld [tilespmem:s12+$0xFFFFFE80];
	v18 =	vmul.f32 $2.000000030e-01, v14;
	v19 =	vmul.f32 $1.442695020e+00, v12  }
0x288: {  	v20 =	vadd.f32 v20, v21;
	v15 =	vmul.f32 $1.442695020e+00, v15;
	v16 =	vld [tilespmem:s12+$0x90];
	v21 =	vmul.f32 $2.000000030e-01, v22  }
0x289: {  	v17 =	vld [tilespmem:s12+$0xA0];
	v14 =	vmax.f32 v14, v18;
	v18 =	vmul.f32 $1.442695020e+00, v11;
	(erf) = vpow2.f32 v19  }
0x28a: {  	v12 =	vld [tilespmem:s12+$0x80];
	v14 =	vmul.f32 $1.442695020e+00, v14;
	v11 =	vmax.f32 v22, v21;
	v21 =	vmul.f32 $2.000000030e-01, v20  }
0x28b: {  	v19 =	vld [tilespmem:s12+$0x180];
	(erf) = vpow2.f32 v15;
	v15 =	vmul.f32 $2.000000030e-01, v13  }
0x28c: {  	v22 =	vld [tilespmem:s12+$0x190];
	v23 =	vpop (erf);
	v31 =	vmul.f32 $1.442695020e+00, v11;
	(erf) = vpow2.f32 v18  }
0x28d: {  	v11 =	vld [tilespmem:s12+$0xFFFFFF30];
	v20 =	vmax.f32 v20, v21;
	v18 =	vperm.xlane v23, v3;
	(erf) = vpow2.f32 v14  }
0x28e: {  	v21 =	vld [tilespmem:s12+$0x1A0];
	v25 =	vperm.xlane v23, v4;
	v20 =	vmul.f32 $1.442695020e+00, v20  }
0x28f: {  	[tilespmem:s12+$0x1F0] =	vst v23;
	v15 =	vmax.f32 v13, v15;
	v13 =	vld [tilespmem:s12+$0xFFFFFE30];
	v27 =	vperm.xlane v23, v5;
	v23 =	vperm.xlane v23, v6  }
0x290: {  	v14 =	vld [tilespmem:s12+$0x100];
	v26 =	vmul.f32 $1.442695020e+00, v15;
	(erf) = vpow2.f32 v20  }
0x291: {  	v15 =	vld [tilespmem:s12+$0x30];
	v18 =	vmul.f32 v18, v19  }
0x292: {  	v20 =	vmul.f32 v25, v22;
	v22 =	vld [tilespmem:s12+$0xFFFFFFB0];
	(erf) = vpow2.f32 v26  }
0x293: {  	v26 =	vld [tilespmem:s12+$0xFFFFFF80];
	[tilespmem:s12+$0x180] =	vst v18;
	v63 =	vmul.f32 v27, v21;
	v21 =	vpop (erf)  }
0x294: {  	v28 =	vmul.f32 v23, v24;
	v24 =	vld [tilespmem:s12+$0xFFFFFF90];
	[tilespmem:s12+$0x190] =	vst v20;
	(erf) = vpow2.f32 v31;
	v23 =	vpop (erf)  }
0x295: {  	v19 =	vld [tilespmem:s12+$0x20];
	[tilespmem:s12+$0xFFFFFE70] =	vst v21;
	v25 =	vperm.xlane v21, v3;
	v30 =	vperm.xlane v23, v3  }
0x296: {  	s30 =	simm.s32 $0x19B80;
	s8 =	simm.s32 $0x0;
	v20 =	vld [tilespmem:s12+$0xFFFFFE20];
	[tilespmem:s12+$0x1A0] =	vst v63;
	v29 =	vperm.xlane v23, v6;
	v27 =	vperm.xlane v23, v5;
	v18 =	vpop (erf)  }
.LBB2_26:
0x297: {  	v31 =	vld [tilespmem:s30+$0xFFFFFFA0];
	s8 =	sadd.s32 $0x8, s8;
	[tilespmem:s12+$0xFFFFFFF0] =	vst v23;
	v32 =	vperm.xlane v23, v4;
	v23 =	vperm.xlane v18, v5;
	s13 =	sadd.s32 $0x400, s13;
	v33 =	vpop (erf)  }
0x298: {  	v29 =	vmul.f32 v29, v22;
	p0 =	slt.u32 s8, $0x38;
	v26 =	vmul.f32 v30, v26;
	v30 =	vld [tilespmem:s12+$0x0];
	[tilespmem:s12+$0x1B0] =	vst v28  }
0x299: {  	v28 =	vperm.xlane v21, v5;
	v24 =	vmul.f32 v32, v24;
	v32 =	vld [tilespmem:s12+$0x10];
	v34 =	vpop (erf)  }
0x29a: {  	v36 =	vperm.xlane v21, v4;
	v35 =	vld [tilespmem:s12+$0xFFFFFE10];
	[tilespmem:s12+$0xFFFFFF80] =	vst v26;
	v26 =	vperm.xlane v34, v3  }
0x29b: {  	v38 =	vperm.xlane v33, v3;
	v39 =	vperm.xlane v34, v5;
	[tilespmem:s12+$0xFFFFFF70] =	vst v33;
	v37 =	vld [tilespmem:s12+$0xFFFFFF00];
	v40 =	vpop (erf)  }
0x29c: {  	v42 =	vperm.xlane v18, v3;
	v27 =	vmul.f32 v27, v9;
	v41 =	vld [tilespmem:s12+$0xFFFFFE00];
	[tilespmem:s12+$0x170] =	vst v18;
	v9 =	vmov v31  }
0x29d: {  	v22 =	vperm.xlane v33, v4;
	v31 =	vperm.xlane v40, v4;
	[tilespmem:s12+$0xF0] =	vst v40;
	v43 =	vld [tilespmem:s12+$0xB0]  }
0x29e: {  	v45 =	vperm.xlane v33, v5;
	v44 =	vld [tilespmem:s12+$0xFFFFFF20];
	[tilespmem:s12+$0xFFFFFFA0] =	vst v27;
	v27 =	vperm.xlane v40, v5  }
0x29f: {  	v46 =	vld [tilespmem:s30+$0x1C0];
	v35 =	vmul.f32 v36, v35;
	[tilespmem:s12+$0xFFFFFF90] =	vst v24;
	v36 =	vperm.xlane v40, v6;
	v24 =	vpop (erf)  }
0x2a0: {  	v33 =	vperm.xlane v33, v6;
	v16 =	vmul.f32 v31, v16;
	v47 =	vld [tilespmem:s13+$0x180];
	[tilespmem:s12+$0xFFFFFFB0] =	vst v29  }
0x2a1: {  	v17 =	vmul.f32 v27, v17;
	v29 =	vld [tilespmem:s30+$0xC0];
	v25 =	vmul.f32 v25, v41;
	[tilespmem:s12+$0x70] =	vst v34  }
0x2a2: {  	v21 =	vperm.xlane v21, v6;
	v31 =	vperm.xlane v34, v4;
	v27 =	vld [tilespmem:s30+$0x140];
	[tilespmem:s12+$0xFFFFFEF0] =	vst v24  }
0x2a3: {  	v41 =	vld [tilespmem:s13+$0x100];
	v44 =	vmul.f32 v45, v44;
	[tilespmem:s12+$0xA0] =	vst v17;
	v17 =	vmul.f32 v36, v43  }
0x2a4: {  	v37 =	vmul.f32 v38, v37;
	v31 =	vmul.f32 v31, v32;
	v36 =	vld [tilespmem:s13+$0x80];
	[tilespmem:s12+$0x90] =	vst v16  }
0x2a5: {  	v26 =	vmul.f32 v26, v30;
	v16 =	vld [tilespmem:s30+$0xFFFFFF40];
	v32 =	vperm.xlane v47, v2;
	[tilespmem:s12+$0xB0] =	vst v17  }
0x2a6: {  	v30 =	vperm.xlane v24, v3;
	v17 =	vld [tilespmem:s30+$0xFFFFFFC0];
	[tilespmem:s12+$0x10] =	vst v31;
	v31 =	vperm.xlane v40, v3  }
0x2a7: {  	v34 =	vperm.xlane v34, v6;
	v38 =	vld [tilespmem:s30+$0x40];
	v32 =	vadd.f32 v32, v46;
	[tilespmem:s12+$0xFFFFFE00] =	vst v25;
	v25 =	vperm.xlane v24, v5  }
0x2a8: {  	v40 =	vld [tilespmem:s13+$0x0];
	v41 =	vperm.xlane v41, v2;
	[tilespmem:s12+$0xFFFFFF00] =	vst v37;
	v12 =	vmul.f32 v31, v12  }
0x2a9: {  	v19 =	vmul.f32 v39, v19;
	v31 =	vld [tilespmem:s13+$0xFFFFFF80];
	v36 =	vperm.xlane v36, v2;
	[tilespmem:s12+$0x0] =	vst v26  }
0x2aa: {  	v20 =	vmul.f32 v28, v20;
	v37 =	vmul.f32 $2.000000030e-01, v32;
	v26 =	vld [tilespmem:s13+$0xFFFFFF00];
	v27 =	vadd.f32 v41, v27;
	[tilespmem:s12+$0x80] =	vst v12  }
0x2ab: {  	v14 =	vmul.f32 v42, v14;
	v15 =	vmul.f32 v34, v15;
	v12 =	vld [tilespmem:s13+$0xFFFFFE80];
	v28 =	vadd.f32 v36, v29;
	[tilespmem:s12+$0xFFFFFF20] =	vst v44  }
0x2ac: {  	v13 =	vmul.f32 v21, v13;
	v32 =	vmax.f32 v32, v37;
	v29 =	vld [tilespmem:s13+$0xFFFFFE00];
	v34 =	vmul.f32 $2.000000030e-01, v27;
	[tilespmem:s12+$0xFFFFFE20] =	vst v20  }
0x2ad: {  	v11 =	vmul.f32 v33, v11;
	v20 =	vld [tilespmem:s30+$0xFFFFFEC0];
	v21 =	vperm.xlane v40, v2;
	[tilespmem:s12+$0x30] =	vst v15  }
0x2ae: {  	v33 =	vperm.xlane v18, v6;
	v15 =	vld [tilespmem:s30+$0xFFFFFE40];
	v31 =	vperm.xlane v31, v2;
	v27 =	vmax.f32 v27, v34;
	[tilespmem:s12+$0xFFFFFE10] =	vst v35  }
0x2af: {  	v26 =	vperm.xlane v26, v2;
	v21 =	vadd.f32 v21, v38;
	[tilespmem:s12+$0x100] =	vst v14;
	v14 =	vperm.xlane v18, v4  }
0x2b0: {  	v10 =	vmul.f32 v23, v10;
	v12 =	vperm.xlane v12, v2;
	v17 =	vadd.f32 v31, v17;
	[tilespmem:s12+$0xFFFFFF30] =	vst v11;
	v11 =	vld [tilespmem:s12+$0x130]  }
0x2b1: {  	v8 =	vmul.f32 v30, v8;
	v18 =	vperm.xlane v29, v2;
	v16 =	vadd.f32 v26, v16;
	[tilespmem:s12+$0xFFFFFE30] =	vst v13;
	v13 =	vld [tilespmem:s12+$0xFFFFFEB0]  }
0x2b2: {  	v23 =	vmul.f32 $1.442695020e+00, v32;
	v12 =	vadd.f32 v12, v20;
	v20 =	vmul.f32 $2.000000030e-01, v17;
	v26 =	vld [tilespmem:s12+$0xFFFFFE90];
	[tilespmem:s12+$0x20] =	vst v19  }
0x2b3: {  	v14 =	vmul.f32 v14, v7;
	v15 =	vadd.f32 v18, v15;
	v18 =	vmul.f32 $2.000000030e-01, v16;
	v19 =	vld [tilespmem:s12+$0xFFFFFEA0];
	[tilespmem:s12+$0x120] =	vst v10  }
0x2b4: {  	v10 =	vmul.f32 $2.000000030e-01, v12;
	v20 =	vmax.f32 v17, v20;
	(erf) = vpow2.f32 v23;
	[tilespmem:s12+$0xFFFFFE80] =	vst v8;
	v23 =	vld [tilespmem:s12+$0xFFFFFF10]  }
0x2b5: {  	v17 =	vmul.f32 $2.000000030e-01, v15;
	v16 =	vmax.f32 v16, v18;
	v7 =	vld [tilespmem:s30+$0x110];
	[tilespmem:s12+$0x110] =	vst v14;
	v11 =	vmul.f32 v33, v11  }
0x2b6: {  	v18 =	vperm.xlane v24, v6;
	v10 =	vmax.f32 v12, v10;
	v8 =	vld [tilespmem:s30+$0xFFFFFE80];
	v14 =	vmul.f32 $1.442695020e+00, v16  }
0x2b7: {  	v12 =	vmax.f32 v15, v17;
	v31 =	vmul.f32 $1.442695020e+00, v10;
	v10 =	vld [tilespmem:s30+$0x120];
	v15 =	vperm.xlane v24, v4;
	[tilespmem:s12+$0x130] =	vst v11  }
0x2b8: {  	v24 =	vmul.f32 $1.442695020e+00, v12;
	v16 =	vld [tilespmem:s30+$0x90];
	v11 =	vmul.f32 v25, v19  }
0x2b9: {  	v19 =	vmul.f32 $1.442695020e+00, v27;
	v17 =	vld [tilespmem:s30+$0xA0];
	v22 =	vmul.f32 v22, v23  }
0x2ba: {  	v20 =	vmul.f32 $1.442695020e+00, v20;
	v15 =	vmul.f32 v15, v26;
	v12 =	vld [tilespmem:s30+$0x80];
	[tilespmem:s12+$0xFFFFFEA0] =	vst v11  }
0x2bb: {  	v13 =	vmul.f32 v18, v13;
	v11 =	vld [tilespmem:s30+$0xFFFFFF30];
	(erf) = vpow2.f32 v24;
	[tilespmem:s12+$0xFFFFFF10] =	vst v22  }
0x2bc: {  	v18 =	vmul.f32 $2.000000030e-01, v21;
	v23 =	vld [tilespmem:s30+$0x180];
	(erf) = vpow2.f32 v20;
	[tilespmem:s12+$0xFFFFFE90] =	vst v15  }
0x2bd: {  	v15 =	vmul.f32 $2.000000030e-01, v28;
	v20 =	vld [tilespmem:s30+$0x190];
	v22 =	vpop (erf);
	[tilespmem:s12+$0xFFFFFEB0] =	vst v13;
	s12 =	smov.u32 s30  }
0x2be: {  	v13 =	vmax.f32 v21, v18;
	[tilespmem:s30+$0x1F0] =	vst v22;
	v18 =	vperm.xlane v22, v3;
	v21 =	vld [tilespmem:s30+$0x1A0];
	(erf) = vpow2.f32 v19  }
0x2bf: {  	v19 =	vmul.f32 $1.442695020e+00, v13;
	v15 =	vmax.f32 v28, v15;
	v24 =	vld [tilespmem:s30+$0x1B0];
	(erf) = vpow2.f32 v14  }
0x2c0: {  	v26 =	vperm.xlane v22, v4;
	v25 =	vmul.f32 $1.442695020e+00, v15;
	v13 =	vld [tilespmem:s30+$0xFFFFFE30]  }
0x2c1: {  	v27 =	vperm.xlane v22, v5;
	v14 =	vld [tilespmem:s30+$0x100];
	(erf) = vpow2.f32 v19  }
0x2c2: {  	v15 =	vld [tilespmem:s30+$0x30];
	v19 =	vmul.f32 v26, v20;
	v20 =	vperm.xlane v22, v6  }
.Ltmp13:
0x2c3: {  	v22 =	vld [tilespmem:s30+$0xFFFFFFB0];
	v32 =	vmul.f32 v27, v21;
	(erf) = vpow2.f32 v25;
	(pc) =	sbr.rel @p0 .LBB2_26-.Ltmp13, $4  }
0x2c4: {  	v33 =	vmul.f32 v18, v23;
	v26 =	vld [tilespmem:s30+$0xFFFFFF80];
	[tilespmem:s30+$0x190] =	vst v19;
	v28 =	vmul.f32 v20, v24;
	v21 =	vpop (erf)  }
0x2c5: {  	[tilespmem:s30+$0xFFFFFE70] =	vst v21;
	v25 =	vperm.xlane v21, v3;
	v24 =	vld [tilespmem:s30+$0xFFFFFF90];
	v23 =	vpop (erf)  }
0x2c6: {  	v20 =	vld [tilespmem:s30+$0xFFFFFE20];
	v30 =	vperm.xlane v23, v3;
	v29 =	vperm.xlane v23, v6;
	[tilespmem:s30+$0x180] =	vst v33  }
0x2c7: {  	v27 =	vperm.xlane v23, v5;
	s30 =	sadd.s32 $0x400, s30;
	v19 =	vld [tilespmem:s12+$0x20];
	[tilespmem:s12+$0x1A0] =	vst v32;
	(erf) = vpow2.f32 v31;
	v18 =	vpop (erf)  }
0x2c8: {  	[tilespmem:s12+$0xFFFFFFF0] =	vst v23  }
0x2c9: {  	[tilespmem:s12+$0x1B0] =	vst v28  }
0x2ca: {  	v28 =	vpop (erf);
	[tilespmem:s12+$0x170] =	vst v18;
	v22 =	vmul.f32 v29, v22  }
0x2cb: {  	v26 =	vmul.f32 v30, v26;
	[tilespmem:s12+$0xFFFFFF70] =	vst v28  }
0x2cc: {  	v54 =	vperm.xlane v23, v4;
	v9 =	vmul.f32 v27, v9;
	[tilespmem:s12+$0xFFFFFFB0] =	vst v22  }
0x2cd: {  	v44 =	vperm.xlane v18, v3;
	[tilespmem:s12+$0xFFFFFF80] =	vst v26  }
0x2ce: {  	v48 =	vperm.xlane v21, v6;
	v55 =	vpop (erf);
	v23 =	vmul.f32 v54, v24;
	[tilespmem:s12+$0xFFFFFFA0] =	vst v9  }
0x2cf: {  	v50 =	vperm.xlane v18, v5;
	v14 =	vmul.f32 v44, v14;
	[tilespmem:s12+$0x70] =	vst v55  }
0x2d0: {  	v13 =	vmul.f32 v48, v13;
	[tilespmem:s12+$0xFFFFFF90] =	vst v23  }
0x2d1: {  	v59 =	vld [tilespmem:s12+$0x10];
	v41 =	vperm.xlane v21, v5;
	v10 =	vmul.f32 v50, v10;
	[tilespmem:s12+$0x100] =	vst v14  }
0x2d2: {  	v61 =	vld [tilespmem:s12+$0xFFFFFE00];
	v47 =	vperm.xlane v28, v6;
	[tilespmem:s12+$0xFFFFFE30] =	vst v13  }
0x2d3: {  	v62 =	vld [tilespmem:s12+$0xFFFFFF00];
	v54 =	vperm.xlane v18, v4;
	v20 =	vmul.f32 v41, v20;
	v56 =	vpop (erf);
	[tilespmem:s12+$0x120] =	vst v10  }
0x2d4: {  	v36 =	vld [tilespmem:s12+$0xFFFFFF20];
	v63 =	vperm.xlane v55, v4;
	v11 =	vmul.f32 v47, v11;
	[tilespmem:s12+$0xF0] =	vst v56  }
0x2d5: {  	v7 =	vmul.f32 v54, v7;
	[tilespmem:s12+$0xFFFFFE20] =	vst v20  }
0x2d6: {  	v35 =	vperm.xlane v28, v3;
	v9 =	vmul.f32 v63, v59;
	[tilespmem:s12+$0xFFFFFF30] =	vst v11  }
0x2d7: {  	v40 =	vperm.xlane v28, v5;
	v23 =	vmul.f32 v25, v61;
	[tilespmem:s12+$0x110] =	vst v7  }
0x2d8: {  	v43 =	vperm.xlane v55, v6;
	v22 =	vmul.f32 v35, v62;
	[tilespmem:s12+$0x10] =	vst v9  }
0x2d9: {  	v58 =	vld [tilespmem:s12+$0xB0];
	v42 =	vmul.f32 v40, v36;
	[tilespmem:s12+$0xFFFFFE00] =	vst v23  }
0x2da: {  	v60 =	vperm.xlane v56, v5;
	v46 =	vmul.f32 v43, v15;
	[tilespmem:s12+$0xFFFFFF00] =	vst v22  }
0x2db: {  	v31 =	vperm.xlane v56, v4;
	[tilespmem:s12+$0xFFFFFF20] =	vst v42  }
0x2dc: {  	v57 =	vld [tilespmem:s12+$0x0];
	v32 =	vperm.xlane v56, v6;
	v17 =	vmul.f32 v60, v17;
	[tilespmem:s12+$0x30] =	vst v46;
	v33 =	vpop (erf)  }
0x2dd: {  	v38 =	vld [tilespmem:s12+$0xFFFFFE10];
	v39 =	vperm.xlane v56, v3;
	v16 =	vmul.f32 v31, v16;
	[tilespmem:s12+$0xFFFFFEF0] =	vst v33  }
0x2de: {  	v49 =	vperm.xlane v55, v5;
	v34 =	vmul.f32 v32, v58;
	[tilespmem:s12+$0xA0] =	vst v17  }
0x2df: {  	v53 =	vld [tilespmem:s12+$0xFFFFFEA0];
	v37 =	vperm.xlane v55, v3;
	v9 =	vmul.f32 v39, v12;
	[tilespmem:s12+$0x90] =	vst v16  }
0x2e0: {  	v45 =	vperm.xlane v21, v4;
	v59 =	vld [tilespmem:s12+$0xFFFFFEB0];
	v12 =	vmul.f32 v49, v19;
	[tilespmem:s12+$0xB0] =	vst v34  }
0x2e1: {  	v51 =	vld [tilespmem:s12+$0x130];
	v16 =	vmul.f32 v37, v57;
	[tilespmem:s12+$0x80] =	vst v9;
	v52 =	vperm.xlane v33, v3  }
0x2e2: {  	v9 =	vmul.f32 v45, v38;
	v57 =	vld [tilespmem:s12+$0xFFFFFE90];
	[tilespmem:s12+$0x20] =	vst v12;
	v58 =	vperm.xlane v33, v5  }
0x2e3: {  	v55 =	vld [tilespmem:s12+$0xFFFFFF10];
	v62 =	vperm.xlane v33, v6;
	[tilespmem:s12+$0x0] =	vst v16;
	v8 =	vmul.f32 v52, v8  }
0x2e4: {  	v56 =	vperm.xlane v18, v6;
	[tilespmem:s12+$0xFFFFFE10] =	vst v9;
	v61 =	vmul.f32 v58, v53  }
0x2e5: {  	s10 =	sadd.s32 $0x1, s10;
	v7 =	vperm.xlane v33, v4;
	v63 =	vmul.f32 v62, v59;
	[tilespmem:s12+$0xFFFFFE80] =	vst v8  }
0x2e6: {  	p0 =	sne.s32 s10, $0x4;
	v60 =	vperm.xlane v28, v4;
	v8 =	vmul.f32 v56, v51;
	[tilespmem:s12+$0xFFFFFEA0] =	vst v61  }
.Ltmp14:
0x2e7: {  	[tilespmem:s12+$0xFFFFFEB0] =	vst v63;
	v7 =	vmul.f32 v7, v57;
	(pc) =	sbr.rel @p0 .LBB2_23-.Ltmp14, $4  }
0x2e8: {  	[tilespmem:s12+$0x130] =	vst v8;
	v8 =	vmul.f32 v60, v55  }
0x2e9: {  	s8 =	sand.u32 $0x3FFFFF80, s11;
	[tilespmem:s12+$0xFFFFFE90] =	vst v7  }
0x2ea: {  	s8 =	sadd.s32 $0x17180, s8;
	[tilespmem:s12+$0xFFFFFF10] =	vst v8  }
0x2eb: {  	[spmem:s2] =	stream.indirect.scatter.add.f32 [tilespmem:s24], [sflag:$0x4], $0x80, s8, s18, $0xb8;
	[tilespmem:$0x1F580] =	vst v63  }
0x2ec: {  	s3 =	sadd.s32 $0x1, s3  }
0x2ed: {  	p0 =	sne.s32 s3, $0x14  }
.Ltmp15:
0x2ee: {  	_ = 	snop;
	(pc) =	sbr.rel @p0 .LBB2_20-.Ltmp15, $4  }
0x2ef: {  	_ = 	snop  }
0x2f0: {  	_ =	swait.ge [sflag:s29], $0x2000  }
0x2f1: {  	[sflag:s29] =	ssyncset.done $0x0  }
0x2f2: {  	[sflag:s29] =	ssyncadd.s32 $0xFFFFE000  }
0x2f3: {  	[bflag:$0x0] =	sbarrier.arrive $0xFFFF  }
0x2f4: {  	s0 =	rddreg [dreg:$0x7]  }
0x2f5: {  	s3 =	rddreg [dreg:$0x9]  }
0x2f6: {  	s8 =	rddreg [dreg:$0xa]  }
0x2f7: {  	[hbm:s0], [sflag:s3] =	dma.local [spmem:s8], $0x2780  }
0x2f8: {  	_ =	swait.ge [sflag:s15], $0x2780  }
0x2f9: {  	s4 =	sadd.s32 $0x1, s4;
	s31 =	rddreg [dreg:$0x8]  }
0x2fa: {  	p0 =	sne.s32 s4, s31  }
.Ltmp16:
0x2fb: {  	_ = 	snop;
	(pc) =	sbr.rel @p0 .LBB2_1-.Ltmp16, $3  }
0x2fc: {  	_ =	sdelay $0x1  }
0x2fd: {  	[sflag:s15] =	ssyncset.done $0x0  }
0x2fe: {  	[sflag:s15] =	ssyncadd.s32 $0xFFFFD880  }
0x2ff: {  	_ =	sfence.sel $0x180000  }
0x300: {  	[bflag:$0x0] =	sbarrier.arrive $0xFFFF  }
0x301: {  	_ =	strace $0x90000047  }
0x302: {  	s0 =	stileid.u32;
	[bflag:$0x2] =	sbarrier.arrive $0xFFFF  }
0x303: {  	p0 =	sne.s32 s0, $0x0;
	s0 =	rddreg [dreg:$0x3]  }
0x304: {  	s0 =	sadd.s32 @!p0 $0x100000, s0  }
0x305: {  	[sflag:s0] =	ssyncadd.tile.s32 @!p0 $0x1;
	_ =	shalt  }
.Lfunc_end2:
_tile_overlayer_lowered:
.L_overlay_start_2:
0x306: {  	(tag) =	ssettag $0x2  }
0x307: {  	s0 =	rddreg [dreg:$0x0];
	s2 =	stileid.u32  }
0x308: {  	s1 =	rddreg [dreg:$0x1];
	p0 =	sne.s32 s2, $0x0  }
0x309: {  	s3 =	rddreg [dreg:$0x2];
	[bflag:$0x3] =	sbarrier.arrive $0xFFFF;
	s2 =	simm.s32 @!p0 $0x1C05  }
0x30a: {  	[timem:s3], [sflag:s2] =	dma.local @!p0 [hbm:s0], s1  }
0x30b: {  	s0 =	simm.s32 @!p0 $0x5  }
0x30c: {  	_ =	swait.ge @!p0 [sflag:s0], s1  }
0x30d: {  	s1 =	ssub.s32 @!p0 $0x0, s1;
	[sflag:s0] =	ssyncset.done @!p0 $0x0  }
0x30e: {  	[sflag:s0] =	ssyncadd.s32 @!p0 s1  }
0x30f: {  	[bflag:$0x3] =	sbarrier.arrive $0xFFFF  }
0x310: {  	_ =	shalt  }

</sc_bundles>
